<compile_context>
chip_gen: v7x
topology: tpu7x:2x2x1
jax: 0.10.2.dev20260603
libtpu: 0.0.44.dev20260713+nightly
codegen_flags: <defaults>
</compile_context>

<pallas_src>
import functools

import jax
import jax.numpy as jnp
from jax import lax
from jax.experimental import pallas as pl
from jax.experimental.pallas import tpu as pltpu
from jax.experimental.pallas import tpu_sc as plsc

N = 10000
D = 128
EMB = 64
E = 320000
NC, NS = 2, 16
NW = NC * NS
K = 128
EPW = 10240
CH = EPW // K
IH = CH // 2
EPAD = NW * EPW
TCH = EPAD // K
Q0 = 148
Q1 = 12
NPAD = 10112
TR = NPAD // NS

_mesh = plsc.VectorSubcoreMesh(core_axis_name="c", subcore_axis_name="s")


def _fill(ref, nrows, val):
    def body(i, _):
        ref[i // 8, pl.ds((i % 8) * 16, 16)] = jnp.full((16,), val, jnp.float32)
        return 0
    lax.fori_loop(0, nrows * 8, body, 0)


def _zero_slab(zsrc, acc_s, base):
    for j in range(TR // K):
        pltpu.sync_copy(zsrc, acc_s.at[pl.ds(base + j * K, K)])
    rem = TR - (TR // K) * K
    if rem:
        pltpu.sync_copy(zsrc.at[pl.ds(0, rem)],
                        acc_s.at[pl.ds(base + (TR // K) * K, rem)])


@functools.partial(
    pl.kernel,
    out_type=jax.ShapeDtypeStruct((NC, NPAD, D), jnp.float32),
    mesh=_mesh,
    scratch_types=[
        pltpu.VMEM((4, K), jnp.int32),
        pltpu.VMEM((4, K), jnp.int32),
        pltpu.VMEM((K, D), jnp.float32),
        pltpu.VMEM((K, D), jnp.float32),
        pltpu.SemaphoreType.DMA,
        pltpu.SemaphoreType.DMA,
        pltpu.VMEM_SHARED((NPAD, D), jnp.float32),
    ],
)
def _sc_sum(x_hbm, src_hbm, dst_hbm, sum_out,
            sidx, didx, rows0, rows1, g0, g1, acc_s):
    c = lax.axis_index("c")
    s = lax.axis_index("s")
    base = s * TR
    rows = (rows0, rows1)
    gsem = (g0, g1)

    _fill(rows0, K, 0.0)
    _zero_slab(rows0, acc_s, base)

    plsc.subcore_barrier()

    def issue_gather(j, b):
        for h in range(2):
            pltpu.async_copy(x_hbm.at[sidx.at[j, pl.ds(64 * h, 64)]],
                             rows[b].at[pl.ds(64 * h, 64)], gsem[b])

    def run_range(w0, nstages):
        def stage_body(g, _):
            ch0 = w0 + 4 * g
            pltpu.sync_copy(src_hbm.at[0, pl.ds(ch0, 4)], sidx)
            pltpu.sync_copy(dst_hbm.at[0, pl.ds(ch0, 4)], didx)
            issue_gather(0, 0)
            issue_gather(1, 1)
            for j in range(4):
                b = j % 2
                pltpu.make_async_copy(x_hbm.at[pl.ds(0, K)], rows[b],
                                      gsem[b]).wait()
                pltpu.sync_copy(rows[b], acc_s.at[didx.at[j]], add=True)
                if j + 2 < 4:
                    issue_gather(j + 2, b)
            return 0
        lax.fori_loop(0, nstages, stage_body, 0)

    @pl.when(c == 0)
    def _():
        run_range(s * Q0, Q0 // 4)

    @pl.when(c == 1)
    def _():
        run_range(NS * Q0 + s * Q1, Q1 // 4)

    plsc.subcore_barrier()

    pltpu.sync_copy(acc_s.at[pl.ds(base, TR)], sum_out.at[c, pl.ds(base, TR)])


@functools.partial(
    pl.kernel,
    out_type=jax.ShapeDtypeStruct((NC, NPAD, D), jnp.float32),
    mesh=_mesh,
    scratch_types=[
        pltpu.VMEM((IH, K), jnp.int32),
        pltpu.VMEM((K, D), jnp.float32),
        pltpu.SemaphoreType.DMA,
        pltpu.VMEM_SHARED((NPAD, D), jnp.float32),
    ],
)
def _sc_ones(dst_hbm, cnt_out, didx, ones_v, ssem, acc_s):
    c = lax.axis_index("c")
    s = lax.axis_index("s")
    w = c * NS + s
    base = s * TR

    _fill(ones_v, K, 0.0)
    _zero_slab(ones_v, acc_s, base)
    _fill(ones_v, K, 1.0)

    plsc.subcore_barrier()

    def drain():
        pltpu.make_async_copy(ones_v, acc_s.at[pl.ds(0, K)], ssem).wait()

    def edge_body(i, _):
        pltpu.async_copy(ones_v, acc_s.at[didx.at[i]], ssem, add=True)

        @pl.when(i >= 3)
        def _():
            drain()
        return 0

    for half in range(2):
        pltpu.sync_copy(dst_hbm.at[0, pl.ds(w * CH + half * IH, IH)], didx)
        lax.fori_loop(0, IH, edge_body, 0)
        for _ in range(3):
            drain()

    plsc.subcore_barrier()

    pltpu.sync_copy(acc_s.at[pl.ds(base, TR)], cnt_out.at[c, pl.ds(base, TR)])


_BM = 400
_G = N // _BM


def _dotT(a, b):
    return lax.dot_general(a, b, (((1,), (1,)), ((), ())),
                           preferred_element_type=jnp.float32)


def _tc1_body(p_ref, c_ref, x_ref, wl_ref, wr_ref, b_ref, o_ref):
    cnt = jnp.maximum(c_ref[0, :, 0:1] + c_ref[1, :, 0:1], 1.0)
    mean = (p_ref[0] + p_ref[1]) / cnt
    h = _dotT(mean, wl_ref[...]) + _dotT(x_ref[...], wr_ref[...]) + b_ref[...]
    o_ref[...] = jnp.maximum(h, 0.0)


_tc1 = pl.pallas_call(
    _tc1_body,
    grid=(_G,),
    in_specs=[
        pl.BlockSpec((NC, _BM, D), lambda i: (0, i, 0)),
        pl.BlockSpec((NC, _BM, D), lambda i: (0, i, 0)),
        pl.BlockSpec((_BM, D), lambda i: (i, 0)),
        pl.BlockSpec((D, D), lambda i: (0, 0)),
        pl.BlockSpec((D, D), lambda i: (0, 0)),
        pl.BlockSpec((1, D), lambda i: (0, 0)),
    ],
    out_specs=pl.BlockSpec((_BM, D), lambda i: (i, 0)),
    out_shape=jax.ShapeDtypeStruct((N, D), jnp.float32),
)


def _tc2_body(q_ref, c_ref, h_ref, w2l_ref, w2r_ref, b2_ref,
              wm1_ref, bm1_ref, g2_ref, bt_ref, wm2_ref, bm2_ref, o_ref):
    cnt = jnp.maximum(c_ref[0, :, 0:1] + c_ref[1, :, 0:1], 1.0)
    mean = (q_ref[0] + q_ref[1]) / cnt
    h2 = _dotT(mean, w2l_ref[...]) + _dotT(h_ref[...], w2r_ref[...]) + b2_ref[...]
    h2 = jnp.maximum(h2, 0.0)
    z = (_dotT(h2, wm1_ref[...]) + bm1_ref[...]) * g2_ref[...] + bt_ref[...]
    z = jnp.maximum(z, 0.0)
    o_ref[...] = _dotT(z, wm2_ref[...]) + bm2_ref[...]


_tc2 = pl.pallas_call(
    _tc2_body,
    grid=(_G,),
    in_specs=[
        pl.BlockSpec((NC, _BM, D), lambda i: (0, i, 0)),
        pl.BlockSpec((NC, _BM, D), lambda i: (0, i, 0)),
        pl.BlockSpec((_BM, D), lambda i: (i, 0)),
        pl.BlockSpec((D, D), lambda i: (0, 0)),
        pl.BlockSpec((D, D), lambda i: (0, 0)),
        pl.BlockSpec((1, D), lambda i: (0, 0)),
        pl.BlockSpec((D, D), lambda i: (0, 0)),
        pl.BlockSpec((1, D), lambda i: (0, 0)),
        pl.BlockSpec((1, D), lambda i: (0, 0)),
        pl.BlockSpec((1, D), lambda i: (0, 0)),
        pl.BlockSpec((EMB, D), lambda i: (0, 0)),
        pl.BlockSpec((1, EMB), lambda i: (0, 0)),
    ],
    out_specs=pl.BlockSpec((_BM, EMB), lambda i: (i, 0)),
    out_shape=jax.ShapeDtypeStruct((N, EMB), jnp.float32),
)


def kernel(x, edge_index, W1l, b1l, W1r, W2l, b2l, W2r,
           Wm1, bm1, gamma, beta, Wm2, bm2):
    ei = edge_index.astype(jnp.int32)
    pad = EPAD - E
    src_p = jnp.concatenate([ei[0], jnp.zeros((pad,), jnp.int32)]).reshape(1, TCH, K)
    dst_p = jnp.concatenate([ei[1], jnp.full((pad,), N, jnp.int32)]).reshape(1, TCH, K)

    c1 = _sc_ones(dst_p)
    s1 = _sc_sum(x, src_p, dst_p)
    h = _tc1(s1, c1, x, W1l, W1r, b1l.reshape(1, D))
    s2 = _sc_sum(h, src_p, dst_p)
    g2 = (gamma / jnp.sqrt(1.0 + 1e-5)).reshape(1, D)
    out = _tc2(s2, c1, h, W2l, W2r, b2l.reshape(1, D),
               Wm1, bm1.reshape(1, D), g2, beta.reshape(1, D),
               Wm2, bm2.reshape(1, EMB))
    return out

# --- scband reference (transcript-rebuilt; emitter-appended) ---
"""Pipeline reference for scband-sage2-hop-encoder-34419867910898 (READ-ONLY COPY).

The authoritative reference and input builder live on the scoring server;
editing this copy changes nothing except your own understanding.
"""

import jax, jax.numpy as jnp
import numpy as np

N_NODES = 10000
N_EDGES = 320000
D_IN = 128
EMB = 64
H = 2 * EMB  # 128


def setup_inputs(seed: int = 0) -> dict:
    key = jax.random.key(seed)
    ks = jax.random.split(key, 16)
    x = jax.random.normal(ks[0], (N_NODES, D_IN), dtype=jnp.float32)
    edge_index = jax.random.randint(ks[1], (2, N_EDGES), 0, N_NODES, dtype=jnp.int64)
    s1 = 1.0 / np.sqrt(D_IN)
    s2 = 1.0 / np.sqrt(H)
    W1l = jax.random.uniform(ks[2], (H, D_IN), jnp.float32, -s1, s1)
    b1l = jax.random.uniform(ks[3], (H,), jnp.float32, -s1, s1)
    W1r = jax.random.uniform(ks[4], (H, D_IN), jnp.float32, -s1, s1)
    W2l = jax.random.uniform(ks[5], (H, H), jnp.float32, -s2, s2)
    b2l = jax.random.uniform(ks[6], (H,), jnp.float32, -s2, s2)
    W2r = jax.random.uniform(ks[7], (H, H), jnp.float32, -s2, s2)
    Wm1 = jax.random.uniform(ks[8], (H, H), jnp.float32, -s2, s2)
    bm1 = jax.random.uniform(ks[9], (H,), jnp.float32, -s2, s2)
    gamma = jnp.ones((H,), jnp.float32)
    beta = jnp.zeros((H,), jnp.float32)
    Wm2 = jax.random.uniform(ks[10], (EMB, H), jnp.float32, -s2, s2)
    bm2 = jax.random.uniform(ks[11], (EMB,), jnp.float32, -s2, s2)
    return {"x": x, "edge_index": edge_index, "W1l": W1l, "b1l": b1l, "W1r": W1r,
            "W2l": W2l, "b2l": b2l, "W2r": W2r, "Wm1": Wm1, "bm1": bm1,
            "gamma": gamma, "beta": beta, "Wm2": Wm2, "bm2": bm2}


def _sage_conv(x, src, dst, n, Wl, bl, Wr):
    # PyG SAGEConv with mean aggregation: lin_l(mean_j x_j) + lin_r(x_i)
    msg = jnp.take(x, src, axis=0)
    agg = jax.ops.segment_sum(msg, dst, num_segments=n)
    cnt = jax.ops.segment_sum(jnp.ones((src.shape[0], 1), x.dtype), dst, num_segments=n)
    mean = agg / jnp.clip(cnt, 1.0, None)
    return mean @ Wl.T + bl + x @ Wr.T


def reference(x, edge_index, W1l, b1l, W1r, W2l, b2l, W2r, Wm1, bm1, gamma, beta, Wm2, bm2):
    n = x.shape[0]
    src = edge_index[0]
    dst = edge_index[1]
    h = jax.nn.relu(_sage_conv(x, src, dst, n, W1l, b1l, W1r))
    h = jax.nn.relu(_sage_conv(h, src, dst, n, W2l, b2l, W2r))
    # MLP([2*emb, 2*emb, emb], dropout=0.5) in eval mode:
    # Linear -> BatchNorm(eval, running stats 0/1) -> ReLU -> (dropout=identity) -> Linear
    z = h @ Wm1.T + bm1
    z = (z - 0.0) / jnp.sqrt(1.0 + 1e-5) * gamma + beta
    z = jax.nn.relu(z)
    out = z @ Wm2.T + bm2
    return out

if __name__ == "__main__":
    import jax
    _d = setup_inputs()
    print(jax.jit(kernel)(*tuple(_d.values())))

</pallas_src>

<mosaic_0001>
#map = affine_map<(d0, d1) -> (0, 0)>
#map1 = affine_map<(d0, d1) -> (0, 0, 0)>
module attributes {stable_mosaic.version = 14 : i64} {
  func.func @_sc_sum(%arg0: i32, %arg1: i32, %arg2: memref<10000x128xf32, #tpu.memory_space<hbm>>, %arg3: memref<1x2560x128xi32, #tpu.memory_space<hbm>>, %arg4: memref<1x2560x128xi32, #tpu.memory_space<hbm>>, %arg5: memref<2x10112x128xf32, #tpu.memory_space<hbm>>, %arg6: memref<4x128xi32, #tpu.memory_space<vmem>>, %arg7: memref<4x128xi32, #tpu.memory_space<vmem>>, %arg8: memref<128x128xf32, #tpu.memory_space<vmem>>, %arg9: memref<128x128xf32, #tpu.memory_space<vmem>>, %arg10: memref<!tpu.dma_semaphore, #tpu.memory_space<semaphore_mem>>, %arg11: memref<!tpu.dma_semaphore, #tpu.memory_space<semaphore_mem>>, %arg12: memref<10112x128xf32, #tpu.memory_space<vmem_shared>>) attributes {dimension_semantics = [#tpu.dimension_semantics<core_parallel>, #tpu.dimension_semantics<subcore_parallel>], iteration_bounds = array<i64: 2, 16>, scalar_prefetch = 0 : i64, scratch_operands = 7 : i64, tpu.core_type = #tpu.core_type<sc_vector_subcore>, window_params = [{transform_indices = #map}, {transform_indices = #map1}, {transform_indices = #map1}, {transform_indices = #map1}]} {
    %mul3A = arith.constant 632 : i32
    %mul3A_0 = arith.muli %arg1, %mul3A : i32
    %scan3A = arith.constant 0 : i32
    %scan3A_1 = arith.constant 0 : i32
    %scan3A_2 = arith.constant 1024 : i32
    %scan3A_3 = arith.addi %scan3A_1, %scan3A_2 : i32
    %scan3A_4 = arith.constant 1 : i32
    %scan3A_5 = scf.for %scan3A_24 = %scan3A_1 to %scan3A_3 step %scan3A_4 iter_args(%scan3A_25 = %scan3A) -> (i32)  : i32 {
      %broadcast_in_dim3A = arith.constant 0.000000e+00 : f32
      %broadcast_in_dim3A_26 = vector.broadcast %broadcast_in_dim3A : f32 to vector<16xf32>
      %jit3A = arith.constant 8 : i32
      %div3A = arith.divsi %scan3A_24, %jit3A : i32
      %sign3A = arith.constant 0 : i32
      %sign3A_27 = arith.cmpi sgt, %scan3A_24, %sign3A : i32
      %sign3A_28 = arith.extui %sign3A_27 : i1 to i32
      %sign3A_29 = arith.constant 0 : i32
      %sign3A_30 = arith.cmpi slt, %scan3A_24, %sign3A_29 : i32
      %sign3A_31 = arith.extui %sign3A_30 : i1 to i32
      %sign3A_32 = arith.subi %sign3A_28, %sign3A_31 : i32
      %sign3A_33 = arith.constant 0 : i32
      %sign3A_34 = arith.cmpi sgt, %jit3A, %sign3A_33 : i32
      %sign3A_35 = arith.extui %sign3A_34 : i1 to i32
      %sign3A_36 = arith.constant 0 : i32
      %sign3A_37 = arith.cmpi slt, %jit3A, %sign3A_36 : i32
      %sign3A_38 = arith.extui %sign3A_37 : i1 to i32
      %sign3A_39 = arith.subi %sign3A_35, %sign3A_38 : i32
      %ne3A = arith.cmpi ne, %sign3A_32, %sign3A_39 : i32
      %rem3A = arith.remsi %scan3A_24, %jit3A : i32
      %ne3A_40 = arith.constant 0 : i32
      %ne3A_41 = arith.cmpi ne, %rem3A, %ne3A_40 : i32
      %and3A = arith.andi %ne3A, %ne3A_41 : i1
      %sub3A = arith.constant 1 : i32
      %sub3A_42 = arith.subi %div3A, %sub3A : i32
      %select_n3A = arith.select %and3A, %sub3A_42, %div3A : i32
      %jit3A_43 = arith.constant 8 : i32
      %eq3A_44 = arith.constant 0 : i32
      %eq3A_45 = arith.cmpi eq, %jit3A_43, %eq3A_44 : i32
      %jit3A_46 = arith.constant 1 : i32
      %select_n3A_47 = arith.select %eq3A_45, %jit3A_46, %jit3A_43 : i32
      %rem3A_48 = arith.remsi %scan3A_24, %select_n3A_47 : i32
      %ne3A_49 = arith.constant 0 : i32
      %ne3A_50 = arith.cmpi ne, %rem3A_48, %ne3A_49 : i32
      %lt3A = arith.constant 0 : i32
      %lt3A_51 = arith.cmpi slt, %rem3A_48, %lt3A : i32
      %lt3A_52 = arith.constant 0 : i32
      %lt3A_53 = arith.cmpi slt, %select_n3A_47, %lt3A_52 : i32
      %ne3A_54 = arith.xori %lt3A_51, %lt3A_53 : i1
      %and3A_55 = arith.andi %ne3A_54, %ne3A_50 : i1
      %add3A_56 = arith.addi %rem3A_48, %select_n3A_47 : i32
      %select_n3A_57 = arith.select %and3A_55, %add3A_56, %rem3A_48 : i32
      %mul3A_58 = arith.constant 16 : i32
      %mul3A_59 = arith.muli %select_n3A_57, %mul3A_58 : i32
      %swap3A = arith.index_cast %select_n3A : i32 to index
      %swap3A_60 = arith.index_cast %mul3A_59 : i32 to index
      %swap3A_61 = tpu.vector_load %arg8[%swap3A, %swap3A_60] {strides = array<i32>} : memref<128x128xf32, #tpu.memory_space<vmem>>, vector<1x16xf32>,
      %swap3A_62 = vector.shape_cast %swap3A_61 : vector<1x16xf32> to vector<16xf32>
      %swap3A_63 = vector.shape_cast %broadcast_in_dim3A_26 : vector<16xf32> to vector<1x16xf32>
      tpu.vector_store %arg8[%swap3A, %swap3A_60], %swap3A_63 {strides = array<i32>} : memref<128x128xf32, #tpu.memory_space<vmem>>, vector<1x16xf32>,
      %scan3A_64 = arith.constant 0 : i32
      scf.yield %scan3A_64 : i32
    }
    %scan3A_6 = arith.constant 1024 : i32
    %add3A = arith.constant 0 : i32
    %add3A_7 = arith.addi %mul3A_0, %add3A : i32
    "tpu.region"() ({
      %run_scoped3A = tpu.sem_alloc : memref<!tpu.dma_semaphore, #tpu.memory_space<semaphore_mem>>
      %dma_start3A = arith.constant 0 : i32
      %dma_start3A_24 = tpu.memref_slice %arg12[%add3A_7, %dma_start3A] : memref<10112x128xf32, #tpu.memory_space<vmem_shared>> -> memref<128x128xf32, #tpu.memory_space<vmem_shared>>
      %dma_start3A_25 = arith.constant 0 : i32
      %dma_start3A_26 = tpu.memref_slice %arg12[%add3A_7, %dma_start3A_25] : memref<10112x128xf32, #tpu.memory_space<vmem_shared>> -> memref<128x128xf32, #tpu.memory_space<vmem_shared>>
      tpu.enqueue_dma source(%arg8 : memref<128x128xf32, #tpu.memory_space<vmem>>) target(%dma_start3A_26 : memref<128x128xf32, #tpu.memory_space<vmem_shared>>) target_semaphore(%run_scoped3A : memref<!tpu.dma_semaphore, #tpu.memory_space<semaphore_mem>>)
      %dma_wait3A = arith.constant 0 : i32
      %dma_wait3A_27 = tpu.memref_slice %arg12[%add3A_7, %dma_wait3A] : memref<10112x128xf32, #tpu.memory_space<vmem_shared>> -> memref<128x128xf32, #tpu.memory_space<vmem_shared>>
      %dma_wait3A_28 = arith.constant 0 : i32
      %dma_wait3A_29 = tpu.memref_slice %arg12[%add3A_7, %dma_wait3A_28] : memref<10112x128xf32, #tpu.memory_space<vmem_shared>> -> memref<128x128xf32, #tpu.memory_space<vmem_shared>>
      tpu.wait_dma2 semaphore(%run_scoped3A : memref<!tpu.dma_semaphore, #tpu.memory_space<semaphore_mem>>) src(%arg8 : memref<128x128xf32, #tpu.memory_space<vmem>>) dst(%dma_wait3A_29 : memref<128x128xf32, #tpu.memory_space<vmem_shared>>)
      tpu.yield
    }) : () -> ()
    %add3A_8 = arith.constant 128 : i32
    %add3A_9 = arith.addi %mul3A_0, %add3A_8 : i32
    "tpu.region"() ({
      %run_scoped3A = tpu.sem_alloc : memref<!tpu.dma_semaphore, #tpu.memory_space<semaphore_mem>>
      %dma_start3A = arith.constant 0 : i32
      %dma_start3A_24 = tpu.memref_slice %arg12[%add3A_9, %dma_start3A] : memref<10112x128xf32, #tpu.memory_space<vmem_shared>> -> memref<128x128xf32, #tpu.memory_space<vmem_shared>>
      %dma_start3A_25 = arith.constant 0 : i32
      %dma_start3A_26 = tpu.memref_slice %arg12[%add3A_9, %dma_start3A_25] : memref<10112x128xf32, #tpu.memory_space<vmem_shared>> -> memref<128x128xf32, #tpu.memory_space<vmem_shared>>
      tpu.enqueue_dma source(%arg8 : memref<128x128xf32, #tpu.memory_space<vmem>>) target(%dma_start3A_26 : memref<128x128xf32, #tpu.memory_space<vmem_shared>>) target_semaphore(%run_scoped3A : memref<!tpu.dma_semaphore, #tpu.memory_space<semaphore_mem>>)
      %dma_wait3A = arith.constant 0 : i32
      %dma_wait3A_27 = tpu.memref_slice %arg12[%add3A_9, %dma_wait3A] : memref<10112x128xf32, #tpu.memory_space<vmem_shared>> -> memref<128x128xf32, #tpu.memory_space<vmem_shared>>
      %dma_wait3A_28 = arith.constant 0 : i32
      %dma_wait3A_29 = tpu.memref_slice %arg12[%add3A_9, %dma_wait3A_28] : memref<10112x128xf32, #tpu.memory_space<vmem_shared>> -> memref<128x128xf32, #tpu.memory_space<vmem_shared>>
      tpu.wait_dma2 semaphore(%run_scoped3A : memref<!tpu.dma_semaphore, #tpu.memory_space<semaphore_mem>>) src(%arg8 : memref<128x128xf32, #tpu.memory_space<vmem>>) dst(%dma_wait3A_29 : memref<128x128xf32, #tpu.memory_space<vmem_shared>>)
      tpu.yield
    }) : () -> ()
    %add3A_10 = arith.constant 256 : i32
    %add3A_11 = arith.addi %mul3A_0, %add3A_10 : i32
    "tpu.region"() ({
      %run_scoped3A = tpu.sem_alloc : memref<!tpu.dma_semaphore, #tpu.memory_space<semaphore_mem>>
      %dma_start3A = arith.constant 0 : i32
      %dma_start3A_24 = tpu.memref_slice %arg12[%add3A_11, %dma_start3A] : memref<10112x128xf32, #tpu.memory_space<vmem_shared>> -> memref<128x128xf32, #tpu.memory_space<vmem_shared>>
      %dma_start3A_25 = arith.constant 0 : i32
      %dma_start3A_26 = tpu.memref_slice %arg12[%add3A_11, %dma_start3A_25] : memref<10112x128xf32, #tpu.memory_space<vmem_shared>> -> memref<128x128xf32, #tpu.memory_space<vmem_shared>>
      tpu.enqueue_dma source(%arg8 : memref<128x128xf32, #tpu.memory_space<vmem>>) target(%dma_start3A_26 : memref<128x128xf32, #tpu.memory_space<vmem_shared>>) target_semaphore(%run_scoped3A : memref<!tpu.dma_semaphore, #tpu.memory_space<semaphore_mem>>)
      %dma_wait3A = arith.constant 0 : i32
      %dma_wait3A_27 = tpu.memref_slice %arg12[%add3A_11, %dma_wait3A] : memref<10112x128xf32, #tpu.memory_space<vmem_shared>> -> memref<128x128xf32, #tpu.memory_space<vmem_shared>>
      %dma_wait3A_28 = arith.constant 0 : i32
      %dma_wait3A_29 = tpu.memref_slice %arg12[%add3A_11, %dma_wait3A_28] : memref<10112x128xf32, #tpu.memory_space<vmem_shared>> -> memref<128x128xf32, #tpu.memory_space<vmem_shared>>
      tpu.wait_dma2 semaphore(%run_scoped3A : memref<!tpu.dma_semaphore, #tpu.memory_space<semaphore_mem>>) src(%arg8 : memref<128x128xf32, #tpu.memory_space<vmem>>) dst(%dma_wait3A_29 : memref<128x128xf32, #tpu.memory_space<vmem_shared>>)
      tpu.yield
    }) : () -> ()
    %add3A_12 = arith.constant 384 : i32
    %add3A_13 = arith.addi %mul3A_0, %add3A_12 : i32
    "tpu.region"() ({
      %run_scoped3A = tpu.sem_alloc : memref<!tpu.dma_semaphore, #tpu.memory_space<semaphore_mem>>
      %dma_start3A = arith.constant 0 : i32
      %dma_start3A_24 = tpu.memref_slice %arg12[%add3A_13, %dma_start3A] : memref<10112x128xf32, #tpu.memory_space<vmem_shared>> -> memref<128x128xf32, #tpu.memory_space<vmem_shared>>
      %dma_start3A_25 = arith.constant 0 : i32
      %dma_start3A_26 = tpu.memref_slice %arg12[%add3A_13, %dma_start3A_25] : memref<10112x128xf32, #tpu.memory_space<vmem_shared>> -> memref<128x128xf32, #tpu.memory_space<vmem_shared>>
      tpu.enqueue_dma source(%arg8 : memref<128x128xf32, #tpu.memory_space<vmem>>) target(%dma_start3A_26 : memref<128x128xf32, #tpu.memory_space<vmem_shared>>) target_semaphore(%run_scoped3A : memref<!tpu.dma_semaphore, #tpu.memory_space<semaphore_mem>>)
      %dma_wait3A = arith.constant 0 : i32
      %dma_wait3A_27 = tpu.memref_slice %arg12[%add3A_13, %dma_wait3A] : memref<10112x128xf32, #tpu.memory_space<vmem_shared>> -> memref<128x128xf32, #tpu.memory_space<vmem_shared>>
      %dma_wait3A_28 = arith.constant 0 : i32
      %dma_wait3A_29 = tpu.memref_slice %arg12[%add3A_13, %dma_wait3A_28] : memref<10112x128xf32, #tpu.memory_space<vmem_shared>> -> memref<128x128xf32, #tpu.memory_space<vmem_shared>>
      tpu.wait_dma2 semaphore(%run_scoped3A : memref<!tpu.dma_semaphore, #tpu.memory_space<semaphore_mem>>) src(%arg8 : memref<128x128xf32, #tpu.memory_space<vmem>>) dst(%dma_wait3A_29 : memref<128x128xf32, #tpu.memory_space<vmem_shared>>)
      tpu.yield
    }) : () -> ()
    %add3A_14 = arith.constant 512 : i32
    %add3A_15 = arith.addi %mul3A_0, %add3A_14 : i32
    "tpu.region"() ({
      %run_scoped3A = tpu.sem_alloc : memref<!tpu.dma_semaphore, #tpu.memory_space<semaphore_mem>>
      %dma_start3A = arith.constant 0 : i32
      %dma_start3A_24 = arith.constant 0 : i32
      %dma_start3A_25 = tpu.memref_slice %arg8[%dma_start3A, %dma_start3A_24] : memref<128x128xf32, #tpu.memory_space<vmem>> -> memref<120x128xf32, #tpu.memory_space<vmem>>
      %dma_start3A_26 = arith.constant 0 : i32
      %dma_start3A_27 = tpu.memref_slice %arg12[%add3A_15, %dma_start3A_26] : memref<10112x128xf32, #tpu.memory_space<vmem_shared>> -> memref<120x128xf32, #tpu.memory_space<vmem_shared>>
      %dma_start3A_28 = arith.constant 0 : i32
      %dma_start3A_29 = tpu.memref_slice %arg12[%add3A_15, %dma_start3A_28] : memref<10112x128xf32, #tpu.memory_space<vmem_shared>> -> memref<120x128xf32, #tpu.memory_space<vmem_shared>>
      %dma_start3A_30 = arith.constant 0 : i32
      %dma_start3A_31 = arith.constant 0 : i32
      %dma_start3A_32 = tpu.memref_slice %arg8[%dma_start3A_30, %dma_start3A_31] : memref<128x128xf32, #tpu.memory_space<vmem>> -> memref<120x128xf32, #tpu.memory_space<vmem>>
      tpu.enqueue_dma source(%dma_start3A_32 : memref<120x128xf32, #tpu.memory_space<vmem>>) target(%dma_start3A_29 : memref<120x128xf32, #tpu.memory_space<vmem_shared>>) target_semaphore(%run_scoped3A : memref<!tpu.dma_semaphore, #tpu.memory_space<semaphore_mem>>)
      %dma_wait3A = arith.constant 0 : i32
      %dma_wait3A_33 = arith.constant 0 : i32
      %dma_wait3A_34 = tpu.memref_slice %arg8[%dma_wait3A, %dma_wait3A_33] : memref<128x128xf32, #tpu.memory_space<vmem>> -> memref<120x128xf32, #tpu.memory_space<vmem>>
      %dma_wait3A_35 = arith.constant 0 : i32
      %dma_wait3A_36 = tpu.memref_slice %arg12[%add3A_15, %dma_wait3A_35] : memref<10112x128xf32, #tpu.memory_space<vmem_shared>> -> memref<120x128xf32, #tpu.memory_space<vmem_shared>>
      %dma_wait3A_37 = arith.constant 0 : i32
      %dma_wait3A_38 = tpu.memref_slice %arg12[%add3A_15, %dma_wait3A_37] : memref<10112x128xf32, #tpu.memory_space<vmem_shared>> -> memref<120x128xf32, #tpu.memory_space<vmem_shared>>
      %dma_wait3A_39 = arith.constant 0 : i32
      %dma_wait3A_40 = arith.constant 0 : i32
      %dma_wait3A_41 = tpu.memref_slice %arg8[%dma_wait3A_39, %dma_wait3A_40] : memref<128x128xf32, #tpu.memory_space<vmem>> -> memref<120x128xf32, #tpu.memory_space<vmem>>
      tpu.wait_dma2 semaphore(%run_scoped3A : memref<!tpu.dma_semaphore, #tpu.memory_space<semaphore_mem>>) src(%dma_wait3A_41 : memref<120x128xf32, #tpu.memory_space<vmem>>) dst(%dma_wait3A_38 : memref<120x128xf32, #tpu.memory_space<vmem_shared>>)
      tpu.yield
    }) : () -> ()
    %barrier3A = arith.constant 0 : index
    tpu.barrier barrier_id(%barrier3A)
    %eq3A = arith.constant 0 : i32
    %eq3A_16 = arith.cmpi eq, %arg0, %eq3A : i32
    %convert_element_type3A = arith.extui %eq3A_16 : i1 to i32
    %cond3A = arith.constant 0 : i32
    %cond3A_17 = arith.cmpi ne, %convert_element_type3A, %cond3A : i32
    scf.if %cond3A_17 {
      %mul3A_24 = arith.constant 148 : i32
      %mul3A_25 = arith.muli %arg1, %mul3A_24 : i32
      %scan3A_26 = arith.constant 0 : i32
      %scan3A_27 = arith.constant 0 : i32
      %scan3A_28 = arith.constant 37 : i32
      %scan3A_29 = arith.addi %scan3A_27, %scan3A_28 : i32
      %scan3A_30 = arith.constant 1 : i32
      %scan3A_31 = scf.for %scan3A_33 = %scan3A_27 to %scan3A_29 step %scan3A_30 iter_args(%scan3A_34 = %scan3A_26) -> (i32)  : i32 {
        %mul3A_35 = arith.constant 4 : i32
        %mul3A_36 = arith.muli %mul3A_35, %scan3A_33 : i32
        %add3A_37 = arith.addi %mul3A_25, %mul3A_36 : i32
        %run_scoped3A = arith.constant 0 : i32
        "tpu.region"() ({
          %run_scoped3A_146 = tpu.sem_alloc : memref<!tpu.dma_semaphore, #tpu.memory_space<semaphore_mem>>
          %dma_start3A_147 = arith.constant 0 : i32
          %dma_start3A_148 = tpu.memref_slice %arg3[%run_scoped3A, %add3A_37, %dma_start3A_147] : memref<1x2560x128xi32, #tpu.memory_space<hbm>> -> memref<1x4x128xi32, #tpu.memory_space<hbm>>
          %dma_start3A_149 = tpu.memref_squeeze %dma_start3A_148 : memref<1x4x128xi32, #tpu.memory_space<hbm>> -> memref<4x128xi32, #tpu.memory_space<hbm>>
          %dma_start3A_150 = arith.constant 0 : i32
          %dma_start3A_151 = tpu.memref_slice %arg3[%run_scoped3A, %add3A_37, %dma_start3A_150] : memref<1x2560x128xi32, #tpu.memory_space<hbm>> -> memref<1x4x128xi32, #tpu.memory_space<hbm>>
          %dma_start3A_152 = tpu.memref_squeeze %dma_start3A_151 : memref<1x4x128xi32, #tpu.memory_space<hbm>> -> memref<4x128xi32, #tpu.memory_space<hbm>>
          tpu.enqueue_dma source(%dma_start3A_152 : memref<4x128xi32, #tpu.memory_space<hbm>>) target(%arg6 : memref<4x128xi32, #tpu.memory_space<vmem>>) target_semaphore(%run_scoped3A_146 : memref<!tpu.dma_semaphore, #tpu.memory_space<semaphore_mem>>)
          %dma_wait3A_153 = arith.constant 0 : i32
          %dma_wait3A_154 = tpu.memref_slice %arg3[%run_scoped3A, %add3A_37, %dma_wait3A_153] : memref<1x2560x128xi32, #tpu.memory_space<hbm>> -> memref<1x4x128xi32, #tpu.memory_space<hbm>>
          %dma_wait3A_155 = tpu.memref_squeeze %dma_wait3A_154 : memref<1x4x128xi32, #tpu.memory_space<hbm>> -> memref<4x128xi32, #tpu.memory_space<hbm>>
          %dma_wait3A_156 = arith.constant 0 : i32
          %dma_wait3A_157 = tpu.memref_slice %arg3[%run_scoped3A, %add3A_37, %dma_wait3A_156] : memref<1x2560x128xi32, #tpu.memory_space<hbm>> -> memref<1x4x128xi32, #tpu.memory_space<hbm>>
          %dma_wait3A_158 = tpu.memref_squeeze %dma_wait3A_157 : memref<1x4x128xi32, #tpu.memory_space<hbm>> -> memref<4x128xi32, #tpu.memory_space<hbm>>
          tpu.wait_dma2 semaphore(%run_scoped3A_146 : memref<!tpu.dma_semaphore, #tpu.memory_space<semaphore_mem>>) src(%dma_wait3A_158 : memref<4x128xi32, #tpu.memory_space<hbm>>) dst(%arg6 : memref<4x128xi32, #tpu.memory_space<vmem>>)
          tpu.yield
        }) : () -> ()
        %run_scoped3A_38 = arith.constant 0 : i32
        "tpu.region"() ({
          %run_scoped3A_146 = tpu.sem_alloc : memref<!tpu.dma_semaphore, #tpu.memory_space<semaphore_mem>>
          %dma_start3A_147 = arith.constant 0 : i32
          %dma_start3A_148 = tpu.memref_slice %arg4[%run_scoped3A_38, %add3A_37, %dma_start3A_147] : memref<1x2560x128xi32, #tpu.memory_space<hbm>> -> memref<1x4x128xi32, #tpu.memory_space<hbm>>
          %dma_start3A_149 = tpu.memref_squeeze %dma_start3A_148 : memref<1x4x128xi32, #tpu.memory_space<hbm>> -> memref<4x128xi32, #tpu.memory_space<hbm>>
          %dma_start3A_150 = arith.constant 0 : i32
          %dma_start3A_151 = tpu.memref_slice %arg4[%run_scoped3A_38, %add3A_37, %dma_start3A_150] : memref<1x2560x128xi32, #tpu.memory_space<hbm>> -> memref<1x4x128xi32, #tpu.memory_space<hbm>>
          %dma_start3A_152 = tpu.memref_squeeze %dma_start3A_151 : memref<1x4x128xi32, #tpu.memory_space<hbm>> -> memref<4x128xi32, #tpu.memory_space<hbm>>
          tpu.enqueue_dma source(%dma_start3A_152 : memref<4x128xi32, #tpu.memory_space<hbm>>) target(%arg7 : memref<4x128xi32, #tpu.memory_space<vmem>>) target_semaphore(%run_scoped3A_146 : memref<!tpu.dma_semaphore, #tpu.memory_space<semaphore_mem>>)
          %dma_wait3A_153 = arith.constant 0 : i32
          %dma_wait3A_154 = tpu.memref_slice %arg4[%run_scoped3A_38, %add3A_37, %dma_wait3A_153] : memref<1x2560x128xi32, #tpu.memory_space<hbm>> -> memref<1x4x128xi32, #tpu.memory_space<hbm>>
          %dma_wait3A_155 = tpu.memref_squeeze %dma_wait3A_154 : memref<1x4x128xi32, #tpu.memory_space<hbm>> -> memref<4x128xi32, #tpu.memory_space<hbm>>
          %dma_wait3A_156 = arith.constant 0 : i32
          %dma_wait3A_157 = tpu.memref_slice %arg4[%run_scoped3A_38, %add3A_37, %dma_wait3A_156] : memref<1x2560x128xi32, #tpu.memory_space<hbm>> -> memref<1x4x128xi32, #tpu.memory_space<hbm>>
          %dma_wait3A_158 = tpu.memref_squeeze %dma_wait3A_157 : memref<1x4x128xi32, #tpu.memory_space<hbm>> -> memref<4x128xi32, #tpu.memory_space<hbm>>
          tpu.wait_dma2 semaphore(%run_scoped3A_146 : memref<!tpu.dma_semaphore, #tpu.memory_space<semaphore_mem>>) src(%dma_wait3A_158 : memref<4x128xi32, #tpu.memory_space<hbm>>) dst(%arg7 : memref<4x128xi32, #tpu.memory_space<vmem>>)
          tpu.yield
        }) : () -> ()
        %dma_start3A = arith.constant 0 : i32
        %dma_start3A_39 = arith.constant 0 : i32
        %dma_start3A_40 = arith.constant 0 : i32
        %dma_start3A_41 = tpu.memref_slice %arg8[%dma_start3A_39, %dma_start3A_40] : memref<128x128xf32, #tpu.memory_space<vmem>> -> memref<64x128xf32, #tpu.memory_space<vmem>>
        %dma_start3A_42 = arith.constant 0 : i32
        %dma_start3A_43 = tpu.memref_slice %arg6[%dma_start3A, %dma_start3A_42] : memref<4x128xi32, #tpu.memory_space<vmem>> -> memref<1x64xi32, #tpu.memory_space<vmem>>
        %dma_start3A_44 = tpu.memref_squeeze %dma_start3A_43 : memref<1x64xi32, #tpu.memory_space<vmem>> -> memref<64xi32, #tpu.memory_space<vmem>>
        %dma_start3A_45 = arith.constant 0 : i32
        %dma_start3A_46 = arith.constant 0 : i32
        %dma_start3A_47 = tpu.memref_slice %arg2[%dma_start3A_45, %dma_start3A_46] : memref<10000x128xf32, #tpu.memory_space<hbm>> -> memref<10000x128xf32, #tpu.memory_space<hbm>>
        tpu.enqueue_indirect_dma source(%dma_start3A_47 : memref<10000x128xf32, #tpu.memory_space<hbm>>) target(%dma_start3A_41 : memref<64x128xf32, #tpu.memory_space<vmem>>) offsets(%dma_start3A_44 : memref<64xi32, #tpu.memory_space<vmem>>) semaphore(%arg10 : memref<!tpu.dma_semaphore, #tpu.memory_space<semaphore_mem>>)
        %dma_start3A_48 = arith.constant 0 : i32
        %dma_start3A_49 = arith.constant 64 : i32
        %dma_start3A_50 = arith.constant 0 : i32
        %dma_start3A_51 = tpu.memref_slice %arg8[%dma_start3A_49, %dma_start3A_50] : memref<128x128xf32, #tpu.memory_space<vmem>> -> memref<64x128xf32, #tpu.memory_space<vmem>>
        %dma_start3A_52 = arith.constant 64 : i32
        %dma_start3A_53 = tpu.memref_slice %arg6[%dma_start3A_48, %dma_start3A_52] : memref<4x128xi32, #tpu.memory_space<vmem>> -> memref<1x64xi32, #tpu.memory_space<vmem>>
        %dma_start3A_54 = tpu.memref_squeeze %dma_start3A_53 : memref<1x64xi32, #tpu.memory_space<vmem>> -> memref<64xi32, #tpu.memory_space<vmem>>
        %dma_start3A_55 = arith.constant 0 : i32
        %dma_start3A_56 = arith.constant 0 : i32
        %dma_start3A_57 = tpu.memref_slice %arg2[%dma_start3A_55, %dma_start3A_56] : memref<10000x128xf32, #tpu.memory_space<hbm>> -> memref<10000x128xf32, #tpu.memory_space<hbm>>
        tpu.enqueue_indirect_dma source(%dma_start3A_57 : memref<10000x128xf32, #tpu.memory_space<hbm>>) target(%dma_start3A_51 : memref<64x128xf32, #tpu.memory_space<vmem>>) offsets(%dma_start3A_54 : memref<64xi32, #tpu.memory_space<vmem>>) semaphore(%arg10 : memref<!tpu.dma_semaphore, #tpu.memory_space<semaphore_mem>>)
        %dma_start3A_58 = arith.constant 1 : i32
        %dma_start3A_59 = arith.constant 0 : i32
        %dma_start3A_60 = arith.constant 0 : i32
        %dma_start3A_61 = tpu.memref_slice %arg9[%dma_start3A_59, %dma_start3A_60] : memref<128x128xf32, #tpu.memory_space<vmem>> -> memref<64x128xf32, #tpu.memory_space<vmem>>
        %dma_start3A_62 = arith.constant 0 : i32
        %dma_start3A_63 = tpu.memref_slice %arg6[%dma_start3A_58, %dma_start3A_62] : memref<4x128xi32, #tpu.memory_space<vmem>> -> memref<1x64xi32, #tpu.memory_space<vmem>>
        %dma_start3A_64 = tpu.memref_squeeze %dma_start3A_63 : memref<1x64xi32, #tpu.memory_space<vmem>> -> memref<64xi32, #tpu.memory_space<vmem>>
        %dma_start3A_65 = arith.constant 0 : i32
        %dma_start3A_66 = arith.constant 0 : i32
        %dma_start3A_67 = tpu.memref_slice %arg2[%dma_start3A_65, %dma_start3A_66] : memref<10000x128xf32, #tpu.memory_space<hbm>> -> memref<10000x128xf32, #tpu.memory_space<hbm>>
        tpu.enqueue_indirect_dma source(%dma_start3A_67 : memref<10000x128xf32, #tpu.memory_space<hbm>>) target(%dma_start3A_61 : memref<64x128xf32, #tpu.memory_space<vmem>>) offsets(%dma_start3A_64 : memref<64xi32, #tpu.memory_space<vmem>>) semaphore(%arg11 : memref<!tpu.dma_semaphore, #tpu.memory_space<semaphore_mem>>)
        %dma_start3A_68 = arith.constant 1 : i32
        %dma_start3A_69 = arith.constant 64 : i32
        %dma_start3A_70 = arith.constant 0 : i32
        %dma_start3A_71 = tpu.memref_slice %arg9[%dma_start3A_69, %dma_start3A_70] : memref<128x128xf32, #tpu.memory_space<vmem>> -> memref<64x128xf32, #tpu.memory_space<vmem>>
        %dma_start3A_72 = arith.constant 64 : i32
        %dma_start3A_73 = tpu.memref_slice %arg6[%dma_start3A_68, %dma_start3A_72] : memref<4x128xi32, #tpu.memory_space<vmem>> -> memref<1x64xi32, #tpu.memory_space<vmem>>
        %dma_start3A_74 = tpu.memref_squeeze %dma_start3A_73 : memref<1x64xi32, #tpu.memory_space<vmem>> -> memref<64xi32, #tpu.memory_space<vmem>>
        %dma_start3A_75 = arith.constant 0 : i32
        %dma_start3A_76 = arith.constant 0 : i32
        %dma_start3A_77 = tpu.memref_slice %arg2[%dma_start3A_75, %dma_start3A_76] : memref<10000x128xf32, #tpu.memory_space<hbm>> -> memref<10000x128xf32, #tpu.memory_space<hbm>>
        tpu.enqueue_indirect_dma source(%dma_start3A_77 : memref<10000x128xf32, #tpu.memory_space<hbm>>) target(%dma_start3A_71 : memref<64x128xf32, #tpu.memory_space<vmem>>) offsets(%dma_start3A_74 : memref<64xi32, #tpu.memory_space<vmem>>) semaphore(%arg11 : memref<!tpu.dma_semaphore, #tpu.memory_space<semaphore_mem>>)
        %dma_wait3A = arith.constant 0 : i32
        %dma_wait3A_78 = arith.constant 0 : i32
        %dma_wait3A_79 = tpu.memref_slice %arg2[%dma_wait3A, %dma_wait3A_78] : memref<10000x128xf32, #tpu.memory_space<hbm>> -> memref<128x128xf32, #tpu.memory_space<hbm>>
        %dma_wait3A_80 = arith.constant 0 : i32
        %dma_wait3A_81 = arith.constant 0 : i32
        %dma_wait3A_82 = tpu.memref_slice %arg2[%dma_wait3A_80, %dma_wait3A_81] : memref<10000x128xf32, #tpu.memory_space<hbm>> -> memref<128x128xf32, #tpu.memory_space<hbm>>
        tpu.wait_dma2 semaphore(%arg10 : memref<!tpu.dma_semaphore, #tpu.memory_space<semaphore_mem>>) src(%dma_wait3A_82 : memref<128x128xf32, #tpu.memory_space<hbm>>) dst(%arg8 : memref<128x128xf32, #tpu.memory_space<vmem>>)
        %run_scoped3A_83 = arith.constant 0 : i32
        "tpu.region"() ({
          %run_scoped3A_146 = tpu.sem_alloc : memref<!tpu.dma_semaphore, #tpu.memory_space<semaphore_mem>>
          %dma_start3A_147 = arith.constant 0 : i32
          %dma_start3A_148 = tpu.memref_slice %arg7[%run_scoped3A_83, %dma_start3A_147] : memref<4x128xi32, #tpu.memory_space<vmem>> -> memref<1x128xi32, #tpu.memory_space<vmem>>
          %dma_start3A_149 = tpu.memref_squeeze %dma_start3A_148 : memref<1x128xi32, #tpu.memory_space<vmem>> -> memref<128xi32, #tpu.memory_space<vmem>>
          %dma_start3A_150 = arith.constant 0 : i32
          %dma_start3A_151 = arith.constant 0 : i32
          %dma_start3A_152 = tpu.memref_slice %arg12[%dma_start3A_150, %dma_start3A_151] : memref<10112x128xf32, #tpu.memory_space<vmem_shared>> -> memref<10112x128xf32, #tpu.memory_space<vmem_shared>>
          tpu.enqueue_indirect_dma source(%arg8 : memref<128x128xf32, #tpu.memory_space<vmem>>) target(%dma_start3A_152 : memref<10112x128xf32, #tpu.memory_space<vmem_shared>>) offsets(%dma_start3A_149 : memref<128xi32, #tpu.memory_space<vmem>>) semaphore(%run_scoped3A_146 : memref<!tpu.dma_semaphore, #tpu.memory_space<semaphore_mem>>) {add = true}
          %dma_wait3A_153 = arith.constant 0 : i32
          %dma_wait3A_154 = tpu.memref_slice %arg7[%run_scoped3A_83, %dma_wait3A_153] : memref<4x128xi32, #tpu.memory_space<vmem>> -> memref<1x128xi32, #tpu.memory_space<vmem>>
          %dma_wait3A_155 = tpu.memref_squeeze %dma_wait3A_154 : memref<1x128xi32, #tpu.memory_space<vmem>> -> memref<128xi32, #tpu.memory_space<vmem>>
          %dma_wait3A_156 = arith.constant 0 : i32
          %dma_wait3A_157 = arith.constant 0 : i32
          %dma_wait3A_158 = tpu.memref_slice %arg12[%dma_wait3A_156, %dma_wait3A_157] : memref<10112x128xf32, #tpu.memory_space<vmem_shared>> -> memref<10112x128xf32, #tpu.memory_space<vmem_shared>>
          tpu.wait_indirect_dma semaphore(%run_scoped3A_146 : memref<!tpu.dma_semaphore, #tpu.memory_space<semaphore_mem>>) src(%arg8 : memref<128x128xf32, #tpu.memory_space<vmem>>) dst(%dma_wait3A_158 : memref<10112x128xf32, #tpu.memory_space<vmem_shared>>)
          tpu.yield
        }) : () -> ()
        %dma_start3A_84 = arith.constant 2 : i32
        %dma_start3A_85 = arith.constant 0 : i32
        %dma_start3A_86 = arith.constant 0 : i32
        %dma_start3A_87 = tpu.memref_slice %arg8[%dma_start3A_85, %dma_start3A_86] : memref<128x128xf32, #tpu.memory_space<vmem>> -> memref<64x128xf32, #tpu.memory_space<vmem>>
        %dma_start3A_88 = arith.constant 0 : i32
        %dma_start3A_89 = tpu.memref_slice %arg6[%dma_start3A_84, %dma_start3A_88] : memref<4x128xi32, #tpu.memory_space<vmem>> -> memref<1x64xi32, #tpu.memory_space<vmem>>
        %dma_start3A_90 = tpu.memref_squeeze %dma_start3A_89 : memref<1x64xi32, #tpu.memory_space<vmem>> -> memref<64xi32, #tpu.memory_space<vmem>>
        %dma_start3A_91 = arith.constant 0 : i32
        %dma_start3A_92 = arith.constant 0 : i32
        %dma_start3A_93 = tpu.memref_slice %arg2[%dma_start3A_91, %dma_start3A_92] : memref<10000x128xf32, #tpu.memory_space<hbm>> -> memref<10000x128xf32, #tpu.memory_space<hbm>>
        tpu.enqueue_indirect_dma source(%dma_start3A_93 : memref<10000x128xf32, #tpu.memory_space<hbm>>) target(%dma_start3A_87 : memref<64x128xf32, #tpu.memory_space<vmem>>) offsets(%dma_start3A_90 : memref<64xi32, #tpu.memory_space<vmem>>) semaphore(%arg10 : memref<!tpu.dma_semaphore, #tpu.memory_space<semaphore_mem>>)
        %dma_start3A_94 = arith.constant 2 : i32
        %dma_start3A_95 = arith.constant 64 : i32
        %dma_start3A_96 = arith.constant 0 : i32
        %dma_start3A_97 = tpu.memref_slice %arg8[%dma_start3A_95, %dma_start3A_96] : memref<128x128xf32, #tpu.memory_space<vmem>> -> memref<64x128xf32, #tpu.memory_space<vmem>>
        %dma_start3A_98 = arith.constant 64 : i32
        %dma_start3A_99 = tpu.memref_slice %arg6[%dma_start3A_94, %dma_start3A_98] : memref<4x128xi32, #tpu.memory_space<vmem>> -> memref<1x64xi32, #tpu.memory_space<vmem>>
        %dma_start3A_100 = tpu.memref_squeeze %dma_start3A_99 : memref<1x64xi32, #tpu.memory_space<vmem>> -> memref<64xi32, #tpu.memory_space<vmem>>
        %dma_start3A_101 = arith.constant 0 : i32
        %dma_start3A_102 = arith.constant 0 : i32
        %dma_start3A_103 = tpu.memref_slice %arg2[%dma_start3A_101, %dma_start3A_102] : memref<10000x128xf32, #tpu.memory_space<hbm>> -> memref<10000x128xf32, #tpu.memory_space<hbm>>
        tpu.enqueue_indirect_dma source(%dma_start3A_103 : memref<10000x128xf32, #tpu.memory_space<hbm>>) target(%dma_start3A_97 : memref<64x128xf32, #tpu.memory_space<vmem>>) offsets(%dma_start3A_100 : memref<64xi32, #tpu.memory_space<vmem>>) semaphore(%arg10 : memref<!tpu.dma_semaphore, #tpu.memory_space<semaphore_mem>>)
        %dma_wait3A_104 = arith.constant 0 : i32
        %dma_wait3A_105 = arith.constant 0 : i32
        %dma_wait3A_106 = tpu.memref_slice %arg2[%dma_wait3A_104, %dma_wait3A_105] : memref<10000x128xf32, #tpu.memory_space<hbm>> -> memref<128x128xf32, #tpu.memory_space<hbm>>
        %dma_wait3A_107 = arith.constant 0 : i32
        %dma_wait3A_108 = arith.constant 0 : i32
        %dma_wait3A_109 = tpu.memref_slice %arg2[%dma_wait3A_107, %dma_wait3A_108] : memref<10000x128xf32, #tpu.memory_space<hbm>> -> memref<128x128xf32, #tpu.memory_space<hbm>>
        tpu.wait_dma2 semaphore(%arg11 : memref<!tpu.dma_semaphore, #tpu.memory_space<semaphore_mem>>) src(%dma_wait3A_109 : memref<128x128xf32, #tpu.memory_space<hbm>>) dst(%arg9 : memref<128x128xf32, #tpu.memory_space<vmem>>)
        %run_scoped3A_110 = arith.constant 1 : i32
        "tpu.region"() ({
          %run_scoped3A_146 = tpu.sem_alloc : memref<!tpu.dma_semaphore, #tpu.memory_space<semaphore_mem>>
          %dma_start3A_147 = arith.constant 0 : i32
          %dma_start3A_148 = tpu.memref_slice %arg7[%run_scoped3A_110, %dma_start3A_147] : memref<4x128xi32, #tpu.memory_space<vmem>> -> memref<1x128xi32, #tpu.memory_space<vmem>>
          %dma_start3A_149 = tpu.memref_squeeze %dma_start3A_148 : memref<1x128xi32, #tpu.memory_space<vmem>> -> memref<128xi32, #tpu.memory_space<vmem>>
          %dma_start3A_150 = arith.constant 0 : i32
          %dma_start3A_151 = arith.constant 0 : i32
          %dma_start3A_152 = tpu.memref_slice %arg12[%dma_start3A_150, %dma_start3A_151] : memref<10112x128xf32, #tpu.memory_space<vmem_shared>> -> memref<10112x128xf32, #tpu.memory_space<vmem_shared>>
          tpu.enqueue_indirect_dma source(%arg9 : memref<128x128xf32, #tpu.memory_space<vmem>>) target(%dma_start3A_152 : memref<10112x128xf32, #tpu.memory_space<vmem_shared>>) offsets(%dma_start3A_149 : memref<128xi32, #tpu.memory_space<vmem>>) semaphore(%run_scoped3A_146 : memref<!tpu.dma_semaphore, #tpu.memory_space<semaphore_mem>>) {add = true}
          %dma_wait3A_153 = arith.constant 0 : i32
          %dma_wait3A_154 = tpu.memref_slice %arg7[%run_scoped3A_110, %dma_wait3A_153] : memref<4x128xi32, #tpu.memory_space<vmem>> -> memref<1x128xi32, #tpu.memory_space<vmem>>
          %dma_wait3A_155 = tpu.memref_squeeze %dma_wait3A_154 : memref<1x128xi32, #tpu.memory_space<vmem>> -> memref<128xi32, #tpu.memory_space<vmem>>
          %dma_wait3A_156 = arith.constant 0 : i32
          %dma_wait3A_157 = arith.constant 0 : i32
          %dma_wait3A_158 = tpu.memref_slice %arg12[%dma_wait3A_156, %dma_wait3A_157] : memref<10112x128xf32, #tpu.memory_space<vmem_shared>> -> memref<10112x128xf32, #tpu.memory_space<vmem_shared>>
          tpu.wait_indirect_dma semaphore(%run_scoped3A_146 : memref<!tpu.dma_semaphore, #tpu.memory_space<semaphore_mem>>) src(%arg9 : memref<128x128xf32, #tpu.memory_space<vmem>>) dst(%dma_wait3A_158 : memref<10112x128xf32, #tpu.memory_space<vmem_shared>>)
          tpu.yield
        }) : () -> ()
        %dma_start3A_111 = arith.constant 3 : i32
        %dma_start3A_112 = arith.constant 0 : i32
        %dma_start3A_113 = arith.constant 0 : i32
        %dma_start3A_114 = tpu.memref_slice %arg9[%dma_start3A_112, %dma_start3A_113] : memref<128x128xf32, #tpu.memory_space<vmem>> -> memref<64x128xf32, #tpu.memory_space<vmem>>
        %dma_start3A_115 = arith.constant 0 : i32
        %dma_start3A_116 = tpu.memref_slice %arg6[%dma_start3A_111, %dma_start3A_115] : memref<4x128xi32, #tpu.memory_space<vmem>> -> memref<1x64xi32, #tpu.memory_space<vmem>>
        %dma_start3A_117 = tpu.memref_squeeze %dma_start3A_116 : memref<1x64xi32, #tpu.memory_space<vmem>> -> memref<64xi32, #tpu.memory_space<vmem>>
        %dma_start3A_118 = arith.constant 0 : i32
        %dma_start3A_119 = arith.constant 0 : i32
        %dma_start3A_120 = tpu.memref_slice %arg2[%dma_start3A_118, %dma_start3A_119] : memref<10000x128xf32, #tpu.memory_space<hbm>> -> memref<10000x128xf32, #tpu.memory_space<hbm>>
        tpu.enqueue_indirect_dma source(%dma_start3A_120 : memref<10000x128xf32, #tpu.memory_space<hbm>>) target(%dma_start3A_114 : memref<64x128xf32, #tpu.memory_space<vmem>>) offsets(%dma_start3A_117 : memref<64xi32, #tpu.memory_space<vmem>>) semaphore(%arg11 : memref<!tpu.dma_semaphore, #tpu.memory_space<semaphore_mem>>)
        %dma_start3A_121 = arith.constant 3 : i32
        %dma_start3A_122 = arith.constant 64 : i32
        %dma_start3A_123 = arith.constant 0 : i32
        %dma_start3A_124 = tpu.memref_slice %arg9[%dma_start3A_122, %dma_start3A_123] : memref<128x128xf32, #tpu.memory_space<vmem>> -> memref<64x128xf32, #tpu.memory_space<vmem>>
        %dma_start3A_125 = arith.constant 64 : i32
        %dma_start3A_126 = tpu.memref_slice %arg6[%dma_start3A_121, %dma_start3A_125] : memref<4x128xi32, #tpu.memory_space<vmem>> -> memref<1x64xi32, #tpu.memory_space<vmem>>
        %dma_start3A_127 = tpu.memref_squeeze %dma_start3A_126 : memref<1x64xi32, #tpu.memory_space<vmem>> -> memref<64xi32, #tpu.memory_space<vmem>>
        %dma_start3A_128 = arith.constant 0 : i32
        %dma_start3A_129 = arith.constant 0 : i32
        %dma_start3A_130 = tpu.memref_slice %arg2[%dma_start3A_128, %dma_start3A_129] : memref<10000x128xf32, #tpu.memory_space<hbm>> -> memref<10000x128xf32, #tpu.memory_space<hbm>>
        tpu.enqueue_indirect_dma source(%dma_start3A_130 : memref<10000x128xf32, #tpu.memory_space<hbm>>) target(%dma_start3A_124 : memref<64x128xf32, #tpu.memory_space<vmem>>) offsets(%dma_start3A_127 : memref<64xi32, #tpu.memory_space<vmem>>) semaphore(%arg11 : memref<!tpu.dma_semaphore, #tpu.memory_space<semaphore_mem>>)
        %dma_wait3A_131 = arith.constant 0 : i32
        %dma_wait3A_132 = arith.constant 0 : i32
        %dma_wait3A_133 = tpu.memref_slice %arg2[%dma_wait3A_131, %dma_wait3A_132] : memref<10000x128xf32, #tpu.memory_space<hbm>> -> memref<128x128xf32, #tpu.memory_space<hbm>>
        %dma_wait3A_134 = arith.constant 0 : i32
        %dma_wait3A_135 = arith.constant 0 : i32
        %dma_wait3A_136 = tpu.memref_slice %arg2[%dma_wait3A_134, %dma_wait3A_135] : memref<10000x128xf32, #tpu.memory_space<hbm>> -> memref<128x128xf32, #tpu.memory_space<hbm>>
        tpu.wait_dma2 semaphore(%arg10 : memref<!tpu.dma_semaphore, #tpu.memory_space<semaphore_mem>>) src(%dma_wait3A_136 : memref<128x128xf32, #tpu.memory_space<hbm>>) dst(%arg8 : memref<128x128xf32, #tpu.memory_space<vmem>>)
        %run_scoped3A_137 = arith.constant 2 : i32
        "tpu.region"() ({
          %run_scoped3A_146 = tpu.sem_alloc : memref<!tpu.dma_semaphore, #tpu.memory_space<semaphore_mem>>
          %dma_start3A_147 = arith.constant 0 : i32
          %dma_start3A_148 = tpu.memref_slice %arg7[%run_scoped3A_137, %dma_start3A_147] : memref<4x128xi32, #tpu.memory_space<vmem>> -> memref<1x128xi32, #tpu.memory_space<vmem>>
          %dma_start3A_149 = tpu.memref_squeeze %dma_start3A_148 : memref<1x128xi32, #tpu.memory_space<vmem>> -> memref<128xi32, #tpu.memory_space<vmem>>
          %dma_start3A_150 = arith.constant 0 : i32
          %dma_start3A_151 = arith.constant 0 : i32
          %dma_start3A_152 = tpu.memref_slice %arg12[%dma_start3A_150, %dma_start3A_151] : memref<10112x128xf32, #tpu.memory_space<vmem_shared>> -> memref<10112x128xf32, #tpu.memory_space<vmem_shared>>
          tpu.enqueue_indirect_dma source(%arg8 : memref<128x128xf32, #tpu.memory_space<vmem>>) target(%dma_start3A_152 : memref<10112x128xf32, #tpu.memory_space<vmem_shared>>) offsets(%dma_start3A_149 : memref<128xi32, #tpu.memory_space<vmem>>) semaphore(%run_scoped3A_146 : memref<!tpu.dma_semaphore, #tpu.memory_space<semaphore_mem>>) {add = true}
          %dma_wait3A_153 = arith.constant 0 : i32
          %dma_wait3A_154 = tpu.memref_slice %arg7[%run_scoped3A_137, %dma_wait3A_153] : memref<4x128xi32, #tpu.memory_space<vmem>> -> memref<1x128xi32, #tpu.memory_space<vmem>>
          %dma_wait3A_155 = tpu.memref_squeeze %dma_wait3A_154 : memref<1x128xi32, #tpu.memory_space<vmem>> -> memref<128xi32, #tpu.memory_space<vmem>>
          %dma_wait3A_156 = arith.constant 0 : i32
          %dma_wait3A_157 = arith.constant 0 : i32
          %dma_wait3A_158 = tpu.memref_slice %arg12[%dma_wait3A_156, %dma_wait3A_157] : memref<10112x128xf32, #tpu.memory_space<vmem_shared>> -> memref<10112x128xf32, #tpu.memory_space<vmem_shared>>
          tpu.wait_indirect_dma semaphore(%run_scoped3A_146 : memref<!tpu.dma_semaphore, #tpu.memory_space<semaphore_mem>>) src(%arg8 : memref<128x128xf32, #tpu.memory_space<vmem>>) dst(%dma_wait3A_158 : memref<10112x128xf32, #tpu.memory_space<vmem_shared>>)
          tpu.yield
        }) : () -> ()
        %dma_wait3A_138 = arith.constant 0 : i32
        %dma_wait3A_139 = arith.constant 0 : i32
        %dma_wait3A_140 = tpu.memref_slice %arg2[%dma_wait3A_138, %dma_wait3A_139] : memref<10000x128xf32, #tpu.memory_space<hbm>> -> memref<128x128xf32, #tpu.memory_space<hbm>>
        %dma_wait3A_141 = arith.constant 0 : i32
        %dma_wait3A_142 = arith.constant 0 : i32
        %dma_wait3A_143 = tpu.memref_slice %arg2[%dma_wait3A_141, %dma_wait3A_142] : memref<10000x128xf32, #tpu.memory_space<hbm>> -> memref<128x128xf32, #tpu.memory_space<hbm>>
        tpu.wait_dma2 semaphore(%arg11 : memref<!tpu.dma_semaphore, #tpu.memory_space<semaphore_mem>>) src(%dma_wait3A_143 : memref<128x128xf32, #tpu.memory_space<hbm>>) dst(%arg9 : memref<128x128xf32, #tpu.memory_space<vmem>>)
        %run_scoped3A_144 = arith.constant 3 : i32
        "tpu.region"() ({
          %run_scoped3A_146 = tpu.sem_alloc : memref<!tpu.dma_semaphore, #tpu.memory_space<semaphore_mem>>
          %dma_start3A_147 = arith.constant 0 : i32
          %dma_start3A_148 = tpu.memref_slice %arg7[%run_scoped3A_144, %dma_start3A_147] : memref<4x128xi32, #tpu.memory_space<vmem>> -> memref<1x128xi32, #tpu.memory_space<vmem>>
          %dma_start3A_149 = tpu.memref_squeeze %dma_start3A_148 : memref<1x128xi32, #tpu.memory_space<vmem>> -> memref<128xi32, #tpu.memory_space<vmem>>
          %dma_start3A_150 = arith.constant 0 : i32
          %dma_start3A_151 = arith.constant 0 : i32
          %dma_start3A_152 = tpu.memref_slice %arg12[%dma_start3A_150, %dma_start3A_151] : memref<10112x128xf32, #tpu.memory_space<vmem_shared>> -> memref<10112x128xf32, #tpu.memory_space<vmem_shared>>
          tpu.enqueue_indirect_dma source(%arg9 : memref<128x128xf32, #tpu.memory_space<vmem>>) target(%dma_start3A_152 : memref<10112x128xf32, #tpu.memory_space<vmem_shared>>) offsets(%dma_start3A_149 : memref<128xi32, #tpu.memory_space<vmem>>) semaphore(%run_scoped3A_146 : memref<!tpu.dma_semaphore, #tpu.memory_space<semaphore_mem>>) {add = true}
          %dma_wait3A_153 = arith.constant 0 : i32
          %dma_wait3A_154 = tpu.memref_slice %arg7[%run_scoped3A_144, %dma_wait3A_153] : memref<4x128xi32, #tpu.memory_space<vmem>> -> memref<1x128xi32, #tpu.memory_space<vmem>>
          %dma_wait3A_155 = tpu.memref_squeeze %dma_wait3A_154 : memref<1x128xi32, #tpu.memory_space<vmem>> -> memref<128xi32, #tpu.memory_space<vmem>>
          %dma_wait3A_156 = arith.constant 0 : i32
          %dma_wait3A_157 = arith.constant 0 : i32
          %dma_wait3A_158 = tpu.memref_slice %arg12[%dma_wait3A_156, %dma_wait3A_157] : memref<10112x128xf32, #tpu.memory_space<vmem_shared>> -> memref<10112x128xf32, #tpu.memory_space<vmem_shared>>
          tpu.wait_indirect_dma semaphore(%run_scoped3A_146 : memref<!tpu.dma_semaphore, #tpu.memory_space<semaphore_mem>>) src(%arg9 : memref<128x128xf32, #tpu.memory_space<vmem>>) dst(%dma_wait3A_158 : memref<10112x128xf32, #tpu.memory_space<vmem_shared>>)
          tpu.yield
        }) : () -> ()
        %scan3A_145 = arith.constant 0 : i32
        scf.yield %scan3A_145 : i32
      }
      %scan3A_32 = arith.constant 37 : i32
    } else {
    }
    %eq3A_18 = arith.constant 1 : i32
    %eq3A_19 = arith.cmpi eq, %arg0, %eq3A_18 : i32
    %convert_element_type3A_20 = arith.extui %eq3A_19 : i1 to i32
    %cond3A_21 = arith.constant 0 : i32
    %cond3A_22 = arith.cmpi ne, %convert_element_type3A_20, %cond3A_21 : i32
    scf.if %cond3A_22 {
      %mul3A_24 = arith.constant 12 : i32
      %mul3A_25 = arith.muli %arg1, %mul3A_24 : i32
      %add3A_26 = arith.constant 2368 : i32
      %add3A_27 = arith.addi %add3A_26, %mul3A_25 : i32
      %scan3A_28 = arith.constant 0 : i32
      %scan3A_29 = arith.constant 0 : i32
      %scan3A_30 = arith.constant 3 : i32
      %scan3A_31 = arith.addi %scan3A_29, %scan3A_30 : i32
      %scan3A_32 = arith.constant 1 : i32
      %scan3A_33 = scf.for %scan3A_35 = %scan3A_29 to %scan3A_31 step %scan3A_32 iter_args(%scan3A_36 = %scan3A_28) -> (i32)  : i32 {
        %mul3A_37 = arith.constant 4 : i32
        %mul3A_38 = arith.muli %mul3A_37, %scan3A_35 : i32
        %add3A_39 = arith.addi %add3A_27, %mul3A_38 : i32
        %run_scoped3A = arith.constant 0 : i32
        "tpu.region"() ({
          %run_scoped3A_148 = tpu.sem_alloc : memref<!tpu.dma_semaphore, #tpu.memory_space<semaphore_mem>>
          %dma_start3A_149 = arith.constant 0 : i32
          %dma_start3A_150 = tpu.memref_slice %arg3[%run_scoped3A, %add3A_39, %dma_start3A_149] : memref<1x2560x128xi32, #tpu.memory_space<hbm>> -> memref<1x4x128xi32, #tpu.memory_space<hbm>>
          %dma_start3A_151 = tpu.memref_squeeze %dma_start3A_150 : memref<1x4x128xi32, #tpu.memory_space<hbm>> -> memref<4x128xi32, #tpu.memory_space<hbm>>
          %dma_start3A_152 = arith.constant 0 : i32
          %dma_start3A_153 = tpu.memref_slice %arg3[%run_scoped3A, %add3A_39, %dma_start3A_152] : memref<1x2560x128xi32, #tpu.memory_space<hbm>> -> memref<1x4x128xi32, #tpu.memory_space<hbm>>
          %dma_start3A_154 = tpu.memref_squeeze %dma_start3A_153 : memref<1x4x128xi32, #tpu.memory_space<hbm>> -> memref<4x128xi32, #tpu.memory_space<hbm>>
          tpu.enqueue_dma source(%dma_start3A_154 : memref<4x128xi32, #tpu.memory_space<hbm>>) target(%arg6 : memref<4x128xi32, #tpu.memory_space<vmem>>) target_semaphore(%run_scoped3A_148 : memref<!tpu.dma_semaphore, #tpu.memory_space<semaphore_mem>>)
          %dma_wait3A_155 = arith.constant 0 : i32
          %dma_wait3A_156 = tpu.memref_slice %arg3[%run_scoped3A, %add3A_39, %dma_wait3A_155] : memref<1x2560x128xi32, #tpu.memory_space<hbm>> -> memref<1x4x128xi32, #tpu.memory_space<hbm>>
          %dma_wait3A_157 = tpu.memref_squeeze %dma_wait3A_156 : memref<1x4x128xi32, #tpu.memory_space<hbm>> -> memref<4x128xi32, #tpu.memory_space<hbm>>
          %dma_wait3A_158 = arith.constant 0 : i32
          %dma_wait3A_159 = tpu.memref_slice %arg3[%run_scoped3A, %add3A_39, %dma_wait3A_158] : memref<1x2560x128xi32, #tpu.memory_space<hbm>> -> memref<1x4x128xi32, #tpu.memory_space<hbm>>
          %dma_wait3A_160 = tpu.memref_squeeze %dma_wait3A_159 : memref<1x4x128xi32, #tpu.memory_space<hbm>> -> memref<4x128xi32, #tpu.memory_space<hbm>>
          tpu.wait_dma2 semaphore(%run_scoped3A_148 : memref<!tpu.dma_semaphore, #tpu.memory_space<semaphore_mem>>) src(%dma_wait3A_160 : memref<4x128xi32, #tpu.memory_space<hbm>>) dst(%arg6 : memref<4x128xi32, #tpu.memory_space<vmem>>)
          tpu.yield
        }) : () -> ()
        %run_scoped3A_40 = arith.constant 0 : i32
        "tpu.region"() ({
          %run_scoped3A_148 = tpu.sem_alloc : memref<!tpu.dma_semaphore, #tpu.memory_space<semaphore_mem>>
          %dma_start3A_149 = arith.constant 0 : i32
          %dma_start3A_150 = tpu.memref_slice %arg4[%run_scoped3A_40, %add3A_39, %dma_start3A_149] : memref<1x2560x128xi32, #tpu.memory_space<hbm>> -> memref<1x4x128xi32, #tpu.memory_space<hbm>>
          %dma_start3A_151 = tpu.memref_squeeze %dma_start3A_150 : memref<1x4x128xi32, #tpu.memory_space<hbm>> -> memref<4x128xi32, #tpu.memory_space<hbm>>
          %dma_start3A_152 = arith.constant 0 : i32
          %dma_start3A_153 = tpu.memref_slice %arg4[%run_scoped3A_40, %add3A_39, %dma_start3A_152] : memref<1x2560x128xi32, #tpu.memory_space<hbm>> -> memref<1x4x128xi32, #tpu.memory_space<hbm>>
          %dma_start3A_154 = tpu.memref_squeeze %dma_start3A_153 : memref<1x4x128xi32, #tpu.memory_space<hbm>> -> memref<4x128xi32, #tpu.memory_space<hbm>>
          tpu.enqueue_dma source(%dma_start3A_154 : memref<4x128xi32, #tpu.memory_space<hbm>>) target(%arg7 : memref<4x128xi32, #tpu.memory_space<vmem>>) target_semaphore(%run_scoped3A_148 : memref<!tpu.dma_semaphore, #tpu.memory_space<semaphore_mem>>)
          %dma_wait3A_155 = arith.constant 0 : i32
          %dma_wait3A_156 = tpu.memref_slice %arg4[%run_scoped3A_40, %add3A_39, %dma_wait3A_155] : memref<1x2560x128xi32, #tpu.memory_space<hbm>> -> memref<1x4x128xi32, #tpu.memory_space<hbm>>
          %dma_wait3A_157 = tpu.memref_squeeze %dma_wait3A_156 : memref<1x4x128xi32, #tpu.memory_space<hbm>> -> memref<4x128xi32, #tpu.memory_space<hbm>>
          %dma_wait3A_158 = arith.constant 0 : i32
          %dma_wait3A_159 = tpu.memref_slice %arg4[%run_scoped3A_40, %add3A_39, %dma_wait3A_158] : memref<1x2560x128xi32, #tpu.memory_space<hbm>> -> memref<1x4x128xi32, #tpu.memory_space<hbm>>
          %dma_wait3A_160 = tpu.memref_squeeze %dma_wait3A_159 : memref<1x4x128xi32, #tpu.memory_space<hbm>> -> memref<4x128xi32, #tpu.memory_space<hbm>>
          tpu.wait_dma2 semaphore(%run_scoped3A_148 : memref<!tpu.dma_semaphore, #tpu.memory_space<semaphore_mem>>) src(%dma_wait3A_160 : memref<4x128xi32, #tpu.memory_space<hbm>>) dst(%arg7 : memref<4x128xi32, #tpu.memory_space<vmem>>)
          tpu.yield
        }) : () -> ()
        %dma_start3A = arith.constant 0 : i32
        %dma_start3A_41 = arith.constant 0 : i32
        %dma_start3A_42 = arith.constant 0 : i32
        %dma_start3A_43 = tpu.memref_slice %arg8[%dma_start3A_41, %dma_start3A_42] : memref<128x128xf32, #tpu.memory_space<vmem>> -> memref<64x128xf32, #tpu.memory_space<vmem>>
        %dma_start3A_44 = arith.constant 0 : i32
        %dma_start3A_45 = tpu.memref_slice %arg6[%dma_start3A, %dma_start3A_44] : memref<4x128xi32, #tpu.memory_space<vmem>> -> memref<1x64xi32, #tpu.memory_space<vmem>>
        %dma_start3A_46 = tpu.memref_squeeze %dma_start3A_45 : memref<1x64xi32, #tpu.memory_space<vmem>> -> memref<64xi32, #tpu.memory_space<vmem>>
        %dma_start3A_47 = arith.constant 0 : i32
        %dma_start3A_48 = arith.constant 0 : i32
        %dma_start3A_49 = tpu.memref_slice %arg2[%dma_start3A_47, %dma_start3A_48] : memref<10000x128xf32, #tpu.memory_space<hbm>> -> memref<10000x128xf32, #tpu.memory_space<hbm>>
        tpu.enqueue_indirect_dma source(%dma_start3A_49 : memref<10000x128xf32, #tpu.memory_space<hbm>>) target(%dma_start3A_43 : memref<64x128xf32, #tpu.memory_space<vmem>>) offsets(%dma_start3A_46 : memref<64xi32, #tpu.memory_space<vmem>>) semaphore(%arg10 : memref<!tpu.dma_semaphore, #tpu.memory_space<semaphore_mem>>)
        %dma_start3A_50 = arith.constant 0 : i32
        %dma_start3A_51 = arith.constant 64 : i32
        %dma_start3A_52 = arith.constant 0 : i32
        %dma_start3A_53 = tpu.memref_slice %arg8[%dma_start3A_51, %dma_start3A_52] : memref<128x128xf32, #tpu.memory_space<vmem>> -> memref<64x128xf32, #tpu.memory_space<vmem>>
        %dma_start3A_54 = arith.constant 64 : i32
        %dma_start3A_55 = tpu.memref_slice %arg6[%dma_start3A_50, %dma_start3A_54] : memref<4x128xi32, #tpu.memory_space<vmem>> -> memref<1x64xi32, #tpu.memory_space<vmem>>
        %dma_start3A_56 = tpu.memref_squeeze %dma_start3A_55 : memref<1x64xi32, #tpu.memory_space<vmem>> -> memref<64xi32, #tpu.memory_space<vmem>>
        %dma_start3A_57 = arith.constant 0 : i32
        %dma_start3A_58 = arith.constant 0 : i32
        %dma_start3A_59 = tpu.memref_slice %arg2[%dma_start3A_57, %dma_start3A_58] : memref<10000x128xf32, #tpu.memory_space<hbm>> -> memref<10000x128xf32, #tpu.memory_space<hbm>>
        tpu.enqueue_indirect_dma source(%dma_start3A_59 : memref<10000x128xf32, #tpu.memory_space<hbm>>) target(%dma_start3A_53 : memref<64x128xf32, #tpu.memory_space<vmem>>) offsets(%dma_start3A_56 : memref<64xi32, #tpu.memory_space<vmem>>) semaphore(%arg10 : memref<!tpu.dma_semaphore, #tpu.memory_space<semaphore_mem>>)
        %dma_start3A_60 = arith.constant 1 : i32
        %dma_start3A_61 = arith.constant 0 : i32
        %dma_start3A_62 = arith.constant 0 : i32
        %dma_start3A_63 = tpu.memref_slice %arg9[%dma_start3A_61, %dma_start3A_62] : memref<128x128xf32, #tpu.memory_space<vmem>> -> memref<64x128xf32, #tpu.memory_space<vmem>>
        %dma_start3A_64 = arith.constant 0 : i32
        %dma_start3A_65 = tpu.memref_slice %arg6[%dma_start3A_60, %dma_start3A_64] : memref<4x128xi32, #tpu.memory_space<vmem>> -> memref<1x64xi32, #tpu.memory_space<vmem>>
        %dma_start3A_66 = tpu.memref_squeeze %dma_start3A_65 : memref<1x64xi32, #tpu.memory_space<vmem>> -> memref<64xi32, #tpu.memory_space<vmem>>
        %dma_start3A_67 = arith.constant 0 : i32
        %dma_start3A_68 = arith.constant 0 : i32
        %dma_start3A_69 = tpu.memref_slice %arg2[%dma_start3A_67, %dma_start3A_68] : memref<10000x128xf32, #tpu.memory_space<hbm>> -> memref<10000x128xf32, #tpu.memory_space<hbm>>
        tpu.enqueue_indirect_dma source(%dma_start3A_69 : memref<10000x128xf32, #tpu.memory_space<hbm>>) target(%dma_start3A_63 : memref<64x128xf32, #tpu.memory_space<vmem>>) offsets(%dma_start3A_66 : memref<64xi32, #tpu.memory_space<vmem>>) semaphore(%arg11 : memref<!tpu.dma_semaphore, #tpu.memory_space<semaphore_mem>>)
        %dma_start3A_70 = arith.constant 1 : i32
        %dma_start3A_71 = arith.constant 64 : i32
        %dma_start3A_72 = arith.constant 0 : i32
        %dma_start3A_73 = tpu.memref_slice %arg9[%dma_start3A_71, %dma_start3A_72] : memref<128x128xf32, #tpu.memory_space<vmem>> -> memref<64x128xf32, #tpu.memory_space<vmem>>
        %dma_start3A_74 = arith.constant 64 : i32
        %dma_start3A_75 = tpu.memref_slice %arg6[%dma_start3A_70, %dma_start3A_74] : memref<4x128xi32, #tpu.memory_space<vmem>> -> memref<1x64xi32, #tpu.memory_space<vmem>>
        %dma_start3A_76 = tpu.memref_squeeze %dma_start3A_75 : memref<1x64xi32, #tpu.memory_space<vmem>> -> memref<64xi32, #tpu.memory_space<vmem>>
        %dma_start3A_77 = arith.constant 0 : i32
        %dma_start3A_78 = arith.constant 0 : i32
        %dma_start3A_79 = tpu.memref_slice %arg2[%dma_start3A_77, %dma_start3A_78] : memref<10000x128xf32, #tpu.memory_space<hbm>> -> memref<10000x128xf32, #tpu.memory_space<hbm>>
        tpu.enqueue_indirect_dma source(%dma_start3A_79 : memref<10000x128xf32, #tpu.memory_space<hbm>>) target(%dma_start3A_73 : memref<64x128xf32, #tpu.memory_space<vmem>>) offsets(%dma_start3A_76 : memref<64xi32, #tpu.memory_space<vmem>>) semaphore(%arg11 : memref<!tpu.dma_semaphore, #tpu.memory_space<semaphore_mem>>)
        %dma_wait3A = arith.constant 0 : i32
        %dma_wait3A_80 = arith.constant 0 : i32
        %dma_wait3A_81 = tpu.memref_slice %arg2[%dma_wait3A, %dma_wait3A_80] : memref<10000x128xf32, #tpu.memory_space<hbm>> -> memref<128x128xf32, #tpu.memory_space<hbm>>
        %dma_wait3A_82 = arith.constant 0 : i32
        %dma_wait3A_83 = arith.constant 0 : i32
        %dma_wait3A_84 = tpu.memref_slice %arg2[%dma_wait3A_82, %dma_wait3A_83] : memref<10000x128xf32, #tpu.memory_space<hbm>> -> memref<128x128xf32, #tpu.memory_space<hbm>>
        tpu.wait_dma2 semaphore(%arg10 : memref<!tpu.dma_semaphore, #tpu.memory_space<semaphore_mem>>) src(%dma_wait3A_84 : memref<128x128xf32, #tpu.memory_space<hbm>>) dst(%arg8 : memref<128x128xf32, #tpu.memory_space<vmem>>)
        %run_scoped3A_85 = arith.constant 0 : i32
        "tpu.region"() ({
          %run_scoped3A_148 = tpu.sem_alloc : memref<!tpu.dma_semaphore, #tpu.memory_space<semaphore_mem>>
          %dma_start3A_149 = arith.constant 0 : i32
          %dma_start3A_150 = tpu.memref_slice %arg7[%run_scoped3A_85, %dma_start3A_149] : memref<4x128xi32, #tpu.memory_space<vmem>> -> memref<1x128xi32, #tpu.memory_space<vmem>>
          %dma_start3A_151 = tpu.memref_squeeze %dma_start3A_150 : memref<1x128xi32, #tpu.memory_space<vmem>> -> memref<128xi32, #tpu.memory_space<vmem>>
          %dma_start3A_152 = arith.constant 0 : i32
          %dma_start3A_153 = arith.constant 0 : i32
          %dma_start3A_154 = tpu.memref_slice %arg12[%dma_start3A_152, %dma_start3A_153] : memref<10112x128xf32, #tpu.memory_space<vmem_shared>> -> memref<10112x128xf32, #tpu.memory_space<vmem_shared>>
          tpu.enqueue_indirect_dma source(%arg8 : memref<128x128xf32, #tpu.memory_space<vmem>>) target(%dma_start3A_154 : memref<10112x128xf32, #tpu.memory_space<vmem_shared>>) offsets(%dma_start3A_151 : memref<128xi32, #tpu.memory_space<vmem>>) semaphore(%run_scoped3A_148 : memref<!tpu.dma_semaphore, #tpu.memory_space<semaphore_mem>>) {add = true}
          %dma_wait3A_155 = arith.constant 0 : i32
          %dma_wait3A_156 = tpu.memref_slice %arg7[%run_scoped3A_85, %dma_wait3A_155] : memref<4x128xi32, #tpu.memory_space<vmem>> -> memref<1x128xi32, #tpu.memory_space<vmem>>
          %dma_wait3A_157 = tpu.memref_squeeze %dma_wait3A_156 : memref<1x128xi32, #tpu.memory_space<vmem>> -> memref<128xi32, #tpu.memory_space<vmem>>
          %dma_wait3A_158 = arith.constant 0 : i32
          %dma_wait3A_159 = arith.constant 0 : i32
          %dma_wait3A_160 = tpu.memref_slice %arg12[%dma_wait3A_158, %dma_wait3A_159] : memref<10112x128xf32, #tpu.memory_space<vmem_shared>> -> memref<10112x128xf32, #tpu.memory_space<vmem_shared>>
          tpu.wait_indirect_dma semaphore(%run_scoped3A_148 : memref<!tpu.dma_semaphore, #tpu.memory_space<semaphore_mem>>) src(%arg8 : memref<128x128xf32, #tpu.memory_space<vmem>>) dst(%dma_wait3A_160 : memref<10112x128xf32, #tpu.memory_space<vmem_shared>>)
          tpu.yield
        }) : () -> ()
        %dma_start3A_86 = arith.constant 2 : i32
        %dma_start3A_87 = arith.constant 0 : i32
        %dma_start3A_88 = arith.constant 0 : i32
        %dma_start3A_89 = tpu.memref_slice %arg8[%dma_start3A_87, %dma_start3A_88] : memref<128x128xf32, #tpu.memory_space<vmem>> -> memref<64x128xf32, #tpu.memory_space<vmem>>
        %dma_start3A_90 = arith.constant 0 : i32
        %dma_start3A_91 = tpu.memref_slice %arg6[%dma_start3A_86, %dma_start3A_90] : memref<4x128xi32, #tpu.memory_space<vmem>> -> memref<1x64xi32, #tpu.memory_space<vmem>>
        %dma_start3A_92 = tpu.memref_squeeze %dma_start3A_91 : memref<1x64xi32, #tpu.memory_space<vmem>> -> memref<64xi32, #tpu.memory_space<vmem>>
        %dma_start3A_93 = arith.constant 0 : i32
        %dma_start3A_94 = arith.constant 0 : i32
        %dma_start3A_95 = tpu.memref_slice %arg2[%dma_start3A_93, %dma_start3A_94] : memref<10000x128xf32, #tpu.memory_space<hbm>> -> memref<10000x128xf32, #tpu.memory_space<hbm>>
        tpu.enqueue_indirect_dma source(%dma_start3A_95 : memref<10000x128xf32, #tpu.memory_space<hbm>>) target(%dma_start3A_89 : memref<64x128xf32, #tpu.memory_space<vmem>>) offsets(%dma_start3A_92 : memref<64xi32, #tpu.memory_space<vmem>>) semaphore(%arg10 : memref<!tpu.dma_semaphore, #tpu.memory_space<semaphore_mem>>)
        %dma_start3A_96 = arith.constant 2 : i32
        %dma_start3A_97 = arith.constant 64 : i32
        %dma_start3A_98 = arith.constant 0 : i32
        %dma_start3A_99 = tpu.memref_slice %arg8[%dma_start3A_97, %dma_start3A_98] : memref<128x128xf32, #tpu.memory_space<vmem>> -> memref<64x128xf32, #tpu.memory_space<vmem>>
        %dma_start3A_100 = arith.constant 64 : i32
        %dma_start3A_101 = tpu.memref_slice %arg6[%dma_start3A_96, %dma_start3A_100] : memref<4x128xi32, #tpu.memory_space<vmem>> -> memref<1x64xi32, #tpu.memory_space<vmem>>
        %dma_start3A_102 = tpu.memref_squeeze %dma_start3A_101 : memref<1x64xi32, #tpu.memory_space<vmem>> -> memref<64xi32, #tpu.memory_space<vmem>>
        %dma_start3A_103 = arith.constant 0 : i32
        %dma_start3A_104 = arith.constant 0 : i32
        %dma_start3A_105 = tpu.memref_slice %arg2[%dma_start3A_103, %dma_start3A_104] : memref<10000x128xf32, #tpu.memory_space<hbm>> -> memref<10000x128xf32, #tpu.memory_space<hbm>>
        tpu.enqueue_indirect_dma source(%dma_start3A_105 : memref<10000x128xf32, #tpu.memory_space<hbm>>) target(%dma_start3A_99 : memref<64x128xf32, #tpu.memory_space<vmem>>) offsets(%dma_start3A_102 : memref<64xi32, #tpu.memory_space<vmem>>) semaphore(%arg10 : memref<!tpu.dma_semaphore, #tpu.memory_space<semaphore_mem>>)
        %dma_wait3A_106 = arith.constant 0 : i32
        %dma_wait3A_107 = arith.constant 0 : i32
        %dma_wait3A_108 = tpu.memref_slice %arg2[%dma_wait3A_106, %dma_wait3A_107] : memref<10000x128xf32, #tpu.memory_space<hbm>> -> memref<128x128xf32, #tpu.memory_space<hbm>>
        %dma_wait3A_109 = arith.constant 0 : i32
        %dma_wait3A_110 = arith.constant 0 : i32
        %dma_wait3A_111 = tpu.memref_slice %arg2[%dma_wait3A_109, %dma_wait3A_110] : memref<10000x128xf32, #tpu.memory_space<hbm>> -> memref<128x128xf32, #tpu.memory_space<hbm>>
        tpu.wait_dma2 semaphore(%arg11 : memref<!tpu.dma_semaphore, #tpu.memory_space<semaphore_mem>>) src(%dma_wait3A_111 : memref<128x128xf32, #tpu.memory_space<hbm>>) dst(%arg9 : memref<128x128xf32, #tpu.memory_space<vmem>>)
        %run_scoped3A_112 = arith.constant 1 : i32
        "tpu.region"() ({
          %run_scoped3A_148 = tpu.sem_alloc : memref<!tpu.dma_semaphore, #tpu.memory_space<semaphore_mem>>
          %dma_start3A_149 = arith.constant 0 : i32
          %dma_start3A_150 = tpu.memref_slice %arg7[%run_scoped3A_112, %dma_start3A_149] : memref<4x128xi32, #tpu.memory_space<vmem>> -> memref<1x128xi32, #tpu.memory_space<vmem>>
          %dma_start3A_151 = tpu.memref_squeeze %dma_start3A_150 : memref<1x128xi32, #tpu.memory_space<vmem>> -> memref<128xi32, #tpu.memory_space<vmem>>
          %dma_start3A_152 = arith.constant 0 : i32
          %dma_start3A_153 = arith.constant 0 : i32
          %dma_start3A_154 = tpu.memref_slice %arg12[%dma_start3A_152, %dma_start3A_153] : memref<10112x128xf32, #tpu.memory_space<vmem_shared>> -> memref<10112x128xf32, #tpu.memory_space<vmem_shared>>
          tpu.enqueue_indirect_dma source(%arg9 : memref<128x128xf32, #tpu.memory_space<vmem>>) target(%dma_start3A_154 : memref<10112x128xf32, #tpu.memory_space<vmem_shared>>) offsets(%dma_start3A_151 : memref<128xi32, #tpu.memory_space<vmem>>) semaphore(%run_scoped3A_148 : memref<!tpu.dma_semaphore, #tpu.memory_space<semaphore_mem>>) {add = true}
          %dma_wait3A_155 = arith.constant 0 : i32
          %dma_wait3A_156 = tpu.memref_slice %arg7[%run_scoped3A_112, %dma_wait3A_155] : memref<4x128xi32, #tpu.memory_space<vmem>> -> memref<1x128xi32, #tpu.memory_space<vmem>>
          %dma_wait3A_157 = tpu.memref_squeeze %dma_wait3A_156 : memref<1x128xi32, #tpu.memory_space<vmem>> -> memref<128xi32, #tpu.memory_space<vmem>>
          %dma_wait3A_158 = arith.constant 0 : i32
          %dma_wait3A_159 = arith.constant 0 : i32
          %dma_wait3A_160 = tpu.memref_slice %arg12[%dma_wait3A_158, %dma_wait3A_159] : memref<10112x128xf32, #tpu.memory_space<vmem_shared>> -> memref<10112x128xf32, #tpu.memory_space<vmem_shared>>
          tpu.wait_indirect_dma semaphore(%run_scoped3A_148 : memref<!tpu.dma_semaphore, #tpu.memory_space<semaphore_mem>>) src(%arg9 : memref<128x128xf32, #tpu.memory_space<vmem>>) dst(%dma_wait3A_160 : memref<10112x128xf32, #tpu.memory_space<vmem_shared>>)
          tpu.yield
        }) : () -> ()
        %dma_start3A_113 = arith.constant 3 : i32
        %dma_start3A_114 = arith.constant 0 : i32
        %dma_start3A_115 = arith.constant 0 : i32
        %dma_start3A_116 = tpu.memref_slice %arg9[%dma_start3A_114, %dma_start3A_115] : memref<128x128xf32, #tpu.memory_space<vmem>> -> memref<64x128xf32, #tpu.memory_space<vmem>>
        %dma_start3A_117 = arith.constant 0 : i32
        %dma_start3A_118 = tpu.memref_slice %arg6[%dma_start3A_113, %dma_start3A_117] : memref<4x128xi32, #tpu.memory_space<vmem>> -> memref<1x64xi32, #tpu.memory_space<vmem>>
        %dma_start3A_119 = tpu.memref_squeeze %dma_start3A_118 : memref<1x64xi32, #tpu.memory_space<vmem>> -> memref<64xi32, #tpu.memory_space<vmem>>
        %dma_start3A_120 = arith.constant 0 : i32
        %dma_start3A_121 = arith.constant 0 : i32
        %dma_start3A_122 = tpu.memref_slice %arg2[%dma_start3A_120, %dma_start3A_121] : memref<10000x128xf32, #tpu.memory_space<hbm>> -> memref<10000x128xf32, #tpu.memory_space<hbm>>
        tpu.enqueue_indirect_dma source(%dma_start3A_122 : memref<10000x128xf32, #tpu.memory_space<hbm>>) target(%dma_start3A_116 : memref<64x128xf32, #tpu.memory_space<vmem>>) offsets(%dma_start3A_119 : memref<64xi32, #tpu.memory_space<vmem>>) semaphore(%arg11 : memref<!tpu.dma_semaphore, #tpu.memory_space<semaphore_mem>>)
        %dma_start3A_123 = arith.constant 3 : i32
        %dma_start3A_124 = arith.constant 64 : i32
        %dma_start3A_125 = arith.constant 0 : i32
        %dma_start3A_126 = tpu.memref_slice %arg9[%dma_start3A_124, %dma_start3A_125] : memref<128x128xf32, #tpu.memory_space<vmem>> -> memref<64x128xf32, #tpu.memory_space<vmem>>
        %dma_start3A_127 = arith.constant 64 : i32
        %dma_start3A_128 = tpu.memref_slice %arg6[%dma_start3A_123, %dma_start3A_127] : memref<4x128xi32, #tpu.memory_space<vmem>> -> memref<1x64xi32, #tpu.memory_space<vmem>>
        %dma_start3A_129 = tpu.memref_squeeze %dma_start3A_128 : memref<1x64xi32, #tpu.memory_space<vmem>> -> memref<64xi32, #tpu.memory_space<vmem>>
        %dma_start3A_130 = arith.constant 0 : i32
        %dma_start3A_131 = arith.constant 0 : i32
        %dma_start3A_132 = tpu.memref_slice %arg2[%dma_start3A_130, %dma_start3A_131] : memref<10000x128xf32, #tpu.memory_space<hbm>> -> memref<10000x128xf32, #tpu.memory_space<hbm>>
        tpu.enqueue_indirect_dma source(%dma_start3A_132 : memref<10000x128xf32, #tpu.memory_space<hbm>>) target(%dma_start3A_126 : memref<64x128xf32, #tpu.memory_space<vmem>>) offsets(%dma_start3A_129 : memref<64xi32, #tpu.memory_space<vmem>>) semaphore(%arg11 : memref<!tpu.dma_semaphore, #tpu.memory_space<semaphore_mem>>)
        %dma_wait3A_133 = arith.constant 0 : i32
        %dma_wait3A_134 = arith.constant 0 : i32
        %dma_wait3A_135 = tpu.memref_slice %arg2[%dma_wait3A_133, %dma_wait3A_134] : memref<10000x128xf32, #tpu.memory_space<hbm>> -> memref<128x128xf32, #tpu.memory_space<hbm>>
        %dma_wait3A_136 = arith.constant 0 : i32
        %dma_wait3A_137 = arith.constant 0 : i32
        %dma_wait3A_138 = tpu.memref_slice %arg2[%dma_wait3A_136, %dma_wait3A_137] : memref<10000x128xf32, #tpu.memory_space<hbm>> -> memref<128x128xf32, #tpu.memory_space<hbm>>
        tpu.wait_dma2 semaphore(%arg10 : memref<!tpu.dma_semaphore, #tpu.memory_space<semaphore_mem>>) src(%dma_wait3A_138 : memref<128x128xf32, #tpu.memory_space<hbm>>) dst(%arg8 : memref<128x128xf32, #tpu.memory_space<vmem>>)
        %run_scoped3A_139 = arith.constant 2 : i32
        "tpu.region"() ({
          %run_scoped3A_148 = tpu.sem_alloc : memref<!tpu.dma_semaphore, #tpu.memory_space<semaphore_mem>>
          %dma_start3A_149 = arith.constant 0 : i32
          %dma_start3A_150 = tpu.memref_slice %arg7[%run_scoped3A_139, %dma_start3A_149] : memref<4x128xi32, #tpu.memory_space<vmem>> -> memref<1x128xi32, #tpu.memory_space<vmem>>
          %dma_start3A_151 = tpu.memref_squeeze %dma_start3A_150 : memref<1x128xi32, #tpu.memory_space<vmem>> -> memref<128xi32, #tpu.memory_space<vmem>>
          %dma_start3A_152 = arith.constant 0 : i32
          %dma_start3A_153 = arith.constant 0 : i32
          %dma_start3A_154 = tpu.memref_slice %arg12[%dma_start3A_152, %dma_start3A_153] : memref<10112x128xf32, #tpu.memory_space<vmem_shared>> -> memref<10112x128xf32, #tpu.memory_space<vmem_shared>>
          tpu.enqueue_indirect_dma source(%arg8 : memref<128x128xf32, #tpu.memory_space<vmem>>) target(%dma_start3A_154 : memref<10112x128xf32, #tpu.memory_space<vmem_shared>>) offsets(%dma_start3A_151 : memref<128xi32, #tpu.memory_space<vmem>>) semaphore(%run_scoped3A_148 : memref<!tpu.dma_semaphore, #tpu.memory_space<semaphore_mem>>) {add = true}
          %dma_wait3A_155 = arith.constant 0 : i32
          %dma_wait3A_156 = tpu.memref_slice %arg7[%run_scoped3A_139, %dma_wait3A_155] : memref<4x128xi32, #tpu.memory_space<vmem>> -> memref<1x128xi32, #tpu.memory_space<vmem>>
          %dma_wait3A_157 = tpu.memref_squeeze %dma_wait3A_156 : memref<1x128xi32, #tpu.memory_space<vmem>> -> memref<128xi32, #tpu.memory_space<vmem>>
          %dma_wait3A_158 = arith.constant 0 : i32
          %dma_wait3A_159 = arith.constant 0 : i32
          %dma_wait3A_160 = tpu.memref_slice %arg12[%dma_wait3A_158, %dma_wait3A_159] : memref<10112x128xf32, #tpu.memory_space<vmem_shared>> -> memref<10112x128xf32, #tpu.memory_space<vmem_shared>>
          tpu.wait_indirect_dma semaphore(%run_scoped3A_148 : memref<!tpu.dma_semaphore, #tpu.memory_space<semaphore_mem>>) src(%arg8 : memref<128x128xf32, #tpu.memory_space<vmem>>) dst(%dma_wait3A_160 : memref<10112x128xf32, #tpu.memory_space<vmem_shared>>)
          tpu.yield
        }) : () -> ()
        %dma_wait3A_140 = arith.constant 0 : i32
        %dma_wait3A_141 = arith.constant 0 : i32
        %dma_wait3A_142 = tpu.memref_slice %arg2[%dma_wait3A_140, %dma_wait3A_141] : memref<10000x128xf32, #tpu.memory_space<hbm>> -> memref<128x128xf32, #tpu.memory_space<hbm>>
        %dma_wait3A_143 = arith.constant 0 : i32
        %dma_wait3A_144 = arith.constant 0 : i32
        %dma_wait3A_145 = tpu.memref_slice %arg2[%dma_wait3A_143, %dma_wait3A_144] : memref<10000x128xf32, #tpu.memory_space<hbm>> -> memref<128x128xf32, #tpu.memory_space<hbm>>
        tpu.wait_dma2 semaphore(%arg11 : memref<!tpu.dma_semaphore, #tpu.memory_space<semaphore_mem>>) src(%dma_wait3A_145 : memref<128x128xf32, #tpu.memory_space<hbm>>) dst(%arg9 : memref<128x128xf32, #tpu.memory_space<vmem>>)
        %run_scoped3A_146 = arith.constant 3 : i32
        "tpu.region"() ({
          %run_scoped3A_148 = tpu.sem_alloc : memref<!tpu.dma_semaphore, #tpu.memory_space<semaphore_mem>>
          %dma_start3A_149 = arith.constant 0 : i32
          %dma_start3A_150 = tpu.memref_slice %arg7[%run_scoped3A_146, %dma_start3A_149] : memref<4x128xi32, #tpu.memory_space<vmem>> -> memref<1x128xi32, #tpu.memory_space<vmem>>
          %dma_start3A_151 = tpu.memref_squeeze %dma_start3A_150 : memref<1x128xi32, #tpu.memory_space<vmem>> -> memref<128xi32, #tpu.memory_space<vmem>>
          %dma_start3A_152 = arith.constant 0 : i32
          %dma_start3A_153 = arith.constant 0 : i32
          %dma_start3A_154 = tpu.memref_slice %arg12[%dma_start3A_152, %dma_start3A_153] : memref<10112x128xf32, #tpu.memory_space<vmem_shared>> -> memref<10112x128xf32, #tpu.memory_space<vmem_shared>>
          tpu.enqueue_indirect_dma source(%arg9 : memref<128x128xf32, #tpu.memory_space<vmem>>) target(%dma_start3A_154 : memref<10112x128xf32, #tpu.memory_space<vmem_shared>>) offsets(%dma_start3A_151 : memref<128xi32, #tpu.memory_space<vmem>>) semaphore(%run_scoped3A_148 : memref<!tpu.dma_semaphore, #tpu.memory_space<semaphore_mem>>) {add = true}
          %dma_wait3A_155 = arith.constant 0 : i32
          %dma_wait3A_156 = tpu.memref_slice %arg7[%run_scoped3A_146, %dma_wait3A_155] : memref<4x128xi32, #tpu.memory_space<vmem>> -> memref<1x128xi32, #tpu.memory_space<vmem>>
          %dma_wait3A_157 = tpu.memref_squeeze %dma_wait3A_156 : memref<1x128xi32, #tpu.memory_space<vmem>> -> memref<128xi32, #tpu.memory_space<vmem>>
          %dma_wait3A_158 = arith.constant 0 : i32
          %dma_wait3A_159 = arith.constant 0 : i32
          %dma_wait3A_160 = tpu.memref_slice %arg12[%dma_wait3A_158, %dma_wait3A_159] : memref<10112x128xf32, #tpu.memory_space<vmem_shared>> -> memref<10112x128xf32, #tpu.memory_space<vmem_shared>>
          tpu.wait_indirect_dma semaphore(%run_scoped3A_148 : memref<!tpu.dma_semaphore, #tpu.memory_space<semaphore_mem>>) src(%arg9 : memref<128x128xf32, #tpu.memory_space<vmem>>) dst(%dma_wait3A_160 : memref<10112x128xf32, #tpu.memory_space<vmem_shared>>)
          tpu.yield
        }) : () -> ()
        %scan3A_147 = arith.constant 0 : i32
        scf.yield %scan3A_147 : i32
      }
      %scan3A_34 = arith.constant 3 : i32
    } else {
    }
    %barrier3A_23 = arith.constant 0 : index
    tpu.barrier barrier_id(%barrier3A_23)
    "tpu.region"() ({
      %run_scoped3A = tpu.sem_alloc : memref<!tpu.dma_semaphore, #tpu.memory_space<semaphore_mem>>
      %dma_start3A = arith.constant 0 : i32
      %dma_start3A_24 = tpu.memref_slice %arg5[%arg0, %mul3A_0, %dma_start3A] : memref<2x10112x128xf32, #tpu.memory_space<hbm>> -> memref<1x632x128xf32, #tpu.memory_space<hbm>>
      %dma_start3A_25 = tpu.memref_squeeze %dma_start3A_24 : memref<1x632x128xf32, #tpu.memory_space<hbm>> -> memref<632x128xf32, #tpu.memory_space<hbm>>
      %dma_start3A_26 = arith.constant 0 : i32
      %dma_start3A_27 = tpu.memref_slice %arg12[%mul3A_0, %dma_start3A_26] : memref<10112x128xf32, #tpu.memory_space<vmem_shared>> -> memref<632x128xf32, #tpu.memory_space<vmem_shared>>
      tpu.enqueue_dma source(%dma_start3A_27 : memref<632x128xf32, #tpu.memory_space<vmem_shared>>) target(%dma_start3A_25 : memref<632x128xf32, #tpu.memory_space<hbm>>) target_semaphore(%run_scoped3A : memref<!tpu.dma_semaphore, #tpu.memory_space<semaphore_mem>>)
      %dma_wait3A = arith.constant 0 : i32
      %dma_wait3A_28 = tpu.memref_slice %arg5[%arg0, %mul3A_0, %dma_wait3A] : memref<2x10112x128xf32, #tpu.memory_space<hbm>> -> memref<1x632x128xf32, #tpu.memory_space<hbm>>
      %dma_wait3A_29 = tpu.memref_squeeze %dma_wait3A_28 : memref<1x632x128xf32, #tpu.memory_space<hbm>> -> memref<632x128xf32, #tpu.memory_space<hbm>>
      %dma_wait3A_30 = arith.constant 0 : i32
      %dma_wait3A_31 = tpu.memref_slice %arg12[%mul3A_0, %dma_wait3A_30] : memref<10112x128xf32, #tpu.memory_space<vmem_shared>> -> memref<632x128xf32, #tpu.memory_space<vmem_shared>>
      tpu.wait_dma2 semaphore(%run_scoped3A : memref<!tpu.dma_semaphore, #tpu.memory_space<semaphore_mem>>) src(%dma_wait3A_31 : memref<632x128xf32, #tpu.memory_space<vmem_shared>>) dst(%dma_wait3A_29 : memref<632x128xf32, #tpu.memory_space<hbm>>)
      tpu.yield
    }) : () -> ()
    return
  }
}

#map = affine_map<(d0, d1) -> (0, 0)>
#map1 = affine_map<(d0, d1) -> (0, 0, 0)>
module attributes {stable_mosaic.version = 14 : i64} {
  func.func @_sc_sum(%arg0: i32, %arg1: i32, %arg2: memref<10000x128xf32, #tpu.memory_space<hbm>>, %arg3: memref<1x2560x128xi32, #tpu.memory_space<hbm>>, %arg4: memref<1x2560x128xi32, #tpu.memory_space<hbm>>, %arg5: memref<2x10112x128xf32, #tpu.memory_space<hbm>>, %arg6: memref<4x128xi32, #tpu.memory_space<vmem>>, %arg7: memref<4x128xi32, #tpu.memory_space<vmem>>, %arg8: memref<128x128xf32, #tpu.memory_space<vmem>>, %arg9: memref<128x128xf32, #tpu.memory_space<vmem>>, %arg10: memref<!tpu.dma_semaphore, #tpu.memory_space<semaphore_mem>>, %arg11: memref<!tpu.dma_semaphore, #tpu.memory_space<semaphore_mem>>, %arg12: memref<10112x128xf32, #tpu.memory_space<vmem_shared>>) attributes {dimension_semantics = [#tpu.dimension_semantics<core_parallel>, #tpu.dimension_semantics<subcore_parallel>], iteration_bounds = array<i64: 2, 16>, scalar_prefetch = 0 : i64, scratch_operands = 7 : i64, tpu.core_type = #tpu.core_type<sc_vector_subcore>, window_params = [{transform_indices = #map}, {transform_indices = #map1}, {transform_indices = #map1}, {transform_indices = #map1}]} {
    %mul3A = arith.constant 632 : i32
    %mul3A_0 = arith.muli %arg1, %mul3A : i32
    %scan3A = arith.constant 0 : i32
    %scan3A_1 = arith.constant 0 : i32
    %scan3A_2 = arith.constant 1024 : i32
    %scan3A_3 = arith.addi %scan3A_1, %scan3A_2 : i32
    %scan3A_4 = arith.constant 1 : i32
    %scan3A_5 = scf.for %scan3A_24 = %scan3A_1 to %scan3A_3 step %scan3A_4 iter_args(%scan3A_25 = %scan3A) -> (i32)  : i32 {
      %broadcast_in_dim3A = arith.constant 0.000000e+00 : f32
      %broadcast_in_dim3A_26 = vector.broadcast %broadcast_in_dim3A : f32 to vector<16xf32>
      %jit3A = arith.constant 8 : i32
      %div3A = arith.divsi %scan3A_24, %jit3A : i32
      %sign3A = arith.constant 0 : i32
      %sign3A_27 = arith.cmpi sgt, %scan3A_24, %sign3A : i32
      %sign3A_28 = arith.extui %sign3A_27 : i1 to i32
      %sign3A_29 = arith.constant 0 : i32
      %sign3A_30 = arith.cmpi slt, %scan3A_24, %sign3A_29 : i32
      %sign3A_31 = arith.extui %sign3A_30 : i1 to i32
      %sign3A_32 = arith.subi %sign3A_28, %sign3A_31 : i32
      %sign3A_33 = arith.constant 0 : i32
      %sign3A_34 = arith.cmpi sgt, %jit3A, %sign3A_33 : i32
      %sign3A_35 = arith.extui %sign3A_34 : i1 to i32
      %sign3A_36 = arith.constant 0 : i32
      %sign3A_37 = arith.cmpi slt, %jit3A, %sign3A_36 : i32
      %sign3A_38 = arith.extui %sign3A_37 : i1 to i32
      %sign3A_39 = arith.subi %sign3A_35, %sign3A_38 : i32
      %ne3A = arith.cmpi ne, %sign3A_32, %sign3A_39 : i32
      %rem3A = arith.remsi %scan3A_24, %jit3A : i32
      %ne3A_40 = arith.constant 0 : i32
      %ne3A_41 = arith.cmpi ne, %rem3A, %ne3A_40 : i32
      %and3A = arith.andi %ne3A, %ne3A_41 : i1
      %sub3A = arith.constant 1 : i32
      %sub3A_42 = arith.subi %div3A, %sub3A : i32
      %select_n3A = arith.select %and3A, %sub3A_42, %div3A : i32
      %jit3A_43 = arith.constant 8 : i32
      %eq3A_44 = arith.constant 0 : i32
      %eq3A_45 = arith.cmpi eq, %jit3A_43, %eq3A_44 : i32
      %jit3A_46 = arith.constant 1 : i32
      %select_n3A_47 = arith.select %eq3A_45, %jit3A_46, %jit3A_43 : i32
      %rem3A_48 = arith.remsi %scan3A_24, %select_n3A_47 : i32
      %ne3A_49 = arith.constant 0 : i32
      %ne3A_50 = arith.cmpi ne, %rem3A_48, %ne3A_49 : i32
      %lt3A = arith.constant 0 : i32
      %lt3A_51 = arith.cmpi slt, %rem3A_48, %lt3A : i32
      %lt3A_52 = arith.constant 0 : i32
      %lt3A_53 = arith.cmpi slt, %select_n3A_47, %lt3A_52 : i32
      %ne3A_54 = arith.xori %lt3A_51, %lt3A_53 : i1
      %and3A_55 = arith.andi %ne3A_54, %ne3A_50 : i1
      %add3A_56 = arith.addi %rem3A_48, %select_n3A_47 : i32
      %select_n3A_57 = arith.select %and3A_55, %add3A_56, %rem3A_48 : i32
      %mul3A_58 = arith.constant 16 : i32
      %mul3A_59 = arith.muli %select_n3A_57, %mul3A_58 : i32
      %swap3A = arith.index_cast %select_n3A : i32 to index
      %swap3A_60 = arith.index_cast %mul3A_59 : i32 to index
      %swap3A_61 = tpu.vector_load %arg8[%swap3A, %swap3A_60] {strides = array<i32>} : memref<128x128xf32, #tpu.memory_space<vmem>>, vector<1x16xf32>,
      %swap3A_62 = vector.shape_cast %swap3A_61 : vector<1x16xf32> to vector<16xf32>
      %swap3A_63 = vector.shape_cast %broadcast_in_dim3A_26 : vector<16xf32> to vector<1x16xf32>
      tpu.vector_store %arg8[%swap3A, %swap3A_60], %swap3A_63 {strides = array<i32>} : memref<128x128xf32, #tpu.memory_space<vmem>>, vector<1x16xf32>,
      %scan3A_64 = arith.constant 0 : i32
      scf.yield %scan3A_64 : i32
    }
    %scan3A_6 = arith.constant 1024 : i32
    %add3A = arith.constant 0 : i32
    %add3A_7 = arith.addi %mul3A_0, %add3A : i32
    "tpu.region"() ({
      %run_scoped3A = tpu.sem_alloc : memref<!tpu.dma_semaphore, #tpu.memory_space<semaphore_mem>>
      %dma_start3A = arith.constant 0 : i32
      %dma_start3A_24 = tpu.memref_slice %arg12[%add3A_7, %dma_start3A] : memref<10112x128xf32, #tpu.memory_space<vmem_shared>> -> memref<128x128xf32, #tpu.memory_space<vmem_shared>>
      %dma_start3A_25 = arith.constant 0 : i32
      %dma_start3A_26 = tpu.memref_slice %arg12[%add3A_7, %dma_start3A_25] : memref<10112x128xf32, #tpu.memory_space<vmem_shared>> -> memref<128x128xf32, #tpu.memory_space<vmem_shared>>
      tpu.enqueue_dma source(%arg8 : memref<128x128xf32, #tpu.memory_space<vmem>>) target(%dma_start3A_26 : memref<128x128xf32, #tpu.memory_space<vmem_shared>>) target_semaphore(%run_scoped3A : memref<!tpu.dma_semaphore, #tpu.memory_space<semaphore_mem>>)
      %dma_wait3A = arith.constant 0 : i32
      %dma_wait3A_27 = tpu.memref_slice %arg12[%add3A_7, %dma_wait3A] : memref<10112x128xf32, #tpu.memory_space<vmem_shared>> -> memref<128x128xf32, #tpu.memory_space<vmem_shared>>
      %dma_wait3A_28 = arith.constant 0 : i32
      %dma_wait3A_29 = tpu.memref_slice %arg12[%add3A_7, %dma_wait3A_28] : memref<10112x128xf32, #tpu.memory_space<vmem_shared>> -> memref<128x128xf32, #tpu.memory_space<vmem_shared>>
      tpu.wait_dma2 semaphore(%run_scoped3A : memref<!tpu.dma_semaphore, #tpu.memory_space<semaphore_mem>>) src(%arg8 : memref<128x128xf32, #tpu.memory_space<vmem>>) dst(%dma_wait3A_29 : memref<128x128xf32, #tpu.memory_space<vmem_shared>>)
      tpu.yield
    }) : () -> ()
    %add3A_8 = arith.constant 128 : i32
    %add3A_9 = arith.addi %mul3A_0, %add3A_8 : i32
    "tpu.region"() ({
      %run_scoped3A = tpu.sem_alloc : memref<!tpu.dma_semaphore, #tpu.memory_space<semaphore_mem>>
      %dma_start3A = arith.constant 0 : i32
      %dma_start3A_24 = tpu.memref_slice %arg12[%add3A_9, %dma_start3A] : memref<10112x128xf32, #tpu.memory_space<vmem_shared>> -> memref<128x128xf32, #tpu.memory_space<vmem_shared>>
      %dma_start3A_25 = arith.constant 0 : i32
      %dma_start3A_26 = tpu.memref_slice %arg12[%add3A_9, %dma_start3A_25] : memref<10112x128xf32, #tpu.memory_space<vmem_shared>> -> memref<128x128xf32, #tpu.memory_space<vmem_shared>>
      tpu.enqueue_dma source(%arg8 : memref<128x128xf32, #tpu.memory_space<vmem>>) target(%dma_start3A_26 : memref<128x128xf32, #tpu.memory_space<vmem_shared>>) target_semaphore(%run_scoped3A : memref<!tpu.dma_semaphore, #tpu.memory_space<semaphore_mem>>)
      %dma_wait3A = arith.constant 0 : i32
      %dma_wait3A_27 = tpu.memref_slice %arg12[%add3A_9, %dma_wait3A] : memref<10112x128xf32, #tpu.memory_space<vmem_shared>> -> memref<128x128xf32, #tpu.memory_space<vmem_shared>>
      %dma_wait3A_28 = arith.constant 0 : i32
      %dma_wait3A_29 = tpu.memref_slice %arg12[%add3A_9, %dma_wait3A_28] : memref<10112x128xf32, #tpu.memory_space<vmem_shared>> -> memref<128x128xf32, #tpu.memory_space<vmem_shared>>
      tpu.wait_dma2 semaphore(%run_scoped3A : memref<!tpu.dma_semaphore, #tpu.memory_space<semaphore_mem>>) src(%arg8 : memref<128x128xf32, #tpu.memory_space<vmem>>) dst(%dma_wait3A_29 : memref<128x128xf32, #tpu.memory_space<vmem_shared>>)
      tpu.yield
    }) : () -> ()
    %add3A_10 = arith.constant 256 : i32
    %add3A_11 = arith.addi %mul3A_0, %add3A_10 : i32
    "tpu.region"() ({
      %run_scoped3A = tpu.sem_alloc : memref<!tpu.dma_semaphore, #tpu.memory_space<semaphore_mem>>
      %dma_start3A = arith.constant 0 : i32
      %dma_start3A_24 = tpu.memref_slice %arg12[%add3A_11, %dma_start3A] : memref<10112x128xf32, #tpu.memory_space<vmem_shared>> -> memref<128x128xf32, #tpu.memory_space<vmem_shared>>
      %dma_start3A_25 = arith.constant 0 : i32
      %dma_start3A_26 = tpu.memref_slice %arg12[%add3A_11, %dma_start3A_25] : memref<10112x128xf32, #tpu.memory_space<vmem_shared>> -> memref<128x128xf32, #tpu.memory_space<vmem_shared>>
      tpu.enqueue_dma source(%arg8 : memref<128x128xf32, #tpu.memory_space<vmem>>) target(%dma_start3A_26 : memref<128x128xf32, #tpu.memory_space<vmem_shared>>) target_semaphore(%run_scoped3A : memref<!tpu.dma_semaphore, #tpu.memory_space<semaphore_mem>>)
      %dma_wait3A = arith.constant 0 : i32
      %dma_wait3A_27 = tpu.memref_slice %arg12[%add3A_11, %dma_wait3A] : memref<10112x128xf32, #tpu.memory_space<vmem_shared>> -> memref<128x128xf32, #tpu.memory_space<vmem_shared>>
      %dma_wait3A_28 = arith.constant 0 : i32
      %dma_wait3A_29 = tpu.memref_slice %arg12[%add3A_11, %dma_wait3A_28] : memref<10112x128xf32, #tpu.memory_space<vmem_shared>> -> memref<128x128xf32, #tpu.memory_space<vmem_shared>>
      tpu.wait_dma2 semaphore(%run_scoped3A : memref<!tpu.dma_semaphore, #tpu.memory_space<semaphore_mem>>) src(%arg8 : memref<128x128xf32, #tpu.memory_space<vmem>>) dst(%dma_wait3A_29 : memref<128x128xf32, #tpu.memory_space<vmem_shared>>)
      tpu.yield
    }) : () -> ()
    %add3A_12 = arith.constant 384 : i32
    %add3A_13 = arith.addi %mul3A_0, %add3A_12 : i32
    "tpu.region"() ({
      %run_scoped3A = tpu.sem_alloc : memref<!tpu.dma_semaphore, #tpu.memory_space<semaphore_mem>>
      %dma_start3A = arith.constant 0 : i32
      %dma_start3A_24 = tpu.memref_slice %arg12[%add3A_13, %dma_start3A] : memref<10112x128xf32, #tpu.memory_space<vmem_shared>> -> memref<128x128xf32, #tpu.memory_space<vmem_shared>>
      %dma_start3A_25 = arith.constant 0 : i32
      %dma_start3A_26 = tpu.memref_slice %arg12[%add3A_13, %dma_start3A_25] : memref<10112x128xf32, #tpu.memory_space<vmem_shared>> -> memref<128x128xf32, #tpu.memory_space<vmem_shared>>
      tpu.enqueue_dma source(%arg8 : memref<128x128xf32, #tpu.memory_space<vmem>>) target(%dma_start3A_26 : memref<128x128xf32, #tpu.memory_space<vmem_shared>>) target_semaphore(%run_scoped3A : memref<!tpu.dma_semaphore, #tpu.memory_space<semaphore_mem>>)
      %dma_wait3A = arith.constant 0 : i32
      %dma_wait3A_27 = tpu.memref_slice %arg12[%add3A_13, %dma_wait3A] : memref<10112x128xf32, #tpu.memory_space<vmem_shared>> -> memref<128x128xf32, #tpu.memory_space<vmem_shared>>
      %dma_wait3A_28 = arith.constant 0 : i32
      %dma_wait3A_29 = tpu.memref_slice %arg12[%add3A_13, %dma_wait3A_28] : memref<10112x128xf32, #tpu.memory_space<vmem_shared>> -> memref<128x128xf32, #tpu.memory_space<vmem_shared>>
      tpu.wait_dma2 semaphore(%run_scoped3A : memref<!tpu.dma_semaphore, #tpu.memory_space<semaphore_mem>>) src(%arg8 : memref<128x128xf32, #tpu.memory_space<vmem>>) dst(%dma_wait3A_29 : memref<128x128xf32, #tpu.memory_space<vmem_shared>>)
      tpu.yield
    }) : () -> ()
    %add3A_14 = arith.constant 512 : i32
    %add3A_15 = arith.addi %mul3A_0, %add3A_14 : i32
    "tpu.region"() ({
      %run_scoped3A = tpu.sem_alloc : memref<!tpu.dma_semaphore, #tpu.memory_space<semaphore_mem>>
      %dma_start3A = arith.constant 0 : i32
      %dma_start3A_24 = arith.constant 0 : i32
      %dma_start3A_25 = tpu.memref_slice %arg8[%dma_start3A, %dma_start3A_24] : memref<128x128xf32, #tpu.memory_space<vmem>> -> memref<120x128xf32, #tpu.memory_space<vmem>>
      %dma_start3A_26 = arith.constant 0 : i32
      %dma_start3A_27 = tpu.memref_slice %arg12[%add3A_15, %dma_start3A_26] : memref<10112x128xf32, #tpu.memory_space<vmem_shared>> -> memref<120x128xf32, #tpu.memory_space<vmem_shared>>
      %dma_start3A_28 = arith.constant 0 : i32
      %dma_start3A_29 = tpu.memref_slice %arg12[%add3A_15, %dma_start3A_28] : memref<10112x128xf32, #tpu.memory_space<vmem_shared>> -> memref<120x128xf32, #tpu.memory_space<vmem_shared>>
      %dma_start3A_30 = arith.constant 0 : i32
      %dma_start3A_31 = arith.constant 0 : i32
      %dma_start3A_32 = tpu.memref_slice %arg8[%dma_start3A_30, %dma_start3A_31] : memref<128x128xf32, #tpu.memory_space<vmem>> -> memref<120x128xf32, #tpu.memory_space<vmem>>
      tpu.enqueue_dma source(%dma_start3A_32 : memref<120x128xf32, #tpu.memory_space<vmem>>) target(%dma_start3A_29 : memref<120x128xf32, #tpu.memory_space<vmem_shared>>) target_semaphore(%run_scoped3A : memref<!tpu.dma_semaphore, #tpu.memory_space<semaphore_mem>>)
      %dma_wait3A = arith.constant 0 : i32
      %dma_wait3A_33 = arith.constant 0 : i32
      %dma_wait3A_34 = tpu.memref_slice %arg8[%dma_wait3A, %dma_wait3A_33] : memref<128x128xf32, #tpu.memory_space<vmem>> -> memref<120x128xf32, #tpu.memory_space<vmem>>
      %dma_wait3A_35 = arith.constant 0 : i32
      %dma_wait3A_36 = tpu.memref_slice %arg12[%add3A_15, %dma_wait3A_35] : memref<10112x128xf32, #tpu.memory_space<vmem_shared>> -> memref<120x128xf32, #tpu.memory_space<vmem_shared>>
      %dma_wait3A_37 = arith.constant 0 : i32
      %dma_wait3A_38 = tpu.memref_slice %arg12[%add3A_15, %dma_wait3A_37] : memref<10112x128xf32, #tpu.memory_space<vmem_shared>> -> memref<120x128xf32, #tpu.memory_space<vmem_shared>>
      %dma_wait3A_39 = arith.constant 0 : i32
      %dma_wait3A_40 = arith.constant 0 : i32
      %dma_wait3A_41 = tpu.memref_slice %arg8[%dma_wait3A_39, %dma_wait3A_40] : memref<128x128xf32, #tpu.memory_space<vmem>> -> memref<120x128xf32, #tpu.memory_space<vmem>>
      tpu.wait_dma2 semaphore(%run_scoped3A : memref<!tpu.dma_semaphore, #tpu.memory_space<semaphore_mem>>) src(%dma_wait3A_41 : memref<120x128xf32, #tpu.memory_space<vmem>>) dst(%dma_wait3A_38 : memref<120x128xf32, #tpu.memory_space<vmem_shared>>)
      tpu.yield
    }) : () -> ()
    %barrier3A = arith.constant 0 : index
    tpu.barrier barrier_id(%barrier3A)
    %eq3A = arith.constant 0 : i32
    %eq3A_16 = arith.cmpi eq, %arg0, %eq3A : i32
    %convert_element_type3A = arith.extui %eq3A_16 : i1 to i32
    %cond3A = arith.constant 0 : i32
    %cond3A_17 = arith.cmpi ne, %convert_element_type3A, %cond3A : i32
    scf.if %cond3A_17 {
      %mul3A_24 = arith.constant 148 : i32
      %mul3A_25 = arith.muli %arg1, %mul3A_24 : i32
      %scan3A_26 = arith.constant 0 : i32
      %scan3A_27 = arith.constant 0 : i32
      %scan3A_28 = arith.constant 37 : i32
      %scan3A_29 = arith.addi %scan3A_27, %scan3A_28 : i32
      %scan3A_30 = arith.constant 1 : i32
      %scan3A_31 = scf.for %scan3A_33 = %scan3A_27 to %scan3A_29 step %scan3A_30 iter_args(%scan3A_34 = %scan3A_26) -> (i32)  : i32 {
        %mul3A_35 = arith.constant 4 : i32
        %mul3A_36 = arith.muli %mul3A_35, %scan3A_33 : i32
        %add3A_37 = arith.addi %mul3A_25, %mul3A_36 : i32
        %run_scoped3A = arith.constant 0 : i32
        "tpu.region"() ({
          %run_scoped3A_146 = tpu.sem_alloc : memref<!tpu.dma_semaphore, #tpu.memory_space<semaphore_mem>>
          %dma_start3A_147 = arith.constant 0 : i32
          %dma_start3A_148 = tpu.memref_slice %arg3[%run_scoped3A, %add3A_37, %dma_start3A_147] : memref<1x2560x128xi32, #tpu.memory_space<hbm>> -> memref<1x4x128xi32, #tpu.memory_space<hbm>>
          %dma_start3A_149 = tpu.memref_squeeze %dma_start3A_148 : memref<1x4x128xi32, #tpu.memory_space<hbm>> -> memref<4x128xi32, #tpu.memory_space<hbm>>
          %dma_start3A_150 = arith.constant 0 : i32
          %dma_start3A_151 = tpu.memref_slice %arg3[%run_scoped3A, %add3A_37, %dma_start3A_150] : memref<1x2560x128xi32, #tpu.memory_space<hbm>> -> memref<1x4x128xi32, #tpu.memory_space<hbm>>
          %dma_start3A_152 = tpu.memref_squeeze %dma_start3A_151 : memref<1x4x128xi32, #tpu.memory_space<hbm>> -> memref<4x128xi32, #tpu.memory_space<hbm>>
          tpu.enqueue_dma source(%dma_start3A_152 : memref<4x128xi32, #tpu.memory_space<hbm>>) target(%arg6 : memref<4x128xi32, #tpu.memory_space<vmem>>) target_semaphore(%run_scoped3A_146 : memref<!tpu.dma_semaphore, #tpu.memory_space<semaphore_mem>>)
          %dma_wait3A_153 = arith.constant 0 : i32
          %dma_wait3A_154 = tpu.memref_slice %arg3[%run_scoped3A, %add3A_37, %dma_wait3A_153] : memref<1x2560x128xi32, #tpu.memory_space<hbm>> -> memref<1x4x128xi32, #tpu.memory_space<hbm>>
          %dma_wait3A_155 = tpu.memref_squeeze %dma_wait3A_154 : memref<1x4x128xi32, #tpu.memory_space<hbm>> -> memref<4x128xi32, #tpu.memory_space<hbm>>
          %dma_wait3A_156 = arith.constant 0 : i32
          %dma_wait3A_157 = tpu.memref_slice %arg3[%run_scoped3A, %add3A_37, %dma_wait3A_156] : memref<1x2560x128xi32, #tpu.memory_space<hbm>> -> memref<1x4x128xi32, #tpu.memory_space<hbm>>
          %dma_wait3A_158 = tpu.memref_squeeze %dma_wait3A_157 : memref<1x4x128xi32, #tpu.memory_space<hbm>> -> memref<4x128xi32, #tpu.memory_space<hbm>>
          tpu.wait_dma2 semaphore(%run_scoped3A_146 : memref<!tpu.dma_semaphore, #tpu.memory_space<semaphore_mem>>) src(%dma_wait3A_158 : memref<4x128xi32, #tpu.memory_space<hbm>>) dst(%arg6 : memref<4x128xi32, #tpu.memory_space<vmem>>)
          tpu.yield
        }) : () -> ()
        %run_scoped3A_38 = arith.constant 0 : i32
        "tpu.region"() ({
          %run_scoped3A_146 = tpu.sem_alloc : memref<!tpu.dma_semaphore, #tpu.memory_space<semaphore_mem>>
          %dma_start3A_147 = arith.constant 0 : i32
          %dma_start3A_148 = tpu.memref_slice %arg4[%run_scoped3A_38, %add3A_37, %dma_start3A_147] : memref<1x2560x128xi32, #tpu.memory_space<hbm>> -> memref<1x4x128xi32, #tpu.memory_space<hbm>>
          %dma_start3A_149 = tpu.memref_squeeze %dma_start3A_148 : memref<1x4x128xi32, #tpu.memory_space<hbm>> -> memref<4x128xi32, #tpu.memory_space<hbm>>
          %dma_start3A_150 = arith.constant 0 : i32
          %dma_start3A_151 = tpu.memref_slice %arg4[%run_scoped3A_38, %add3A_37, %dma_start3A_150] : memref<1x2560x128xi32, #tpu.memory_space<hbm>> -> memref<1x4x128xi32, #tpu.memory_space<hbm>>
          %dma_start3A_152 = tpu.memref_squeeze %dma_start3A_151 : memref<1x4x128xi32, #tpu.memory_space<hbm>> -> memref<4x128xi32, #tpu.memory_space<hbm>>
          tpu.enqueue_dma source(%dma_start3A_152 : memref<4x128xi32, #tpu.memory_space<hbm>>) target(%arg7 : memref<4x128xi32, #tpu.memory_space<vmem>>) target_semaphore(%run_scoped3A_146 : memref<!tpu.dma_semaphore, #tpu.memory_space<semaphore_mem>>)
          %dma_wait3A_153 = arith.constant 0 : i32
          %dma_wait3A_154 = tpu.memref_slice %arg4[%run_scoped3A_38, %add3A_37, %dma_wait3A_153] : memref<1x2560x128xi32, #tpu.memory_space<hbm>> -> memref<1x4x128xi32, #tpu.memory_space<hbm>>
          %dma_wait3A_155 = tpu.memref_squeeze %dma_wait3A_154 : memref<1x4x128xi32, #tpu.memory_space<hbm>> -> memref<4x128xi32, #tpu.memory_space<hbm>>
          %dma_wait3A_156 = arith.constant 0 : i32
          %dma_wait3A_157 = tpu.memref_slice %arg4[%run_scoped3A_38, %add3A_37, %dma_wait3A_156] : memref<1x2560x128xi32, #tpu.memory_space<hbm>> -> memref<1x4x128xi32, #tpu.memory_space<hbm>>
          %dma_wait3A_158 = tpu.memref_squeeze %dma_wait3A_157 : memref<1x4x128xi32, #tpu.memory_space<hbm>> -> memref<4x128xi32, #tpu.memory_space<hbm>>
          tpu.wait_dma2 semaphore(%run_scoped3A_146 : memref<!tpu.dma_semaphore, #tpu.memory_space<semaphore_mem>>) src(%dma_wait3A_158 : memref<4x128xi32, #tpu.memory_space<hbm>>) dst(%arg7 : memref<4x128xi32, #tpu.memory_space<vmem>>)
          tpu.yield
        }) : () -> ()
        %dma_start3A = arith.constant 0 : i32
        %dma_start3A_39 = arith.constant 0 : i32
        %dma_start3A_40 = arith.constant 0 : i32
        %dma_start3A_41 = tpu.memref_slice %arg8[%dma_start3A_39, %dma_start3A_40] : memref<128x128xf32, #tpu.memory_space<vmem>> -> memref<64x128xf32, #tpu.memory_space<vmem>>
        %dma_start3A_42 = arith.constant 0 : i32
        %dma_start3A_43 = tpu.memref_slice %arg6[%dma_start3A, %dma_start3A_42] : memref<4x128xi32, #tpu.memory_space<vmem>> -> memref<1x64xi32, #tpu.memory_space<vmem>>
        %dma_start3A_44 = tpu.memref_squeeze %dma_start3A_43 : memref<1x64xi32, #tpu.memory_space<vmem>> -> memref<64xi32, #tpu.memory_space<vmem>>
        %dma_start3A_45 = arith.constant 0 : i32
        %dma_start3A_46 = arith.constant 0 : i32
        %dma_start3A_47 = tpu.memref_slice %arg2[%dma_start3A_45, %dma_start3A_46] : memref<10000x128xf32, #tpu.memory_space<hbm>> -> memref<10000x128xf32, #tpu.memory_space<hbm>>
        tpu.enqueue_indirect_dma source(%dma_start3A_47 : memref<10000x128xf32, #tpu.memory_space<hbm>>) target(%dma_start3A_41 : memref<64x128xf32, #tpu.memory_space<vmem>>) offsets(%dma_start3A_44 : memref<64xi32, #tpu.memory_space<vmem>>) semaphore(%arg10 : memref<!tpu.dma_semaphore, #tpu.memory_space<semaphore_mem>>)
        %dma_start3A_48 = arith.constant 0 : i32
        %dma_start3A_49 = arith.constant 64 : i32
        %dma_start3A_50 = arith.constant 0 : i32
        %dma_start3A_51 = tpu.memref_slice %arg8[%dma_start3A_49, %dma_start3A_50] : memref<128x128xf32, #tpu.memory_space<vmem>> -> memref<64x128xf32, #tpu.memory_space<vmem>>
        %dma_start3A_52 = arith.constant 64 : i32
        %dma_start3A_53 = tpu.memref_slice %arg6[%dma_start3A_48, %dma_start3A_52] : memref<4x128xi32, #tpu.memory_space<vmem>> -> memref<1x64xi32, #tpu.memory_space<vmem>>
        %dma_start3A_54 = tpu.memref_squeeze %dma_start3A_53 : memref<1x64xi32, #tpu.memory_space<vmem>> -> memref<64xi32, #tpu.memory_space<vmem>>
        %dma_start3A_55 = arith.constant 0 : i32
        %dma_start3A_56 = arith.constant 0 : i32
        %dma_start3A_57 = tpu.memref_slice %arg2[%dma_start3A_55, %dma_start3A_56] : memref<10000x128xf32, #tpu.memory_space<hbm>> -> memref<10000x128xf32, #tpu.memory_space<hbm>>
        tpu.enqueue_indirect_dma source(%dma_start3A_57 : memref<10000x128xf32, #tpu.memory_space<hbm>>) target(%dma_start3A_51 : memref<64x128xf32, #tpu.memory_space<vmem>>) offsets(%dma_start3A_54 : memref<64xi32, #tpu.memory_space<vmem>>) semaphore(%arg10 : memref<!tpu.dma_semaphore, #tpu.memory_space<semaphore_mem>>)
        %dma_start3A_58 = arith.constant 1 : i32
        %dma_start3A_59 = arith.constant 0 : i32
        %dma_start3A_60 = arith.constant 0 : i32
        %dma_start3A_61 = tpu.memref_slice %arg9[%dma_start3A_59, %dma_start3A_60] : memref<128x128xf32, #tpu.memory_space<vmem>> -> memref<64x128xf32, #tpu.memory_space<vmem>>
        %dma_start3A_62 = arith.constant 0 : i32
        %dma_start3A_63 = tpu.memref_slice %arg6[%dma_start3A_58, %dma_start3A_62] : memref<4x128xi32, #tpu.memory_space<vmem>> -> memref<1x64xi32, #tpu.memory_space<vmem>>
        %dma_start3A_64 = tpu.memref_squeeze %dma_start3A_63 : memref<1x64xi32, #tpu.memory_space<vmem>> -> memref<64xi32, #tpu.memory_space<vmem>>
        %dma_start3A_65 = arith.constant 0 : i32
        %dma_start3A_66 = arith.constant 0 : i32
        %dma_start3A_67 = tpu.memref_slice %arg2[%dma_start3A_65, %dma_start3A_66] : memref<10000x128xf32, #tpu.memory_space<hbm>> -> memref<10000x128xf32, #tpu.memory_space<hbm>>
        tpu.enqueue_indirect_dma source(%dma_start3A_67 : memref<10000x128xf32, #tpu.memory_space<hbm>>) target(%dma_start3A_61 : memref<64x128xf32, #tpu.memory_space<vmem>>) offsets(%dma_start3A_64 : memref<64xi32, #tpu.memory_space<vmem>>) semaphore(%arg11 : memref<!tpu.dma_semaphore, #tpu.memory_space<semaphore_mem>>)
        %dma_start3A_68 = arith.constant 1 : i32
        %dma_start3A_69 = arith.constant 64 : i32
        %dma_start3A_70 = arith.constant 0 : i32
        %dma_start3A_71 = tpu.memref_slice %arg9[%dma_start3A_69, %dma_start3A_70] : memref<128x128xf32, #tpu.memory_space<vmem>> -> memref<64x128xf32, #tpu.memory_space<vmem>>
        %dma_start3A_72 = arith.constant 64 : i32
        %dma_start3A_73 = tpu.memref_slice %arg6[%dma_start3A_68, %dma_start3A_72] : memref<4x128xi32, #tpu.memory_space<vmem>> -> memref<1x64xi32, #tpu.memory_space<vmem>>
        %dma_start3A_74 = tpu.memref_squeeze %dma_start3A_73 : memref<1x64xi32, #tpu.memory_space<vmem>> -> memref<64xi32, #tpu.memory_space<vmem>>
        %dma_start3A_75 = arith.constant 0 : i32
        %dma_start3A_76 = arith.constant 0 : i32
        %dma_start3A_77 = tpu.memref_slice %arg2[%dma_start3A_75, %dma_start3A_76] : memref<10000x128xf32, #tpu.memory_space<hbm>> -> memref<10000x128xf32, #tpu.memory_space<hbm>>
        tpu.enqueue_indirect_dma source(%dma_start3A_77 : memref<10000x128xf32, #tpu.memory_space<hbm>>) target(%dma_start3A_71 : memref<64x128xf32, #tpu.memory_space<vmem>>) offsets(%dma_start3A_74 : memref<64xi32, #tpu.memory_space<vmem>>) semaphore(%arg11 : memref<!tpu.dma_semaphore, #tpu.memory_space<semaphore_mem>>)
        %dma_wait3A = arith.constant 0 : i32
        %dma_wait3A_78 = arith.constant 0 : i32
        %dma_wait3A_79 = tpu.memref_slice %arg2[%dma_wait3A, %dma_wait3A_78] : memref<10000x128xf32, #tpu.memory_space<hbm>> -> memref<128x128xf32, #tpu.memory_space<hbm>>
        %dma_wait3A_80 = arith.constant 0 : i32
        %dma_wait3A_81 = arith.constant 0 : i32
        %dma_wait3A_82 = tpu.memref_slice %arg2[%dma_wait3A_80, %dma_wait3A_81] : memref<10000x128xf32, #tpu.memory_space<hbm>> -> memref<128x128xf32, #tpu.memory_space<hbm>>
        tpu.wait_dma2 semaphore(%arg10 : memref<!tpu.dma_semaphore, #tpu.memory_space<semaphore_mem>>) src(%dma_wait3A_82 : memref<128x128xf32, #tpu.memory_space<hbm>>) dst(%arg8 : memref<128x128xf32, #tpu.memory_space<vmem>>)
        %run_scoped3A_83 = arith.constant 0 : i32
        "tpu.region"() ({
          %run_scoped3A_146 = tpu.sem_alloc : memref<!tpu.dma_semaphore, #tpu.memory_space<semaphore_mem>>
          %dma_start3A_147 = arith.constant 0 : i32
          %dma_start3A_148 = tpu.memref_slice %arg7[%run_scoped3A_83, %dma_start3A_147] : memref<4x128xi32, #tpu.memory_space<vmem>> -> memref<1x128xi32, #tpu.memory_space<vmem>>
          %dma_start3A_149 = tpu.memref_squeeze %dma_start3A_148 : memref<1x128xi32, #tpu.memory_space<vmem>> -> memref<128xi32, #tpu.memory_space<vmem>>
          %dma_start3A_150 = arith.constant 0 : i32
          %dma_start3A_151 = arith.constant 0 : i32
          %dma_start3A_152 = tpu.memref_slice %arg12[%dma_start3A_150, %dma_start3A_151] : memref<10112x128xf32, #tpu.memory_space<vmem_shared>> -> memref<10112x128xf32, #tpu.memory_space<vmem_shared>>
          tpu.enqueue_indirect_dma source(%arg8 : memref<128x128xf32, #tpu.memory_space<vmem>>) target(%dma_start3A_152 : memref<10112x128xf32, #tpu.memory_space<vmem_shared>>) offsets(%dma_start3A_149 : memref<128xi32, #tpu.memory_space<vmem>>) semaphore(%run_scoped3A_146 : memref<!tpu.dma_semaphore, #tpu.memory_space<semaphore_mem>>) {add = true}
          %dma_wait3A_153 = arith.constant 0 : i32
          %dma_wait3A_154 = tpu.memref_slice %arg7[%run_scoped3A_83, %dma_wait3A_153] : memref<4x128xi32, #tpu.memory_space<vmem>> -> memref<1x128xi32, #tpu.memory_space<vmem>>
          %dma_wait3A_155 = tpu.memref_squeeze %dma_wait3A_154 : memref<1x128xi32, #tpu.memory_space<vmem>> -> memref<128xi32, #tpu.memory_space<vmem>>
          %dma_wait3A_156 = arith.constant 0 : i32
          %dma_wait3A_157 = arith.constant 0 : i32
          %dma_wait3A_158 = tpu.memref_slice %arg12[%dma_wait3A_156, %dma_wait3A_157] : memref<10112x128xf32, #tpu.memory_space<vmem_shared>> -> memref<10112x128xf32, #tpu.memory_space<vmem_shared>>
          tpu.wait_indirect_dma semaphore(%run_scoped3A_146 : memref<!tpu.dma_semaphore, #tpu.memory_space<semaphore_mem>>) src(%arg8 : memref<128x128xf32, #tpu.memory_space<vmem>>) dst(%dma_wait3A_158 : memref<10112x128xf32, #tpu.memory_space<vmem_shared>>)
          tpu.yield
        }) : () -> ()
        %dma_start3A_84 = arith.constant 2 : i32
        %dma_start3A_85 = arith.constant 0 : i32
        %dma_start3A_86 = arith.constant 0 : i32
        %dma_start3A_87 = tpu.memref_slice %arg8[%dma_start3A_85, %dma_start3A_86] : memref<128x128xf32, #tpu.memory_space<vmem>> -> memref<64x128xf32, #tpu.memory_space<vmem>>
        %dma_start3A_88 = arith.constant 0 : i32
        %dma_start3A_89 = tpu.memref_slice %arg6[%dma_start3A_84, %dma_start3A_88] : memref<4x128xi32, #tpu.memory_space<vmem>> -> memref<1x64xi32, #tpu.memory_space<vmem>>
        %dma_start3A_90 = tpu.memref_squeeze %dma_start3A_89 : memref<1x64xi32, #tpu.memory_space<vmem>> -> memref<64xi32, #tpu.memory_space<vmem>>
        %dma_start3A_91 = arith.constant 0 : i32
        %dma_start3A_92 = arith.constant 0 : i32
        %dma_start3A_93 = tpu.memref_slice %arg2[%dma_start3A_91, %dma_start3A_92] : memref<10000x128xf32, #tpu.memory_space<hbm>> -> memref<10000x128xf32, #tpu.memory_space<hbm>>
        tpu.enqueue_indirect_dma source(%dma_start3A_93 : memref<10000x128xf32, #tpu.memory_space<hbm>>) target(%dma_start3A_87 : memref<64x128xf32, #tpu.memory_space<vmem>>) offsets(%dma_start3A_90 : memref<64xi32, #tpu.memory_space<vmem>>) semaphore(%arg10 : memref<!tpu.dma_semaphore, #tpu.memory_space<semaphore_mem>>)
        %dma_start3A_94 = arith.constant 2 : i32
        %dma_start3A_95 = arith.constant 64 : i32
        %dma_start3A_96 = arith.constant 0 : i32
        %dma_start3A_97 = tpu.memref_slice %arg8[%dma_start3A_95, %dma_start3A_96] : memref<128x128xf32, #tpu.memory_space<vmem>> -> memref<64x128xf32, #tpu.memory_space<vmem>>
        %dma_start3A_98 = arith.constant 64 : i32
        %dma_start3A_99 = tpu.memref_slice %arg6[%dma_start3A_94, %dma_start3A_98] : memref<4x128xi32, #tpu.memory_space<vmem>> -> memref<1x64xi32, #tpu.memory_space<vmem>>
        %dma_start3A_100 = tpu.memref_squeeze %dma_start3A_99 : memref<1x64xi32, #tpu.memory_space<vmem>> -> memref<64xi32, #tpu.memory_space<vmem>>
        %dma_start3A_101 = arith.constant 0 : i32
        %dma_start3A_102 = arith.constant 0 : i32
        %dma_start3A_103 = tpu.memref_slice %arg2[%dma_start3A_101, %dma_start3A_102] : memref<10000x128xf32, #tpu.memory_space<hbm>> -> memref<10000x128xf32, #tpu.memory_space<hbm>>
        tpu.enqueue_indirect_dma source(%dma_start3A_103 : memref<10000x128xf32, #tpu.memory_space<hbm>>) target(%dma_start3A_97 : memref<64x128xf32, #tpu.memory_space<vmem>>) offsets(%dma_start3A_100 : memref<64xi32, #tpu.memory_space<vmem>>) semaphore(%arg10 : memref<!tpu.dma_semaphore, #tpu.memory_space<semaphore_mem>>)
        %dma_wait3A_104 = arith.constant 0 : i32
        %dma_wait3A_105 = arith.constant 0 : i32
        %dma_wait3A_106 = tpu.memref_slice %arg2[%dma_wait3A_104, %dma_wait3A_105] : memref<10000x128xf32, #tpu.memory_space<hbm>> -> memref<128x128xf32, #tpu.memory_space<hbm>>
        %dma_wait3A_107 = arith.constant 0 : i32
        %dma_wait3A_108 = arith.constant 0 : i32
        %dma_wait3A_109 = tpu.memref_slice %arg2[%dma_wait3A_107, %dma_wait3A_108] : memref<10000x128xf32, #tpu.memory_space<hbm>> -> memref<128x128xf32, #tpu.memory_space<hbm>>
        tpu.wait_dma2 semaphore(%arg11 : memref<!tpu.dma_semaphore, #tpu.memory_space<semaphore_mem>>) src(%dma_wait3A_109 : memref<128x128xf32, #tpu.memory_space<hbm>>) dst(%arg9 : memref<128x128xf32, #tpu.memory_space<vmem>>)
        %run_scoped3A_110 = arith.constant 1 : i32
        "tpu.region"() ({
          %run_scoped3A_146 = tpu.sem_alloc : memref<!tpu.dma_semaphore, #tpu.memory_space<semaphore_mem>>
          %dma_start3A_147 = arith.constant 0 : i32
          %dma_start3A_148 = tpu.memref_slice %arg7[%run_scoped3A_110, %dma_start3A_147] : memref<4x128xi32, #tpu.memory_space<vmem>> -> memref<1x128xi32, #tpu.memory_space<vmem>>
          %dma_start3A_149 = tpu.memref_squeeze %dma_start3A_148 : memref<1x128xi32, #tpu.memory_space<vmem>> -> memref<128xi32, #tpu.memory_space<vmem>>
          %dma_start3A_150 = arith.constant 0 : i32
          %dma_start3A_151 = arith.constant 0 : i32
          %dma_start3A_152 = tpu.memref_slice %arg12[%dma_start3A_150, %dma_start3A_151] : memref<10112x128xf32, #tpu.memory_space<vmem_shared>> -> memref<10112x128xf32, #tpu.memory_space<vmem_shared>>
          tpu.enqueue_indirect_dma source(%arg9 : memref<128x128xf32, #tpu.memory_space<vmem>>) target(%dma_start3A_152 : memref<10112x128xf32, #tpu.memory_space<vmem_shared>>) offsets(%dma_start3A_149 : memref<128xi32, #tpu.memory_space<vmem>>) semaphore(%run_scoped3A_146 : memref<!tpu.dma_semaphore, #tpu.memory_space<semaphore_mem>>) {add = true}
          %dma_wait3A_153 = arith.constant 0 : i32
          %dma_wait3A_154 = tpu.memref_slice %arg7[%run_scoped3A_110, %dma_wait3A_153] : memref<4x128xi32, #tpu.memory_space<vmem>> -> memref<1x128xi32, #tpu.memory_space<vmem>>
          %dma_wait3A_155 = tpu.memref_squeeze %dma_wait3A_154 : memref<1x128xi32, #tpu.memory_space<vmem>> -> memref<128xi32, #tpu.memory_space<vmem>>
          %dma_wait3A_156 = arith.constant 0 : i32
          %dma_wait3A_157 = arith.constant 0 : i32
          %dma_wait3A_158 = tpu.memref_slice %arg12[%dma_wait3A_156, %dma_wait3A_157] : memref<10112x128xf32, #tpu.memory_space<vmem_shared>> -> memref<10112x128xf32, #tpu.memory_space<vmem_shared>>
          tpu.wait_indirect_dma semaphore(%run_scoped3A_146 : memref<!tpu.dma_semaphore, #tpu.memory_space<semaphore_mem>>) src(%arg9 : memref<128x128xf32, #tpu.memory_space<vmem>>) dst(%dma_wait3A_158 : memref<10112x128xf32, #tpu.memory_space<vmem_shared>>)
          tpu.yield
        }) : () -> ()
        %dma_start3A_111 = arith.constant 3 : i32
        %dma_start3A_112 = arith.constant 0 : i32
        %dma_start3A_113 = arith.constant 0 : i32
        %dma_start3A_114 = tpu.memref_slice %arg9[%dma_start3A_112, %dma_start3A_113] : memref<128x128xf32, #tpu.memory_space<vmem>> -> memref<64x128xf32, #tpu.memory_space<vmem>>
        %dma_start3A_115 = arith.constant 0 : i32
        %dma_start3A_116 = tpu.memref_slice %arg6[%dma_start3A_111, %dma_start3A_115] : memref<4x128xi32, #tpu.memory_space<vmem>> -> memref<1x64xi32, #tpu.memory_space<vmem>>
        %dma_start3A_117 = tpu.memref_squeeze %dma_start3A_116 : memref<1x64xi32, #tpu.memory_space<vmem>> -> memref<64xi32, #tpu.memory_space<vmem>>
        %dma_start3A_118 = arith.constant 0 : i32
        %dma_start3A_119 = arith.constant 0 : i32
        %dma_start3A_120 = tpu.memref_slice %arg2[%dma_start3A_118, %dma_start3A_119] : memref<10000x128xf32, #tpu.memory_space<hbm>> -> memref<10000x128xf32, #tpu.memory_space<hbm>>
        tpu.enqueue_indirect_dma source(%dma_start3A_120 : memref<10000x128xf32, #tpu.memory_space<hbm>>) target(%dma_start3A_114 : memref<64x128xf32, #tpu.memory_space<vmem>>) offsets(%dma_start3A_117 : memref<64xi32, #tpu.memory_space<vmem>>) semaphore(%arg11 : memref<!tpu.dma_semaphore, #tpu.memory_space<semaphore_mem>>)
        %dma_start3A_121 = arith.constant 3 : i32
        %dma_start3A_122 = arith.constant 64 : i32
        %dma_start3A_123 = arith.constant 0 : i32
        %dma_start3A_124 = tpu.memref_slice %arg9[%dma_start3A_122, %dma_start3A_123] : memref<128x128xf32, #tpu.memory_space<vmem>> -> memref<64x128xf32, #tpu.memory_space<vmem>>
        %dma_start3A_125 = arith.constant 64 : i32
        %dma_start3A_126 = tpu.memref_slice %arg6[%dma_start3A_121, %dma_start3A_125] : memref<4x128xi32, #tpu.memory_space<vmem>> -> memref<1x64xi32, #tpu.memory_space<vmem>>
        %dma_start3A_127 = tpu.memref_squeeze %dma_start3A_126 : memref<1x64xi32, #tpu.memory_space<vmem>> -> memref<64xi32, #tpu.memory_space<vmem>>
        %dma_start3A_128 = arith.constant 0 : i32
        %dma_start3A_129 = arith.constant 0 : i32
        %dma_start3A_130 = tpu.memref_slice %arg2[%dma_start3A_128, %dma_start3A_129] : memref<10000x128xf32, #tpu.memory_space<hbm>> -> memref<10000x128xf32, #tpu.memory_space<hbm>>
        tpu.enqueue_indirect_dma source(%dma_start3A_130 : memref<10000x128xf32, #tpu.memory_space<hbm>>) target(%dma_start3A_124 : memref<64x128xf32, #tpu.memory_space<vmem>>) offsets(%dma_start3A_127 : memref<64xi32, #tpu.memory_space<vmem>>) semaphore(%arg11 : memref<!tpu.dma_semaphore, #tpu.memory_space<semaphore_mem>>)
        %dma_wait3A_131 = arith.constant 0 : i32
        %dma_wait3A_132 = arith.constant 0 : i32
        %dma_wait3A_133 = tpu.memref_slice %arg2[%dma_wait3A_131, %dma_wait3A_132] : memref<10000x128xf32, #tpu.memory_space<hbm>> -> memref<128x128xf32, #tpu.memory_space<hbm>>
        %dma_wait3A_134 = arith.constant 0 : i32
        %dma_wait3A_135 = arith.constant 0 : i32
        %dma_wait3A_136 = tpu.memref_slice %arg2[%dma_wait3A_134, %dma_wait3A_135] : memref<10000x128xf32, #tpu.memory_space<hbm>> -> memref<128x128xf32, #tpu.memory_space<hbm>>
        tpu.wait_dma2 semaphore(%arg10 : memref<!tpu.dma_semaphore, #tpu.memory_space<semaphore_mem>>) src(%dma_wait3A_136 : memref<128x128xf32, #tpu.memory_space<hbm>>) dst(%arg8 : memref<128x128xf32, #tpu.memory_space<vmem>>)
        %run_scoped3A_137 = arith.constant 2 : i32
        "tpu.region"() ({
          %run_scoped3A_146 = tpu.sem_alloc : memref<!tpu.dma_semaphore, #tpu.memory_space<semaphore_mem>>
          %dma_start3A_147 = arith.constant 0 : i32
          %dma_start3A_148 = tpu.memref_slice %arg7[%run_scoped3A_137, %dma_start3A_147] : memref<4x128xi32, #tpu.memory_space<vmem>> -> memref<1x128xi32, #tpu.memory_space<vmem>>
          %dma_start3A_149 = tpu.memref_squeeze %dma_start3A_148 : memref<1x128xi32, #tpu.memory_space<vmem>> -> memref<128xi32, #tpu.memory_space<vmem>>
          %dma_start3A_150 = arith.constant 0 : i32
          %dma_start3A_151 = arith.constant 0 : i32
          %dma_start3A_152 = tpu.memref_slice %arg12[%dma_start3A_150, %dma_start3A_151] : memref<10112x128xf32, #tpu.memory_space<vmem_shared>> -> memref<10112x128xf32, #tpu.memory_space<vmem_shared>>
          tpu.enqueue_indirect_dma source(%arg8 : memref<128x128xf32, #tpu.memory_space<vmem>>) target(%dma_start3A_152 : memref<10112x128xf32, #tpu.memory_space<vmem_shared>>) offsets(%dma_start3A_149 : memref<128xi32, #tpu.memory_space<vmem>>) semaphore(%run_scoped3A_146 : memref<!tpu.dma_semaphore, #tpu.memory_space<semaphore_mem>>) {add = true}
          %dma_wait3A_153 = arith.constant 0 : i32
          %dma_wait3A_154 = tpu.memref_slice %arg7[%run_scoped3A_137, %dma_wait3A_153] : memref<4x128xi32, #tpu.memory_space<vmem>> -> memref<1x128xi32, #tpu.memory_space<vmem>>
          %dma_wait3A_155 = tpu.memref_squeeze %dma_wait3A_154 : memref<1x128xi32, #tpu.memory_space<vmem>> -> memref<128xi32, #tpu.memory_space<vmem>>
          %dma_wait3A_156 = arith.constant 0 : i32
          %dma_wait3A_157 = arith.constant 0 : i32
          %dma_wait3A_158 = tpu.memref_slice %arg12[%dma_wait3A_156, %dma_wait3A_157] : memref<10112x128xf32, #tpu.memory_space<vmem_shared>> -> memref<10112x128xf32, #tpu.memory_space<vmem_shared>>
          tpu.wait_indirect_dma semaphore(%run_scoped3A_146 : memref<!tpu.dma_semaphore, #tpu.memory_space<semaphore_mem>>) src(%arg8 : memref<128x128xf32, #tpu.memory_space<vmem>>) dst(%dma_wait3A_158 : memref<10112x128xf32, #tpu.memory_space<vmem_shared>>)
          tpu.yield
        }) : () -> ()
        %dma_wait3A_138 = arith.constant 0 : i32
        %dma_wait3A_139 = arith.constant 0 : i32
        %dma_wait3A_140 = tpu.memref_slice %arg2[%dma_wait3A_138, %dma_wait3A_139] : memref<10000x128xf32, #tpu.memory_space<hbm>> -> memref<128x128xf32, #tpu.memory_space<hbm>>
        %dma_wait3A_141 = arith.constant 0 : i32
        %dma_wait3A_142 = arith.constant 0 : i32
        %dma_wait3A_143 = tpu.memref_slice %arg2[%dma_wait3A_141, %dma_wait3A_142] : memref<10000x128xf32, #tpu.memory_space<hbm>> -> memref<128x128xf32, #tpu.memory_space<hbm>>
        tpu.wait_dma2 semaphore(%arg11 : memref<!tpu.dma_semaphore, #tpu.memory_space<semaphore_mem>>) src(%dma_wait3A_143 : memref<128x128xf32, #tpu.memory_space<hbm>>) dst(%arg9 : memref<128x128xf32, #tpu.memory_space<vmem>>)
        %run_scoped3A_144 = arith.constant 3 : i32
        "tpu.region"() ({
          %run_scoped3A_146 = tpu.sem_alloc : memref<!tpu.dma_semaphore, #tpu.memory_space<semaphore_mem>>
          %dma_start3A_147 = arith.constant 0 : i32
          %dma_start3A_148 = tpu.memref_slice %arg7[%run_scoped3A_144, %dma_start3A_147] : memref<4x128xi32, #tpu.memory_space<vmem>> -> memref<1x128xi32, #tpu.memory_space<vmem>>
          %dma_start3A_149 = tpu.memref_squeeze %dma_start3A_148 : memref<1x128xi32, #tpu.memory_space<vmem>> -> memref<128xi32, #tpu.memory_space<vmem>>
          %dma_start3A_150 = arith.constant 0 : i32
          %dma_start3A_151 = arith.constant 0 : i32
          %dma_start3A_152 = tpu.memref_slice %arg12[%dma_start3A_150, %dma_start3A_151] : memref<10112x128xf32, #tpu.memory_space<vmem_shared>> -> memref<10112x128xf32, #tpu.memory_space<vmem_shared>>
          tpu.enqueue_indirect_dma source(%arg9 : memref<128x128xf32, #tpu.memory_space<vmem>>) target(%dma_start3A_152 : memref<10112x128xf32, #tpu.memory_space<vmem_shared>>) offsets(%dma_start3A_149 : memref<128xi32, #tpu.memory_space<vmem>>) semaphore(%run_scoped3A_146 : memref<!tpu.dma_semaphore, #tpu.memory_space<semaphore_mem>>) {add = true}
          %dma_wait3A_153 = arith.constant 0 : i32
          %dma_wait3A_154 = tpu.memref_slice %arg7[%run_scoped3A_144, %dma_wait3A_153] : memref<4x128xi32, #tpu.memory_space<vmem>> -> memref<1x128xi32, #tpu.memory_space<vmem>>
          %dma_wait3A_155 = tpu.memref_squeeze %dma_wait3A_154 : memref<1x128xi32, #tpu.memory_space<vmem>> -> memref<128xi32, #tpu.memory_space<vmem>>
          %dma_wait3A_156 = arith.constant 0 : i32
          %dma_wait3A_157 = arith.constant 0 : i32
          %dma_wait3A_158 = tpu.memref_slice %arg12[%dma_wait3A_156, %dma_wait3A_157] : memref<10112x128xf32, #tpu.memory_space<vmem_shared>> -> memref<10112x128xf32, #tpu.memory_space<vmem_shared>>
          tpu.wait_indirect_dma semaphore(%run_scoped3A_146 : memref<!tpu.dma_semaphore, #tpu.memory_space<semaphore_mem>>) src(%arg9 : memref<128x128xf32, #tpu.memory_space<vmem>>) dst(%dma_wait3A_158 : memref<10112x128xf32, #tpu.memory_space<vmem_shared>>)
          tpu.yield
        }) : () -> ()
        %scan3A_145 = arith.constant 0 : i32
        scf.yield %scan3A_145 : i32
      }
      %scan3A_32 = arith.constant 37 : i32
    } else {
    }
    %eq3A_18 = arith.constant 1 : i32
    %eq3A_19 = arith.cmpi eq, %arg0, %eq3A_18 : i32
    %convert_element_type3A_20 = arith.extui %eq3A_19 : i1 to i32
    %cond3A_21 = arith.constant 0 : i32
    %cond3A_22 = arith.cmpi ne, %convert_element_type3A_20, %cond3A_21 : i32
    scf.if %cond3A_22 {
      %mul3A_24 = arith.constant 12 : i32
      %mul3A_25 = arith.muli %arg1, %mul3A_24 : i32
      %add3A_26 = arith.constant 2368 : i32
      %add3A_27 = arith.addi %add3A_26, %mul3A_25 : i32
      %scan3A_28 = arith.constant 0 : i32
      %scan3A_29 = arith.constant 0 : i32
      %scan3A_30 = arith.constant 3 : i32
      %scan3A_31 = arith.addi %scan3A_29, %scan3A_30 : i32
      %scan3A_32 = arith.constant 1 : i32
      %scan3A_33 = scf.for %scan3A_35 = %scan3A_29 to %scan3A_31 step %scan3A_32 iter_args(%scan3A_36 = %scan3A_28) -> (i32)  : i32 {
        %mul3A_37 = arith.constant 4 : i32
        %mul3A_38 = arith.muli %mul3A_37, %scan3A_35 : i32
        %add3A_39 = arith.addi %add3A_27, %mul3A_38 : i32
        %run_scoped3A = arith.constant 0 : i32
        "tpu.region"() ({
          %run_scoped3A_148 = tpu.sem_alloc : memref<!tpu.dma_semaphore, #tpu.memory_space<semaphore_mem>>
          %dma_start3A_149 = arith.constant 0 : i32
          %dma_start3A_150 = tpu.memref_slice %arg3[%run_scoped3A, %add3A_39, %dma_start3A_149] : memref<1x2560x128xi32, #tpu.memory_space<hbm>> -> memref<1x4x128xi32, #tpu.memory_space<hbm>>
          %dma_start3A_151 = tpu.memref_squeeze %dma_start3A_150 : memref<1x4x128xi32, #tpu.memory_space<hbm>> -> memref<4x128xi32, #tpu.memory_space<hbm>>
          %dma_start3A_152 = arith.constant 0 : i32
          %dma_start3A_153 = tpu.memref_slice %arg3[%run_scoped3A, %add3A_39, %dma_start3A_152] : memref<1x2560x128xi32, #tpu.memory_space<hbm>> -> memref<1x4x128xi32, #tpu.memory_space<hbm>>
          %dma_start3A_154 = tpu.memref_squeeze %dma_start3A_153 : memref<1x4x128xi32, #tpu.memory_space<hbm>> -> memref<4x128xi32, #tpu.memory_space<hbm>>
          tpu.enqueue_dma source(%dma_start3A_154 : memref<4x128xi32, #tpu.memory_space<hbm>>) target(%arg6 : memref<4x128xi32, #tpu.memory_space<vmem>>) target_semaphore(%run_scoped3A_148 : memref<!tpu.dma_semaphore, #tpu.memory_space<semaphore_mem>>)
          %dma_wait3A_155 = arith.constant 0 : i32
          %dma_wait3A_156 = tpu.memref_slice %arg3[%run_scoped3A, %add3A_39, %dma_wait3A_155] : memref<1x2560x128xi32, #tpu.memory_space<hbm>> -> memref<1x4x128xi32, #tpu.memory_space<hbm>>
          %dma_wait3A_157 = tpu.memref_squeeze %dma_wait3A_156 : memref<1x4x128xi32, #tpu.memory_space<hbm>> -> memref<4x128xi32, #tpu.memory_space<hbm>>
          %dma_wait3A_158 = arith.constant 0 : i32
          %dma_wait3A_159 = tpu.memref_slice %arg3[%run_scoped3A, %add3A_39, %dma_wait3A_158] : memref<1x2560x128xi32, #tpu.memory_space<hbm>> -> memref<1x4x128xi32, #tpu.memory_space<hbm>>
          %dma_wait3A_160 = tpu.memref_squeeze %dma_wait3A_159 : memref<1x4x128xi32, #tpu.memory_space<hbm>> -> memref<4x128xi32, #tpu.memory_space<hbm>>
          tpu.wait_dma2 semaphore(%run_scoped3A_148 : memref<!tpu.dma_semaphore, #tpu.memory_space<semaphore_mem>>) src(%dma_wait3A_160 : memref<4x128xi32, #tpu.memory_space<hbm>>) dst(%arg6 : memref<4x128xi32, #tpu.memory_space<vmem>>)
          tpu.yield
        }) : () -> ()
        %run_scoped3A_40 = arith.constant 0 : i32
        "tpu.region"() ({
          %run_scoped3A_148 = tpu.sem_alloc : memref<!tpu.dma_semaphore, #tpu.memory_space<semaphore_mem>>
          %dma_start3A_149 = arith.constant 0 : i32
          %dma_start3A_150 = tpu.memref_slice %arg4[%run_scoped3A_40, %add3A_39, %dma_start3A_149] : memref<1x2560x128xi32, #tpu.memory_space<hbm>> -> memref<1x4x128xi32, #tpu.memory_space<hbm>>
          %dma_start3A_151 = tpu.memref_squeeze %dma_start3A_150 : memref<1x4x128xi32, #tpu.memory_space<hbm>> -> memref<4x128xi32, #tpu.memory_space<hbm>>
          %dma_start3A_152 = arith.constant 0 : i32
          %dma_start3A_153 = tpu.memref_slice %arg4[%run_scoped3A_40, %add3A_39, %dma_start3A_152] : memref<1x2560x128xi32, #tpu.memory_space<hbm>> -> memref<1x4x128xi32, #tpu.memory_space<hbm>>
          %dma_start3A_154 = tpu.memref_squeeze %dma_start3A_153 : memref<1x4x128xi32, #tpu.memory_space<hbm>> -> memref<4x128xi32, #tpu.memory_space<hbm>>
          tpu.enqueue_dma source(%dma_start3A_154 : memref<4x128xi32, #tpu.memory_space<hbm>>) target(%arg7 : memref<4x128xi32, #tpu.memory_space<vmem>>) target_semaphore(%run_scoped3A_148 : memref<!tpu.dma_semaphore, #tpu.memory_space<semaphore_mem>>)
          %dma_wait3A_155 = arith.constant 0 : i32
          %dma_wait3A_156 = tpu.memref_slice %arg4[%run_scoped3A_40, %add3A_39, %dma_wait3A_155] : memref<1x2560x128xi32, #tpu.memory_space<hbm>> -> memref<1x4x128xi32, #tpu.memory_space<hbm>>
          %dma_wait3A_157 = tpu.memref_squeeze %dma_wait3A_156 : memref<1x4x128xi32, #tpu.memory_space<hbm>> -> memref<4x128xi32, #tpu.memory_space<hbm>>
          %dma_wait3A_158 = arith.constant 0 : i32
          %dma_wait3A_159 = tpu.memref_slice %arg4[%run_scoped3A_40, %add3A_39, %dma_wait3A_158] : memref<1x2560x128xi32, #tpu.memory_space<hbm>> -> memref<1x4x128xi32, #tpu.memory_space<hbm>>
          %dma_wait3A_160 = tpu.memref_squeeze %dma_wait3A_159 : memref<1x4x128xi32, #tpu.memory_space<hbm>> -> memref<4x128xi32, #tpu.memory_space<hbm>>
          tpu.wait_dma2 semaphore(%run_scoped3A_148 : memref<!tpu.dma_semaphore, #tpu.memory_space<semaphore_mem>>) src(%dma_wait3A_160 : memref<4x128xi32, #tpu.memory_space<hbm>>) dst(%arg7 : memref<4x128xi32, #tpu.memory_space<vmem>>)
          tpu.yield
        }) : () -> ()
        %dma_start3A = arith.constant 0 : i32
        %dma_start3A_41 = arith.constant 0 : i32
        %dma_start3A_42 = arith.constant 0 : i32
        %dma_start3A_43 = tpu.memref_slice %arg8[%dma_start3A_41, %dma_start3A_42] : memref<128x128xf32, #tpu.memory_space<vmem>> -> memref<64x128xf32, #tpu.memory_space<vmem>>
        %dma_start3A_44 = arith.constant 0 : i32
        %dma_start3A_45 = tpu.memref_slice %arg6[%dma_start3A, %dma_start3A_44] : memref<4x128xi32, #tpu.memory_space<vmem>> -> memref<1x64xi32, #tpu.memory_space<vmem>>
        %dma_start3A_46 = tpu.memref_squeeze %dma_start3A_45 : memref<1x64xi32, #tpu.memory_space<vmem>> -> memref<64xi32, #tpu.memory_space<vmem>>
        %dma_start3A_47 = arith.constant 0 : i32
        %dma_start3A_48 = arith.constant 0 : i32
        %dma_start3A_49 = tpu.memref_slice %arg2[%dma_start3A_47, %dma_start3A_48] : memref<10000x128xf32, #tpu.memory_space<hbm>> -> memref<10000x128xf32, #tpu.memory_space<hbm>>
        tpu.enqueue_indirect_dma source(%dma_start3A_49 : memref<10000x128xf32, #tpu.memory_space<hbm>>) target(%dma_start3A_43 : memref<64x128xf32, #tpu.memory_space<vmem>>) offsets(%dma_start3A_46 : memref<64xi32, #tpu.memory_space<vmem>>) semaphore(%arg10 : memref<!tpu.dma_semaphore, #tpu.memory_space<semaphore_mem>>)
        %dma_start3A_50 = arith.constant 0 : i32
        %dma_start3A_51 = arith.constant 64 : i32
        %dma_start3A_52 = arith.constant 0 : i32
        %dma_start3A_53 = tpu.memref_slice %arg8[%dma_start3A_51, %dma_start3A_52] : memref<128x128xf32, #tpu.memory_space<vmem>> -> memref<64x128xf32, #tpu.memory_space<vmem>>
        %dma_start3A_54 = arith.constant 64 : i32
        %dma_start3A_55 = tpu.memref_slice %arg6[%dma_start3A_50, %dma_start3A_54] : memref<4x128xi32, #tpu.memory_space<vmem>> -> memref<1x64xi32, #tpu.memory_space<vmem>>
        %dma_start3A_56 = tpu.memref_squeeze %dma_start3A_55 : memref<1x64xi32, #tpu.memory_space<vmem>> -> memref<64xi32, #tpu.memory_space<vmem>>
        %dma_start3A_57 = arith.constant 0 : i32
        %dma_start3A_58 = arith.constant 0 : i32
        %dma_start3A_59 = tpu.memref_slice %arg2[%dma_start3A_57, %dma_start3A_58] : memref<10000x128xf32, #tpu.memory_space<hbm>> -> memref<10000x128xf32, #tpu.memory_space<hbm>>
        tpu.enqueue_indirect_dma source(%dma_start3A_59 : memref<10000x128xf32, #tpu.memory_space<hbm>>) target(%dma_start3A_53 : memref<64x128xf32, #tpu.memory_space<vmem>>) offsets(%dma_start3A_56 : memref<64xi32, #tpu.memory_space<vmem>>) semaphore(%arg10 : memref<!tpu.dma_semaphore, #tpu.memory_space<semaphore_mem>>)
        %dma_start3A_60 = arith.constant 1 : i32
        %dma_start3A_61 = arith.constant 0 : i32
        %dma_start3A_62 = arith.constant 0 : i32
        %dma_start3A_63 = tpu.memref_slice %arg9[%dma_start3A_61, %dma_start3A_62] : memref<128x128xf32, #tpu.memory_space<vmem>> -> memref<64x128xf32, #tpu.memory_space<vmem>>
        %dma_start3A_64 = arith.constant 0 : i32
        %dma_start3A_65 = tpu.memref_slice %arg6[%dma_start3A_60, %dma_start3A_64] : memref<4x128xi32, #tpu.memory_space<vmem>> -> memref<1x64xi32, #tpu.memory_space<vmem>>
        %dma_start3A_66 = tpu.memref_squeeze %dma_start3A_65 : memref<1x64xi32, #tpu.memory_space<vmem>> -> memref<64xi32, #tpu.memory_space<vmem>>
        %dma_start3A_67 = arith.constant 0 : i32
        %dma_start3A_68 = arith.constant 0 : i32
        %dma_start3A_69 = tpu.memref_slice %arg2[%dma_start3A_67, %dma_start3A_68] : memref<10000x128xf32, #tpu.memory_space<hbm>> -> memref<10000x128xf32, #tpu.memory_space<hbm>>
        tpu.enqueue_indirect_dma source(%dma_start3A_69 : memref<10000x128xf32, #tpu.memory_space<hbm>>) target(%dma_start3A_63 : memref<64x128xf32, #tpu.memory_space<vmem>>) offsets(%dma_start3A_66 : memref<64xi32, #tpu.memory_space<vmem>>) semaphore(%arg11 : memref<!tpu.dma_semaphore, #tpu.memory_space<semaphore_mem>>)
        %dma_start3A_70 = arith.constant 1 : i32
        %dma_start3A_71 = arith.constant 64 : i32
        %dma_start3A_72 = arith.constant 0 : i32
        %dma_start3A_73 = tpu.memref_slice %arg9[%dma_start3A_71, %dma_start3A_72] : memref<128x128xf32, #tpu.memory_space<vmem>> -> memref<64x128xf32, #tpu.memory_space<vmem>>
        %dma_start3A_74 = arith.constant 64 : i32
        %dma_start3A_75 = tpu.memref_slice %arg6[%dma_start3A_70, %dma_start3A_74] : memref<4x128xi32, #tpu.memory_space<vmem>> -> memref<1x64xi32, #tpu.memory_space<vmem>>
        %dma_start3A_76 = tpu.memref_squeeze %dma_start3A_75 : memref<1x64xi32, #tpu.memory_space<vmem>> -> memref<64xi32, #tpu.memory_space<vmem>>
        %dma_start3A_77 = arith.constant 0 : i32
        %dma_start3A_78 = arith.constant 0 : i32
        %dma_start3A_79 = tpu.memref_slice %arg2[%dma_start3A_77, %dma_start3A_78] : memref<10000x128xf32, #tpu.memory_space<hbm>> -> memref<10000x128xf32, #tpu.memory_space<hbm>>
        tpu.enqueue_indirect_dma source(%dma_start3A_79 : memref<10000x128xf32, #tpu.memory_space<hbm>>) target(%dma_start3A_73 : memref<64x128xf32, #tpu.memory_space<vmem>>) offsets(%dma_start3A_76 : memref<64xi32, #tpu.memory_space<vmem>>) semaphore(%arg11 : memref<!tpu.dma_semaphore, #tpu.memory_space<semaphore_mem>>)
        %dma_wait3A = arith.constant 0 : i32
        %dma_wait3A_80 = arith.constant 0 : i32
        %dma_wait3A_81 = tpu.memref_slice %arg2[%dma_wait3A, %dma_wait3A_80] : memref<10000x128xf32, #tpu.memory_space<hbm>> -> memref<128x128xf32, #tpu.memory_space<hbm>>
        %dma_wait3A_82 = arith.constant 0 : i32
        %dma_wait3A_83 = arith.constant 0 : i32
        %dma_wait3A_84 = tpu.memref_slice %arg2[%dma_wait3A_82, %dma_wait3A_83] : memref<10000x128xf32, #tpu.memory_space<hbm>> -> memref<128x128xf32, #tpu.memory_space<hbm>>
        tpu.wait_dma2 semaphore(%arg10 : memref<!tpu.dma_semaphore, #tpu.memory_space<semaphore_mem>>) src(%dma_wait3A_84 : memref<128x128xf32, #tpu.memory_space<hbm>>) dst(%arg8 : memref<128x128xf32, #tpu.memory_space<vmem>>)
        %run_scoped3A_85 = arith.constant 0 : i32
        "tpu.region"() ({
          %run_scoped3A_148 = tpu.sem_alloc : memref<!tpu.dma_semaphore, #tpu.memory_space<semaphore_mem>>
          %dma_start3A_149 = arith.constant 0 : i32
          %dma_start3A_150 = tpu.memref_slice %arg7[%run_scoped3A_85, %dma_start3A_149] : memref<4x128xi32, #tpu.memory_space<vmem>> -> memref<1x128xi32, #tpu.memory_space<vmem>>
          %dma_start3A_151 = tpu.memref_squeeze %dma_start3A_150 : memref<1x128xi32, #tpu.memory_space<vmem>> -> memref<128xi32, #tpu.memory_space<vmem>>
          %dma_start3A_152 = arith.constant 0 : i32
          %dma_start3A_153 = arith.constant 0 : i32
          %dma_start3A_154 = tpu.memref_slice %arg12[%dma_start3A_152, %dma_start3A_153] : memref<10112x128xf32, #tpu.memory_space<vmem_shared>> -> memref<10112x128xf32, #tpu.memory_space<vmem_shared>>
          tpu.enqueue_indirect_dma source(%arg8 : memref<128x128xf32, #tpu.memory_space<vmem>>) target(%dma_start3A_154 : memref<10112x128xf32, #tpu.memory_space<vmem_shared>>) offsets(%dma_start3A_151 : memref<128xi32, #tpu.memory_space<vmem>>) semaphore(%run_scoped3A_148 : memref<!tpu.dma_semaphore, #tpu.memory_space<semaphore_mem>>) {add = true}
          %dma_wait3A_155 = arith.constant 0 : i32
          %dma_wait3A_156 = tpu.memref_slice %arg7[%run_scoped3A_85, %dma_wait3A_155] : memref<4x128xi32, #tpu.memory_space<vmem>> -> memref<1x128xi32, #tpu.memory_space<vmem>>
          %dma_wait3A_157 = tpu.memref_squeeze %dma_wait3A_156 : memref<1x128xi32, #tpu.memory_space<vmem>> -> memref<128xi32, #tpu.memory_space<vmem>>
          %dma_wait3A_158 = arith.constant 0 : i32
          %dma_wait3A_159 = arith.constant 0 : i32
          %dma_wait3A_160 = tpu.memref_slice %arg12[%dma_wait3A_158, %dma_wait3A_159] : memref<10112x128xf32, #tpu.memory_space<vmem_shared>> -> memref<10112x128xf32, #tpu.memory_space<vmem_shared>>
          tpu.wait_indirect_dma semaphore(%run_scoped3A_148 : memref<!tpu.dma_semaphore, #tpu.memory_space<semaphore_mem>>) src(%arg8 : memref<128x128xf32, #tpu.memory_space<vmem>>) dst(%dma_wait3A_160 : memref<10112x128xf32, #tpu.memory_space<vmem_shared>>)
          tpu.yield
        }) : () -> ()
        %dma_start3A_86 = arith.constant 2 : i32
        %dma_start3A_87 = arith.constant 0 : i32
        %dma_start3A_88 = arith.constant 0 : i32
        %dma_start3A_89 = tpu.memref_slice %arg8[%dma_start3A_87, %dma_start3A_88] : memref<128x128xf32, #tpu.memory_space<vmem>> -> memref<64x128xf32, #tpu.memory_space<vmem>>
        %dma_start3A_90 = arith.constant 0 : i32
        %dma_start3A_91 = tpu.memref_slice %arg6[%dma_start3A_86, %dma_start3A_90] : memref<4x128xi32, #tpu.memory_space<vmem>> -> memref<1x64xi32, #tpu.memory_space<vmem>>
        %dma_start3A_92 = tpu.memref_squeeze %dma_start3A_91 : memref<1x64xi32, #tpu.memory_space<vmem>> -> memref<64xi32, #tpu.memory_space<vmem>>
        %dma_start3A_93 = arith.constant 0 : i32
        %dma_start3A_94 = arith.constant 0 : i32
        %dma_start3A_95 = tpu.memref_slice %arg2[%dma_start3A_93, %dma_start3A_94] : memref<10000x128xf32, #tpu.memory_space<hbm>> -> memref<10000x128xf32, #tpu.memory_space<hbm>>
        tpu.enqueue_indirect_dma source(%dma_start3A_95 : memref<10000x128xf32, #tpu.memory_space<hbm>>) target(%dma_start3A_89 : memref<64x128xf32, #tpu.memory_space<vmem>>) offsets(%dma_start3A_92 : memref<64xi32, #tpu.memory_space<vmem>>) semaphore(%arg10 : memref<!tpu.dma_semaphore, #tpu.memory_space<semaphore_mem>>)
        %dma_start3A_96 = arith.constant 2 : i32
        %dma_start3A_97 = arith.constant 64 : i32
        %dma_start3A_98 = arith.constant 0 : i32
        %dma_start3A_99 = tpu.memref_slice %arg8[%dma_start3A_97, %dma_start3A_98] : memref<128x128xf32, #tpu.memory_space<vmem>> -> memref<64x128xf32, #tpu.memory_space<vmem>>
        %dma_start3A_100 = arith.constant 64 : i32
        %dma_start3A_101 = tpu.memref_slice %arg6[%dma_start3A_96, %dma_start3A_100] : memref<4x128xi32, #tpu.memory_space<vmem>> -> memref<1x64xi32, #tpu.memory_space<vmem>>
        %dma_start3A_102 = tpu.memref_squeeze %dma_start3A_101 : memref<1x64xi32, #tpu.memory_space<vmem>> -> memref<64xi32, #tpu.memory_space<vmem>>
        %dma_start3A_103 = arith.constant 0 : i32
        %dma_start3A_104 = arith.constant 0 : i32
        %dma_start3A_105 = tpu.memref_slice %arg2[%dma_start3A_103, %dma_start3A_104] : memref<10000x128xf32, #tpu.memory_space<hbm>> -> memref<10000x128xf32, #tpu.memory_space<hbm>>
        tpu.enqueue_indirect_dma source(%dma_start3A_105 : memref<10000x128xf32, #tpu.memory_space<hbm>>) target(%dma_start3A_99 : memref<64x128xf32, #tpu.memory_space<vmem>>) offsets(%dma_start3A_102 : memref<64xi32, #tpu.memory_space<vmem>>) semaphore(%arg10 : memref<!tpu.dma_semaphore, #tpu.memory_space<semaphore_mem>>)
        %dma_wait3A_106 = arith.constant 0 : i32
        %dma_wait3A_107 = arith.constant 0 : i32
        %dma_wait3A_108 = tpu.memref_slice %arg2[%dma_wait3A_106, %dma_wait3A_107] : memref<10000x128xf32, #tpu.memory_space<hbm>> -> memref<128x128xf32, #tpu.memory_space<hbm>>
        %dma_wait3A_109 = arith.constant 0 : i32
        %dma_wait3A_110 = arith.constant 0 : i32
        %dma_wait3A_111 = tpu.memref_slice %arg2[%dma_wait3A_109, %dma_wait3A_110] : memref<10000x128xf32, #tpu.memory_space<hbm>> -> memref<128x128xf32, #tpu.memory_space<hbm>>
        tpu.wait_dma2 semaphore(%arg11 : memref<!tpu.dma_semaphore, #tpu.memory_space<semaphore_mem>>) src(%dma_wait3A_111 : memref<128x128xf32, #tpu.memory_space<hbm>>) dst(%arg9 : memref<128x128xf32, #tpu.memory_space<vmem>>)
        %run_scoped3A_112 = arith.constant 1 : i32
        "tpu.region"() ({
          %run_scoped3A_148 = tpu.sem_alloc : memref<!tpu.dma_semaphore, #tpu.memory_space<semaphore_mem>>
          %dma_start3A_149 = arith.constant 0 : i32
          %dma_start3A_150 = tpu.memref_slice %arg7[%run_scoped3A_112, %dma_start3A_149] : memref<4x128xi32, #tpu.memory_space<vmem>> -> memref<1x128xi32, #tpu.memory_space<vmem>>
          %dma_start3A_151 = tpu.memref_squeeze %dma_start3A_150 : memref<1x128xi32, #tpu.memory_space<vmem>> -> memref<128xi32, #tpu.memory_space<vmem>>
          %dma_start3A_152 = arith.constant 0 : i32
          %dma_start3A_153 = arith.constant 0 : i32
          %dma_start3A_154 = tpu.memref_slice %arg12[%dma_start3A_152, %dma_start3A_153] : memref<10112x128xf32, #tpu.memory_space<vmem_shared>> -> memref<10112x128xf32, #tpu.memory_space<vmem_shared>>
          tpu.enqueue_indirect_dma source(%arg9 : memref<128x128xf32, #tpu.memory_space<vmem>>) target(%dma_start3A_154 : memref<10112x128xf32, #tpu.memory_space<vmem_shared>>) offsets(%dma_start3A_151 : memref<128xi32, #tpu.memory_space<vmem>>) semaphore(%run_scoped3A_148 : memref<!tpu.dma_semaphore, #tpu.memory_space<semaphore_mem>>) {add = true}
          %dma_wait3A_155 = arith.constant 0 : i32
          %dma_wait3A_156 = tpu.memref_slice %arg7[%run_scoped3A_112, %dma_wait3A_155] : memref<4x128xi32, #tpu.memory_space<vmem>> -> memref<1x128xi32, #tpu.memory_space<vmem>>
          %dma_wait3A_157 = tpu.memref_squeeze %dma_wait3A_156 : memref<1x128xi32, #tpu.memory_space<vmem>> -> memref<128xi32, #tpu.memory_space<vmem>>
          %dma_wait3A_158 = arith.constant 0 : i32
          %dma_wait3A_159 = arith.constant 0 : i32
          %dma_wait3A_160 = tpu.memref_slice %arg12[%dma_wait3A_158, %dma_wait3A_159] : memref<10112x128xf32, #tpu.memory_space<vmem_shared>> -> memref<10112x128xf32, #tpu.memory_space<vmem_shared>>
          tpu.wait_indirect_dma semaphore(%run_scoped3A_148 : memref<!tpu.dma_semaphore, #tpu.memory_space<semaphore_mem>>) src(%arg9 : memref<128x128xf32, #tpu.memory_space<vmem>>) dst(%dma_wait3A_160 : memref<10112x128xf32, #tpu.memory_space<vmem_shared>>)
          tpu.yield
        }) : () -> ()
        %dma_start3A_113 = arith.constant 3 : i32
        %dma_start3A_114 = arith.constant 0 : i32
        %dma_start3A_115 = arith.constant 0 : i32
        %dma_start3A_116 = tpu.memref_slice %arg9[%dma_start3A_114, %dma_start3A_115] : memref<128x128xf32, #tpu.memory_space<vmem>> -> memref<64x128xf32, #tpu.memory_space<vmem>>
        %dma_start3A_117 = arith.constant 0 : i32
        %dma_start3A_118 = tpu.memref_slice %arg6[%dma_start3A_113, %dma_start3A_117] : memref<4x128xi32, #tpu.memory_space<vmem>> -> memref<1x64xi32, #tpu.memory_space<vmem>>
        %dma_start3A_119 = tpu.memref_squeeze %dma_start3A_118 : memref<1x64xi32, #tpu.memory_space<vmem>> -> memref<64xi32, #tpu.memory_space<vmem>>
        %dma_start3A_120 = arith.constant 0 : i32
        %dma_start3A_121 = arith.constant 0 : i32
        %dma_start3A_122 = tpu.memref_slice %arg2[%dma_start3A_120, %dma_start3A_121] : memref<10000x128xf32, #tpu.memory_space<hbm>> -> memref<10000x128xf32, #tpu.memory_space<hbm>>
        tpu.enqueue_indirect_dma source(%dma_start3A_122 : memref<10000x128xf32, #tpu.memory_space<hbm>>) target(%dma_start3A_116 : memref<64x128xf32, #tpu.memory_space<vmem>>) offsets(%dma_start3A_119 : memref<64xi32, #tpu.memory_space<vmem>>) semaphore(%arg11 : memref<!tpu.dma_semaphore, #tpu.memory_space<semaphore_mem>>)
        %dma_start3A_123 = arith.constant 3 : i32
        %dma_start3A_124 = arith.constant 64 : i32
        %dma_start3A_125 = arith.constant 0 : i32
        %dma_start3A_126 = tpu.memref_slice %arg9[%dma_start3A_124, %dma_start3A_125] : memref<128x128xf32, #tpu.memory_space<vmem>> -> memref<64x128xf32, #tpu.memory_space<vmem>>
        %dma_start3A_127 = arith.constant 64 : i32
        %dma_start3A_128 = tpu.memref_slice %arg6[%dma_start3A_123, %dma_start3A_127] : memref<4x128xi32, #tpu.memory_space<vmem>> -> memref<1x64xi32, #tpu.memory_space<vmem>>
        %dma_start3A_129 = tpu.memref_squeeze %dma_start3A_128 : memref<1x64xi32, #tpu.memory_space<vmem>> -> memref<64xi32, #tpu.memory_space<vmem>>
        %dma_start3A_130 = arith.constant 0 : i32
        %dma_start3A_131 = arith.constant 0 : i32
        %dma_start3A_132 = tpu.memref_slice %arg2[%dma_start3A_130, %dma_start3A_131] : memref<10000x128xf32, #tpu.memory_space<hbm>> -> memref<10000x128xf32, #tpu.memory_space<hbm>>
        tpu.enqueue_indirect_dma source(%dma_start3A_132 : memref<10000x128xf32, #tpu.memory_space<hbm>>) target(%dma_start3A_126 : memref<64x128xf32, #tpu.memory_space<vmem>>) offsets(%dma_start3A_129 : memref<64xi32, #tpu.memory_space<vmem>>) semaphore(%arg11 : memref<!tpu.dma_semaphore, #tpu.memory_space<semaphore_mem>>)
        %dma_wait3A_133 = arith.constant 0 : i32
        %dma_wait3A_134 = arith.constant 0 : i32
        %dma_wait3A_135 = tpu.memref_slice %arg2[%dma_wait3A_133, %dma_wait3A_134] : memref<10000x128xf32, #tpu.memory_space<hbm>> -> memref<128x128xf32, #tpu.memory_space<hbm>>
        %dma_wait3A_136 = arith.constant 0 : i32
        %dma_wait3A_137 = arith.constant 0 : i32
        %dma_wait3A_138 = tpu.memref_slice %arg2[%dma_wait3A_136, %dma_wait3A_137] : memref<10000x128xf32, #tpu.memory_space<hbm>> -> memref<128x128xf32, #tpu.memory_space<hbm>>
        tpu.wait_dma2 semaphore(%arg10 : memref<!tpu.dma_semaphore, #tpu.memory_space<semaphore_mem>>) src(%dma_wait3A_138 : memref<128x128xf32, #tpu.memory_space<hbm>>) dst(%arg8 : memref<128x128xf32, #tpu.memory_space<vmem>>)
        %run_scoped3A_139 = arith.constant 2 : i32
        "tpu.region"() ({
          %run_scoped3A_148 = tpu.sem_alloc : memref<!tpu.dma_semaphore, #tpu.memory_space<semaphore_mem>>
          %dma_start3A_149 = arith.constant 0 : i32
          %dma_start3A_150 = tpu.memref_slice %arg7[%run_scoped3A_139, %dma_start3A_149] : memref<4x128xi32, #tpu.memory_space<vmem>> -> memref<1x128xi32, #tpu.memory_space<vmem>>
          %dma_start3A_151 = tpu.memref_squeeze %dma_start3A_150 : memref<1x128xi32, #tpu.memory_space<vmem>> -> memref<128xi32, #tpu.memory_space<vmem>>
          %dma_start3A_152 = arith.constant 0 : i32
          %dma_start3A_153 = arith.constant 0 : i32
          %dma_start3A_154 = tpu.memref_slice %arg12[%dma_start3A_152, %dma_start3A_153] : memref<10112x128xf32, #tpu.memory_space<vmem_shared>> -> memref<10112x128xf32, #tpu.memory_space<vmem_shared>>
          tpu.enqueue_indirect_dma source(%arg8 : memref<128x128xf32, #tpu.memory_space<vmem>>) target(%dma_start3A_154 : memref<10112x128xf32, #tpu.memory_space<vmem_shared>>) offsets(%dma_start3A_151 : memref<128xi32, #tpu.memory_space<vmem>>) semaphore(%run_scoped3A_148 : memref<!tpu.dma_semaphore, #tpu.memory_space<semaphore_mem>>) {add = true}
          %dma_wait3A_155 = arith.constant 0 : i32
          %dma_wait3A_156 = tpu.memref_slice %arg7[%run_scoped3A_139, %dma_wait3A_155] : memref<4x128xi32, #tpu.memory_space<vmem>> -> memref<1x128xi32, #tpu.memory_space<vmem>>
          %dma_wait3A_157 = tpu.memref_squeeze %dma_wait3A_156 : memref<1x128xi32, #tpu.memory_space<vmem>> -> memref<128xi32, #tpu.memory_space<vmem>>
          %dma_wait3A_158 = arith.constant 0 : i32
          %dma_wait3A_159 = arith.constant 0 : i32
          %dma_wait3A_160 = tpu.memref_slice %arg12[%dma_wait3A_158, %dma_wait3A_159] : memref<10112x128xf32, #tpu.memory_space<vmem_shared>> -> memref<10112x128xf32, #tpu.memory_space<vmem_shared>>
          tpu.wait_indirect_dma semaphore(%run_scoped3A_148 : memref<!tpu.dma_semaphore, #tpu.memory_space<semaphore_mem>>) src(%arg8 : memref<128x128xf32, #tpu.memory_space<vmem>>) dst(%dma_wait3A_160 : memref<10112x128xf32, #tpu.memory_space<vmem_shared>>)
          tpu.yield
        }) : () -> ()
        %dma_wait3A_140 = arith.constant 0 : i32
        %dma_wait3A_141 = arith.constant 0 : i32
        %dma_wait3A_142 = tpu.memref_slice %arg2[%dma_wait3A_140, %dma_wait3A_141] : memref<10000x128xf32, #tpu.memory_space<hbm>> -> memref<128x128xf32, #tpu.memory_space<hbm>>
        %dma_wait3A_143 = arith.constant 0 : i32
        %dma_wait3A_144 = arith.constant 0 : i32
        %dma_wait3A_145 = tpu.memref_slice %arg2[%dma_wait3A_143, %dma_wait3A_144] : memref<10000x128xf32, #tpu.memory_space<hbm>> -> memref<128x128xf32, #tpu.memory_space<hbm>>
        tpu.wait_dma2 semaphore(%arg11 : memref<!tpu.dma_semaphore, #tpu.memory_space<semaphore_mem>>) src(%dma_wait3A_145 : memref<128x128xf32, #tpu.memory_space<hbm>>) dst(%arg9 : memref<128x128xf32, #tpu.memory_space<vmem>>)
        %run_scoped3A_146 = arith.constant 3 : i32
        "tpu.region"() ({
          %run_scoped3A_148 = tpu.sem_alloc : memref<!tpu.dma_semaphore, #tpu.memory_space<semaphore_mem>>
          %dma_start3A_149 = arith.constant 0 : i32
          %dma_start3A_150 = tpu.memref_slice %arg7[%run_scoped3A_146, %dma_start3A_149] : memref<4x128xi32, #tpu.memory_space<vmem>> -> memref<1x128xi32, #tpu.memory_space<vmem>>
          %dma_start3A_151 = tpu.memref_squeeze %dma_start3A_150 : memref<1x128xi32, #tpu.memory_space<vmem>> -> memref<128xi32, #tpu.memory_space<vmem>>
          %dma_start3A_152 = arith.constant 0 : i32
          %dma_start3A_153 = arith.constant 0 : i32
          %dma_start3A_154 = tpu.memref_slice %arg12[%dma_start3A_152, %dma_start3A_153] : memref<10112x128xf32, #tpu.memory_space<vmem_shared>> -> memref<10112x128xf32, #tpu.memory_space<vmem_shared>>
          tpu.enqueue_indirect_dma source(%arg9 : memref<128x128xf32, #tpu.memory_space<vmem>>) target(%dma_start3A_154 : memref<10112x128xf32, #tpu.memory_space<vmem_shared>>) offsets(%dma_start3A_151 : memref<128xi32, #tpu.memory_space<vmem>>) semaphore(%run_scoped3A_148 : memref<!tpu.dma_semaphore, #tpu.memory_space<semaphore_mem>>) {add = true}
          %dma_wait3A_155 = arith.constant 0 : i32
          %dma_wait3A_156 = tpu.memref_slice %arg7[%run_scoped3A_146, %dma_wait3A_155] : memref<4x128xi32, #tpu.memory_space<vmem>> -> memref<1x128xi32, #tpu.memory_space<vmem>>
          %dma_wait3A_157 = tpu.memref_squeeze %dma_wait3A_156 : memref<1x128xi32, #tpu.memory_space<vmem>> -> memref<128xi32, #tpu.memory_space<vmem>>
          %dma_wait3A_158 = arith.constant 0 : i32
          %dma_wait3A_159 = arith.constant 0 : i32
          %dma_wait3A_160 = tpu.memref_slice %arg12[%dma_wait3A_158, %dma_wait3A_159] : memref<10112x128xf32, #tpu.memory_space<vmem_shared>> -> memref<10112x128xf32, #tpu.memory_space<vmem_shared>>
          tpu.wait_indirect_dma semaphore(%run_scoped3A_148 : memref<!tpu.dma_semaphore, #tpu.memory_space<semaphore_mem>>) src(%arg9 : memref<128x128xf32, #tpu.memory_space<vmem>>) dst(%dma_wait3A_160 : memref<10112x128xf32, #tpu.memory_space<vmem_shared>>)
          tpu.yield
        }) : () -> ()
        %scan3A_147 = arith.constant 0 : i32
        scf.yield %scan3A_147 : i32
      }
      %scan3A_34 = arith.constant 3 : i32
    } else {
    }
    %barrier3A_23 = arith.constant 0 : index
    tpu.barrier barrier_id(%barrier3A_23)
    "tpu.region"() ({
      %run_scoped3A = tpu.sem_alloc : memref<!tpu.dma_semaphore, #tpu.memory_space<semaphore_mem>>
      %dma_start3A = arith.constant 0 : i32
      %dma_start3A_24 = tpu.memref_slice %arg5[%arg0, %mul3A_0, %dma_start3A] : memref<2x10112x128xf32, #tpu.memory_space<hbm>> -> memref<1x632x128xf32, #tpu.memory_space<hbm>>
      %dma_start3A_25 = tpu.memref_squeeze %dma_start3A_24 : memref<1x632x128xf32, #tpu.memory_space<hbm>> -> memref<632x128xf32, #tpu.memory_space<hbm>>
      %dma_start3A_26 = arith.constant 0 : i32
      %dma_start3A_27 = tpu.memref_slice %arg12[%mul3A_0, %dma_start3A_26] : memref<10112x128xf32, #tpu.memory_space<vmem_shared>> -> memref<632x128xf32, #tpu.memory_space<vmem_shared>>
      tpu.enqueue_dma source(%dma_start3A_27 : memref<632x128xf32, #tpu.memory_space<vmem_shared>>) target(%dma_start3A_25 : memref<632x128xf32, #tpu.memory_space<hbm>>) target_semaphore(%run_scoped3A : memref<!tpu.dma_semaphore, #tpu.memory_space<semaphore_mem>>)
      %dma_wait3A = arith.constant 0 : i32
      %dma_wait3A_28 = tpu.memref_slice %arg5[%arg0, %mul3A_0, %dma_wait3A] : memref<2x10112x128xf32, #tpu.memory_space<hbm>> -> memref<1x632x128xf32, #tpu.memory_space<hbm>>
      %dma_wait3A_29 = tpu.memref_squeeze %dma_wait3A_28 : memref<1x632x128xf32, #tpu.memory_space<hbm>> -> memref<632x128xf32, #tpu.memory_space<hbm>>
      %dma_wait3A_30 = arith.constant 0 : i32
      %dma_wait3A_31 = tpu.memref_slice %arg12[%mul3A_0, %dma_wait3A_30] : memref<10112x128xf32, #tpu.memory_space<vmem_shared>> -> memref<632x128xf32, #tpu.memory_space<vmem_shared>>
      tpu.wait_dma2 semaphore(%run_scoped3A : memref<!tpu.dma_semaphore, #tpu.memory_space<semaphore_mem>>) src(%dma_wait3A_31 : memref<632x128xf32, #tpu.memory_space<vmem_shared>>) dst(%dma_wait3A_29 : memref<632x128xf32, #tpu.memory_space<hbm>>)
      tpu.yield
    }) : () -> ()
    return
  }
}

#map = affine_map<(d0, d1) -> (0, 0, 0)>
module attributes {stable_mosaic.version = 14 : i64} {
  func.func @_sc_ones(%arg0: i32, %arg1: i32, %arg2: memref<1x2560x128xi32, #tpu.memory_space<hbm>>, %arg3: memref<2x10112x128xf32, #tpu.memory_space<hbm>>, %arg4: memref<40x128xi32, #tpu.memory_space<vmem>>, %arg5: memref<128x128xf32, #tpu.memory_space<vmem>>, %arg6: memref<!tpu.dma_semaphore, #tpu.memory_space<semaphore_mem>>, %arg7: memref<10112x128xf32, #tpu.memory_space<vmem_shared>>) attributes {dimension_semantics = [#tpu.dimension_semantics<core_parallel>, #tpu.dimension_semantics<subcore_parallel>], iteration_bounds = array<i64: 2, 16>, scalar_prefetch = 0 : i64, scratch_operands = 4 : i64, tpu.core_type = #tpu.core_type<sc_vector_subcore>, window_params = [{transform_indices = #map}, {transform_indices = #map}]} {
    %mul3A = arith.constant 16 : i32
    %mul3A_0 = arith.muli %arg0, %mul3A : i32
    %add3A = arith.addi %mul3A_0, %arg1 : i32
    %mul3A_1 = arith.constant 632 : i32
    %mul3A_2 = arith.muli %arg1, %mul3A_1 : i32
    %scan3A = arith.constant 0 : i32
    %scan3A_3 = arith.constant 0 : i32
    %scan3A_4 = arith.constant 1024 : i32
    %scan3A_5 = arith.addi %scan3A_3, %scan3A_4 : i32
    %scan3A_6 = arith.constant 1 : i32
    %scan3A_7 = scf.for %scan3A_85 = %scan3A_3 to %scan3A_5 step %scan3A_6 iter_args(%scan3A_86 = %scan3A) -> (i32)  : i32 {
      %broadcast_in_dim3A = arith.constant 0.000000e+00 : f32
      %broadcast_in_dim3A_87 = vector.broadcast %broadcast_in_dim3A : f32 to vector<16xf32>
      %jit3A = arith.constant 8 : i32
      %div3A = arith.divsi %scan3A_85, %jit3A : i32
      %sign3A = arith.constant 0 : i32
      %sign3A_88 = arith.cmpi sgt, %scan3A_85, %sign3A : i32
      %sign3A_89 = arith.extui %sign3A_88 : i1 to i32
      %sign3A_90 = arith.constant 0 : i32
      %sign3A_91 = arith.cmpi slt, %scan3A_85, %sign3A_90 : i32
      %sign3A_92 = arith.extui %sign3A_91 : i1 to i32
      %sign3A_93 = arith.subi %sign3A_89, %sign3A_92 : i32
      %sign3A_94 = arith.constant 0 : i32
      %sign3A_95 = arith.cmpi sgt, %jit3A, %sign3A_94 : i32
      %sign3A_96 = arith.extui %sign3A_95 : i1 to i32
      %sign3A_97 = arith.constant 0 : i32
      %sign3A_98 = arith.cmpi slt, %jit3A, %sign3A_97 : i32
      %sign3A_99 = arith.extui %sign3A_98 : i1 to i32
      %sign3A_100 = arith.subi %sign3A_96, %sign3A_99 : i32
      %ne3A = arith.cmpi ne, %sign3A_93, %sign3A_100 : i32
      %rem3A = arith.remsi %scan3A_85, %jit3A : i32
      %ne3A_101 = arith.constant 0 : i32
      %ne3A_102 = arith.cmpi ne, %rem3A, %ne3A_101 : i32
      %and3A = arith.andi %ne3A, %ne3A_102 : i1
      %sub3A = arith.constant 1 : i32
      %sub3A_103 = arith.subi %div3A, %sub3A : i32
      %select_n3A = arith.select %and3A, %sub3A_103, %div3A : i32
      %jit3A_104 = arith.constant 8 : i32
      %eq3A = arith.constant 0 : i32
      %eq3A_105 = arith.cmpi eq, %jit3A_104, %eq3A : i32
      %jit3A_106 = arith.constant 1 : i32
      %select_n3A_107 = arith.select %eq3A_105, %jit3A_106, %jit3A_104 : i32
      %rem3A_108 = arith.remsi %scan3A_85, %select_n3A_107 : i32
      %ne3A_109 = arith.constant 0 : i32
      %ne3A_110 = arith.cmpi ne, %rem3A_108, %ne3A_109 : i32
      %lt3A = arith.constant 0 : i32
      %lt3A_111 = arith.cmpi slt, %rem3A_108, %lt3A : i32
      %lt3A_112 = arith.constant 0 : i32
      %lt3A_113 = arith.cmpi slt, %select_n3A_107, %lt3A_112 : i32
      %ne3A_114 = arith.xori %lt3A_111, %lt3A_113 : i1
      %and3A_115 = arith.andi %ne3A_114, %ne3A_110 : i1
      %add3A_116 = arith.addi %rem3A_108, %select_n3A_107 : i32
      %select_n3A_117 = arith.select %and3A_115, %add3A_116, %rem3A_108 : i32
      %mul3A_118 = arith.constant 16 : i32
      %mul3A_119 = arith.muli %select_n3A_117, %mul3A_118 : i32
      %swap3A = arith.index_cast %select_n3A : i32 to index
      %swap3A_120 = arith.index_cast %mul3A_119 : i32 to index
      %swap3A_121 = tpu.vector_load %arg5[%swap3A, %swap3A_120] {strides = array<i32>} : memref<128x128xf32, #tpu.memory_space<vmem>>, vector<1x16xf32>,
      %swap3A_122 = vector.shape_cast %swap3A_121 : vector<1x16xf32> to vector<16xf32>
      %swap3A_123 = vector.shape_cast %broadcast_in_dim3A_87 : vector<16xf32> to vector<1x16xf32>
      tpu.vector_store %arg5[%swap3A, %swap3A_120], %swap3A_123 {strides = array<i32>} : memref<128x128xf32, #tpu.memory_space<vmem>>, vector<1x16xf32>,
      %scan3A_124 = arith.constant 0 : i32
      scf.yield %scan3A_124 : i32
    }
    %scan3A_8 = arith.constant 1024 : i32
    %add3A_9 = arith.constant 0 : i32
    %add3A_10 = arith.addi %mul3A_2, %add3A_9 : i32
    "tpu.region"() ({
      %run_scoped3A_85 = tpu.sem_alloc : memref<!tpu.dma_semaphore, #tpu.memory_space<semaphore_mem>>
      %dma_start3A = arith.constant 0 : i32
      %dma_start3A_86 = tpu.memref_slice %arg7[%add3A_10, %dma_start3A] : memref<10112x128xf32, #tpu.memory_space<vmem_shared>> -> memref<128x128xf32, #tpu.memory_space<vmem_shared>>
      %dma_start3A_87 = arith.constant 0 : i32
      %dma_start3A_88 = tpu.memref_slice %arg7[%add3A_10, %dma_start3A_87] : memref<10112x128xf32, #tpu.memory_space<vmem_shared>> -> memref<128x128xf32, #tpu.memory_space<vmem_shared>>
      tpu.enqueue_dma source(%arg5 : memref<128x128xf32, #tpu.memory_space<vmem>>) target(%dma_start3A_88 : memref<128x128xf32, #tpu.memory_space<vmem_shared>>) target_semaphore(%run_scoped3A_85 : memref<!tpu.dma_semaphore, #tpu.memory_space<semaphore_mem>>)
      %dma_wait3A_89 = arith.constant 0 : i32
      %dma_wait3A_90 = tpu.memref_slice %arg7[%add3A_10, %dma_wait3A_89] : memref<10112x128xf32, #tpu.memory_space<vmem_shared>> -> memref<128x128xf32, #tpu.memory_space<vmem_shared>>
      %dma_wait3A_91 = arith.constant 0 : i32
      %dma_wait3A_92 = tpu.memref_slice %arg7[%add3A_10, %dma_wait3A_91] : memref<10112x128xf32, #tpu.memory_space<vmem_shared>> -> memref<128x128xf32, #tpu.memory_space<vmem_shared>>
      tpu.wait_dma2 semaphore(%run_scoped3A_85 : memref<!tpu.dma_semaphore, #tpu.memory_space<semaphore_mem>>) src(%arg5 : memref<128x128xf32, #tpu.memory_space<vmem>>) dst(%dma_wait3A_92 : memref<128x128xf32, #tpu.memory_space<vmem_shared>>)
      tpu.yield
    }) : () -> ()
    %add3A_11 = arith.constant 128 : i32
    %add3A_12 = arith.addi %mul3A_2, %add3A_11 : i32
    "tpu.region"() ({
      %run_scoped3A_85 = tpu.sem_alloc : memref<!tpu.dma_semaphore, #tpu.memory_space<semaphore_mem>>
      %dma_start3A = arith.constant 0 : i32
      %dma_start3A_86 = tpu.memref_slice %arg7[%add3A_12, %dma_start3A] : memref<10112x128xf32, #tpu.memory_space<vmem_shared>> -> memref<128x128xf32, #tpu.memory_space<vmem_shared>>
      %dma_start3A_87 = arith.constant 0 : i32
      %dma_start3A_88 = tpu.memref_slice %arg7[%add3A_12, %dma_start3A_87] : memref<10112x128xf32, #tpu.memory_space<vmem_shared>> -> memref<128x128xf32, #tpu.memory_space<vmem_shared>>
      tpu.enqueue_dma source(%arg5 : memref<128x128xf32, #tpu.memory_space<vmem>>) target(%dma_start3A_88 : memref<128x128xf32, #tpu.memory_space<vmem_shared>>) target_semaphore(%run_scoped3A_85 : memref<!tpu.dma_semaphore, #tpu.memory_space<semaphore_mem>>)
      %dma_wait3A_89 = arith.constant 0 : i32
      %dma_wait3A_90 = tpu.memref_slice %arg7[%add3A_12, %dma_wait3A_89] : memref<10112x128xf32, #tpu.memory_space<vmem_shared>> -> memref<128x128xf32, #tpu.memory_space<vmem_shared>>
      %dma_wait3A_91 = arith.constant 0 : i32
      %dma_wait3A_92 = tpu.memref_slice %arg7[%add3A_12, %dma_wait3A_91] : memref<10112x128xf32, #tpu.memory_space<vmem_shared>> -> memref<128x128xf32, #tpu.memory_space<vmem_shared>>
      tpu.wait_dma2 semaphore(%run_scoped3A_85 : memref<!tpu.dma_semaphore, #tpu.memory_space<semaphore_mem>>) src(%arg5 : memref<128x128xf32, #tpu.memory_space<vmem>>) dst(%dma_wait3A_92 : memref<128x128xf32, #tpu.memory_space<vmem_shared>>)
      tpu.yield
    }) : () -> ()
    %add3A_13 = arith.constant 256 : i32
    %add3A_14 = arith.addi %mul3A_2, %add3A_13 : i32
    "tpu.region"() ({
      %run_scoped3A_85 = tpu.sem_alloc : memref<!tpu.dma_semaphore, #tpu.memory_space<semaphore_mem>>
      %dma_start3A = arith.constant 0 : i32
      %dma_start3A_86 = tpu.memref_slice %arg7[%add3A_14, %dma_start3A] : memref<10112x128xf32, #tpu.memory_space<vmem_shared>> -> memref<128x128xf32, #tpu.memory_space<vmem_shared>>
      %dma_start3A_87 = arith.constant 0 : i32
      %dma_start3A_88 = tpu.memref_slice %arg7[%add3A_14, %dma_start3A_87] : memref<10112x128xf32, #tpu.memory_space<vmem_shared>> -> memref<128x128xf32, #tpu.memory_space<vmem_shared>>
      tpu.enqueue_dma source(%arg5 : memref<128x128xf32, #tpu.memory_space<vmem>>) target(%dma_start3A_88 : memref<128x128xf32, #tpu.memory_space<vmem_shared>>) target_semaphore(%run_scoped3A_85 : memref<!tpu.dma_semaphore, #tpu.memory_space<semaphore_mem>>)
      %dma_wait3A_89 = arith.constant 0 : i32
      %dma_wait3A_90 = tpu.memref_slice %arg7[%add3A_14, %dma_wait3A_89] : memref<10112x128xf32, #tpu.memory_space<vmem_shared>> -> memref<128x128xf32, #tpu.memory_space<vmem_shared>>
      %dma_wait3A_91 = arith.constant 0 : i32
      %dma_wait3A_92 = tpu.memref_slice %arg7[%add3A_14, %dma_wait3A_91] : memref<10112x128xf32, #tpu.memory_space<vmem_shared>> -> memref<128x128xf32, #tpu.memory_space<vmem_shared>>
      tpu.wait_dma2 semaphore(%run_scoped3A_85 : memref<!tpu.dma_semaphore, #tpu.memory_space<semaphore_mem>>) src(%arg5 : memref<128x128xf32, #tpu.memory_space<vmem>>) dst(%dma_wait3A_92 : memref<128x128xf32, #tpu.memory_space<vmem_shared>>)
      tpu.yield
    }) : () -> ()
    %add3A_15 = arith.constant 384 : i32
    %add3A_16 = arith.addi %mul3A_2, %add3A_15 : i32
    "tpu.region"() ({
      %run_scoped3A_85 = tpu.sem_alloc : memref<!tpu.dma_semaphore, #tpu.memory_space<semaphore_mem>>
      %dma_start3A = arith.constant 0 : i32
      %dma_start3A_86 = tpu.memref_slice %arg7[%add3A_16, %dma_start3A] : memref<10112x128xf32, #tpu.memory_space<vmem_shared>> -> memref<128x128xf32, #tpu.memory_space<vmem_shared>>
      %dma_start3A_87 = arith.constant 0 : i32
      %dma_start3A_88 = tpu.memref_slice %arg7[%add3A_16, %dma_start3A_87] : memref<10112x128xf32, #tpu.memory_space<vmem_shared>> -> memref<128x128xf32, #tpu.memory_space<vmem_shared>>
      tpu.enqueue_dma source(%arg5 : memref<128x128xf32, #tpu.memory_space<vmem>>) target(%dma_start3A_88 : memref<128x128xf32, #tpu.memory_space<vmem_shared>>) target_semaphore(%run_scoped3A_85 : memref<!tpu.dma_semaphore, #tpu.memory_space<semaphore_mem>>)
      %dma_wait3A_89 = arith.constant 0 : i32
      %dma_wait3A_90 = tpu.memref_slice %arg7[%add3A_16, %dma_wait3A_89] : memref<10112x128xf32, #tpu.memory_space<vmem_shared>> -> memref<128x128xf32, #tpu.memory_space<vmem_shared>>
      %dma_wait3A_91 = arith.constant 0 : i32
      %dma_wait3A_92 = tpu.memref_slice %arg7[%add3A_16, %dma_wait3A_91] : memref<10112x128xf32, #tpu.memory_space<vmem_shared>> -> memref<128x128xf32, #tpu.memory_space<vmem_shared>>
      tpu.wait_dma2 semaphore(%run_scoped3A_85 : memref<!tpu.dma_semaphore, #tpu.memory_space<semaphore_mem>>) src(%arg5 : memref<128x128xf32, #tpu.memory_space<vmem>>) dst(%dma_wait3A_92 : memref<128x128xf32, #tpu.memory_space<vmem_shared>>)
      tpu.yield
    }) : () -> ()
    %add3A_17 = arith.constant 512 : i32
    %add3A_18 = arith.addi %mul3A_2, %add3A_17 : i32
    "tpu.region"() ({
      %run_scoped3A_85 = tpu.sem_alloc : memref<!tpu.dma_semaphore, #tpu.memory_space<semaphore_mem>>
      %dma_start3A = arith.constant 0 : i32
      %dma_start3A_86 = arith.constant 0 : i32
      %dma_start3A_87 = tpu.memref_slice %arg5[%dma_start3A, %dma_start3A_86] : memref<128x128xf32, #tpu.memory_space<vmem>> -> memref<120x128xf32, #tpu.memory_space<vmem>>
      %dma_start3A_88 = arith.constant 0 : i32
      %dma_start3A_89 = tpu.memref_slice %arg7[%add3A_18, %dma_start3A_88] : memref<10112x128xf32, #tpu.memory_space<vmem_shared>> -> memref<120x128xf32, #tpu.memory_space<vmem_shared>>
      %dma_start3A_90 = arith.constant 0 : i32
      %dma_start3A_91 = tpu.memref_slice %arg7[%add3A_18, %dma_start3A_90] : memref<10112x128xf32, #tpu.memory_space<vmem_shared>> -> memref<120x128xf32, #tpu.memory_space<vmem_shared>>
      %dma_start3A_92 = arith.constant 0 : i32
      %dma_start3A_93 = arith.constant 0 : i32
      %dma_start3A_94 = tpu.memref_slice %arg5[%dma_start3A_92, %dma_start3A_93] : memref<128x128xf32, #tpu.memory_space<vmem>> -> memref<120x128xf32, #tpu.memory_space<vmem>>
      tpu.enqueue_dma source(%dma_start3A_94 : memref<120x128xf32, #tpu.memory_space<vmem>>) target(%dma_start3A_91 : memref<120x128xf32, #tpu.memory_space<vmem_shared>>) target_semaphore(%run_scoped3A_85 : memref<!tpu.dma_semaphore, #tpu.memory_space<semaphore_mem>>)
      %dma_wait3A_95 = arith.constant 0 : i32
      %dma_wait3A_96 = arith.constant 0 : i32
      %dma_wait3A_97 = tpu.memref_slice %arg5[%dma_wait3A_95, %dma_wait3A_96] : memref<128x128xf32, #tpu.memory_space<vmem>> -> memref<120x128xf32, #tpu.memory_space<vmem>>
      %dma_wait3A_98 = arith.constant 0 : i32
      %dma_wait3A_99 = tpu.memref_slice %arg7[%add3A_18, %dma_wait3A_98] : memref<10112x128xf32, #tpu.memory_space<vmem_shared>> -> memref<120x128xf32, #tpu.memory_space<vmem_shared>>
      %dma_wait3A_100 = arith.constant 0 : i32
      %dma_wait3A_101 = tpu.memref_slice %arg7[%add3A_18, %dma_wait3A_100] : memref<10112x128xf32, #tpu.memory_space<vmem_shared>> -> memref<120x128xf32, #tpu.memory_space<vmem_shared>>
      %dma_wait3A_102 = arith.constant 0 : i32
      %dma_wait3A_103 = arith.constant 0 : i32
      %dma_wait3A_104 = tpu.memref_slice %arg5[%dma_wait3A_102, %dma_wait3A_103] : memref<128x128xf32, #tpu.memory_space<vmem>> -> memref<120x128xf32, #tpu.memory_space<vmem>>
      tpu.wait_dma2 semaphore(%run_scoped3A_85 : memref<!tpu.dma_semaphore, #tpu.memory_space<semaphore_mem>>) src(%dma_wait3A_104 : memref<120x128xf32, #tpu.memory_space<vmem>>) dst(%dma_wait3A_101 : memref<120x128xf32, #tpu.memory_space<vmem_shared>>)
      tpu.yield
    }) : () -> ()
    %scan3A_19 = arith.constant 0 : i32
    %scan3A_20 = arith.constant 0 : i32
    %scan3A_21 = arith.constant 1024 : i32
    %scan3A_22 = arith.addi %scan3A_20, %scan3A_21 : i32
    %scan3A_23 = arith.constant 1 : i32
    %scan3A_24 = scf.for %scan3A_85 = %scan3A_20 to %scan3A_22 step %scan3A_23 iter_args(%scan3A_86 = %scan3A_19) -> (i32)  : i32 {
      %broadcast_in_dim3A = arith.constant 1.000000e+00 : f32
      %broadcast_in_dim3A_87 = vector.broadcast %broadcast_in_dim3A : f32 to vector<16xf32>
      %jit3A = arith.constant 8 : i32
      %div3A = arith.divsi %scan3A_85, %jit3A : i32
      %sign3A = arith.constant 0 : i32
      %sign3A_88 = arith.cmpi sgt, %scan3A_85, %sign3A : i32
      %sign3A_89 = arith.extui %sign3A_88 : i1 to i32
      %sign3A_90 = arith.constant 0 : i32
      %sign3A_91 = arith.cmpi slt, %scan3A_85, %sign3A_90 : i32
      %sign3A_92 = arith.extui %sign3A_91 : i1 to i32
      %sign3A_93 = arith.subi %sign3A_89, %sign3A_92 : i32
      %sign3A_94 = arith.constant 0 : i32
      %sign3A_95 = arith.cmpi sgt, %jit3A, %sign3A_94 : i32
      %sign3A_96 = arith.extui %sign3A_95 : i1 to i32
      %sign3A_97 = arith.constant 0 : i32
      %sign3A_98 = arith.cmpi slt, %jit3A, %sign3A_97 : i32
      %sign3A_99 = arith.extui %sign3A_98 : i1 to i32
      %sign3A_100 = arith.subi %sign3A_96, %sign3A_99 : i32
      %ne3A = arith.cmpi ne, %sign3A_93, %sign3A_100 : i32
      %rem3A = arith.remsi %scan3A_85, %jit3A : i32
      %ne3A_101 = arith.constant 0 : i32
      %ne3A_102 = arith.cmpi ne, %rem3A, %ne3A_101 : i32
      %and3A = arith.andi %ne3A, %ne3A_102 : i1
      %sub3A = arith.constant 1 : i32
      %sub3A_103 = arith.subi %div3A, %sub3A : i32
      %select_n3A = arith.select %and3A, %sub3A_103, %div3A : i32
      %jit3A_104 = arith.constant 8 : i32
      %eq3A = arith.constant 0 : i32
      %eq3A_105 = arith.cmpi eq, %jit3A_104, %eq3A : i32
      %jit3A_106 = arith.constant 1 : i32
      %select_n3A_107 = arith.select %eq3A_105, %jit3A_106, %jit3A_104 : i32
      %rem3A_108 = arith.remsi %scan3A_85, %select_n3A_107 : i32
      %ne3A_109 = arith.constant 0 : i32
      %ne3A_110 = arith.cmpi ne, %rem3A_108, %ne3A_109 : i32
      %lt3A = arith.constant 0 : i32
      %lt3A_111 = arith.cmpi slt, %rem3A_108, %lt3A : i32
      %lt3A_112 = arith.constant 0 : i32
      %lt3A_113 = arith.cmpi slt, %select_n3A_107, %lt3A_112 : i32
      %ne3A_114 = arith.xori %lt3A_111, %lt3A_113 : i1
      %and3A_115 = arith.andi %ne3A_114, %ne3A_110 : i1
      %add3A_116 = arith.addi %rem3A_108, %select_n3A_107 : i32
      %select_n3A_117 = arith.select %and3A_115, %add3A_116, %rem3A_108 : i32
      %mul3A_118 = arith.constant 16 : i32
      %mul3A_119 = arith.muli %select_n3A_117, %mul3A_118 : i32
      %swap3A = arith.index_cast %select_n3A : i32 to index
      %swap3A_120 = arith.index_cast %mul3A_119 : i32 to index
      %swap3A_121 = tpu.vector_load %arg5[%swap3A, %swap3A_120] {strides = array<i32>} : memref<128x128xf32, #tpu.memory_space<vmem>>, vector<1x16xf32>,
      %swap3A_122 = vector.shape_cast %swap3A_121 : vector<1x16xf32> to vector<16xf32>
      %swap3A_123 = vector.shape_cast %broadcast_in_dim3A_87 : vector<16xf32> to vector<1x16xf32>
      tpu.vector_store %arg5[%swap3A, %swap3A_120], %swap3A_123 {strides = array<i32>} : memref<128x128xf32, #tpu.memory_space<vmem>>, vector<1x16xf32>,
      %scan3A_124 = arith.constant 0 : i32
      scf.yield %scan3A_124 : i32
    }
    %scan3A_25 = arith.constant 1024 : i32
    %barrier3A = arith.constant 0 : index
    tpu.barrier barrier_id(%barrier3A)
    %mul3A_26 = arith.constant 80 : i32
    %mul3A_27 = arith.muli %add3A, %mul3A_26 : i32
    %add3A_28 = arith.constant 0 : i32
    %add3A_29 = arith.addi %mul3A_27, %add3A_28 : i32
    %run_scoped3A = arith.constant 0 : i32
    "tpu.region"() ({
      %run_scoped3A_85 = tpu.sem_alloc : memref<!tpu.dma_semaphore, #tpu.memory_space<semaphore_mem>>
      %dma_start3A = arith.constant 0 : i32
      %dma_start3A_86 = tpu.memref_slice %arg2[%run_scoped3A, %add3A_29, %dma_start3A] : memref<1x2560x128xi32, #tpu.memory_space<hbm>> -> memref<1x40x128xi32, #tpu.memory_space<hbm>>
      %dma_start3A_87 = tpu.memref_squeeze %dma_start3A_86 : memref<1x40x128xi32, #tpu.memory_space<hbm>> -> memref<40x128xi32, #tpu.memory_space<hbm>>
      %dma_start3A_88 = arith.constant 0 : i32
      %dma_start3A_89 = tpu.memref_slice %arg2[%run_scoped3A, %add3A_29, %dma_start3A_88] : memref<1x2560x128xi32, #tpu.memory_space<hbm>> -> memref<1x40x128xi32, #tpu.memory_space<hbm>>
      %dma_start3A_90 = tpu.memref_squeeze %dma_start3A_89 : memref<1x40x128xi32, #tpu.memory_space<hbm>> -> memref<40x128xi32, #tpu.memory_space<hbm>>
      tpu.enqueue_dma source(%dma_start3A_90 : memref<40x128xi32, #tpu.memory_space<hbm>>) target(%arg4 : memref<40x128xi32, #tpu.memory_space<vmem>>) target_semaphore(%run_scoped3A_85 : memref<!tpu.dma_semaphore, #tpu.memory_space<semaphore_mem>>)
      %dma_wait3A_91 = arith.constant 0 : i32
      %dma_wait3A_92 = tpu.memref_slice %arg2[%run_scoped3A, %add3A_29, %dma_wait3A_91] : memref<1x2560x128xi32, #tpu.memory_space<hbm>> -> memref<1x40x128xi32, #tpu.memory_space<hbm>>
      %dma_wait3A_93 = tpu.memref_squeeze %dma_wait3A_92 : memref<1x40x128xi32, #tpu.memory_space<hbm>> -> memref<40x128xi32, #tpu.memory_space<hbm>>
      %dma_wait3A_94 = arith.constant 0 : i32
      %dma_wait3A_95 = tpu.memref_slice %arg2[%run_scoped3A, %add3A_29, %dma_wait3A_94] : memref<1x2560x128xi32, #tpu.memory_space<hbm>> -> memref<1x40x128xi32, #tpu.memory_space<hbm>>
      %dma_wait3A_96 = tpu.memref_squeeze %dma_wait3A_95 : memref<1x40x128xi32, #tpu.memory_space<hbm>> -> memref<40x128xi32, #tpu.memory_space<hbm>>
      tpu.wait_dma2 semaphore(%run_scoped3A_85 : memref<!tpu.dma_semaphore, #tpu.memory_space<semaphore_mem>>) src(%dma_wait3A_96 : memref<40x128xi32, #tpu.memory_space<hbm>>) dst(%arg4 : memref<40x128xi32, #tpu.memory_space<vmem>>)
      tpu.yield
    }) : () -> ()
    %scan3A_30 = arith.constant 0 : i32
    %scan3A_31 = arith.constant 0 : i32
    %scan3A_32 = arith.constant 40 : i32
    %scan3A_33 = arith.addi %scan3A_31, %scan3A_32 : i32
    %scan3A_34 = arith.constant 1 : i32
    %scan3A_35 = scf.for %scan3A_85 = %scan3A_31 to %scan3A_33 step %scan3A_34 iter_args(%scan3A_86 = %scan3A_30) -> (i32)  : i32 {
      %dma_start3A = arith.constant 0 : i32
      %dma_start3A_87 = tpu.memref_slice %arg4[%scan3A_85, %dma_start3A] : memref<40x128xi32, #tpu.memory_space<vmem>> -> memref<1x128xi32, #tpu.memory_space<vmem>>
      %dma_start3A_88 = tpu.memref_squeeze %dma_start3A_87 : memref<1x128xi32, #tpu.memory_space<vmem>> -> memref<128xi32, #tpu.memory_space<vmem>>
      %dma_start3A_89 = arith.constant 0 : i32
      %dma_start3A_90 = arith.constant 0 : i32
      %dma_start3A_91 = tpu.memref_slice %arg7[%dma_start3A_89, %dma_start3A_90] : memref<10112x128xf32, #tpu.memory_space<vmem_shared>> -> memref<10112x128xf32, #tpu.memory_space<vmem_shared>>
      tpu.enqueue_indirect_dma source(%arg5 : memref<128x128xf32, #tpu.memory_space<vmem>>) target(%dma_start3A_91 : memref<10112x128xf32, #tpu.memory_space<vmem_shared>>) offsets(%dma_start3A_88 : memref<128xi32, #tpu.memory_space<vmem>>) semaphore(%arg6 : memref<!tpu.dma_semaphore, #tpu.memory_space<semaphore_mem>>) {add = true}
      %ge3A = arith.constant 3 : i32
      %ge3A_92 = arith.cmpi sge, %scan3A_85, %ge3A : i32
      %convert_element_type3A = arith.extui %ge3A_92 : i1 to i32
      %cond3A = arith.constant 0 : i32
      %cond3A_93 = arith.cmpi ne, %convert_element_type3A, %cond3A : i32
      scf.if %cond3A_93 {
        %dma_wait3A_95 = arith.constant 0 : i32
        %dma_wait3A_96 = arith.constant 0 : i32
        %dma_wait3A_97 = tpu.memref_slice %arg7[%dma_wait3A_95, %dma_wait3A_96] : memref<10112x128xf32, #tpu.memory_space<vmem_shared>> -> memref<128x128xf32, #tpu.memory_space<vmem_shared>>
        %dma_wait3A_98 = arith.constant 0 : i32
        %dma_wait3A_99 = arith.constant 0 : i32
        %dma_wait3A_100 = tpu.memref_slice %arg7[%dma_wait3A_98, %dma_wait3A_99] : memref<10112x128xf32, #tpu.memory_space<vmem_shared>> -> memref<128x128xf32, #tpu.memory_space<vmem_shared>>
        tpu.wait_dma2 semaphore(%arg6 : memref<!tpu.dma_semaphore, #tpu.memory_space<semaphore_mem>>) src(%arg5 : memref<128x128xf32, #tpu.memory_space<vmem>>) dst(%dma_wait3A_100 : memref<128x128xf32, #tpu.memory_space<vmem_shared>>)
      } else {
      }
      %scan3A_94 = arith.constant 0 : i32
      scf.yield %scan3A_94 : i32
    }
    %scan3A_36 = arith.constant 40 : i32
    %dma_wait3A = arith.constant 0 : i32
    %dma_wait3A_37 = arith.constant 0 : i32
    %dma_wait3A_38 = tpu.memref_slice %arg7[%dma_wait3A, %dma_wait3A_37] : memref<10112x128xf32, #tpu.memory_space<vmem_shared>> -> memref<128x128xf32, #tpu.memory_space<vmem_shared>>
    %dma_wait3A_39 = arith.constant 0 : i32
    %dma_wait3A_40 = arith.constant 0 : i32
    %dma_wait3A_41 = tpu.memref_slice %arg7[%dma_wait3A_39, %dma_wait3A_40] : memref<10112x128xf32, #tpu.memory_space<vmem_shared>> -> memref<128x128xf32, #tpu.memory_space<vmem_shared>>
    tpu.wait_dma2 semaphore(%arg6 : memref<!tpu.dma_semaphore, #tpu.memory_space<semaphore_mem>>) src(%arg5 : memref<128x128xf32, #tpu.memory_space<vmem>>) dst(%dma_wait3A_41 : memref<128x128xf32, #tpu.memory_space<vmem_shared>>)
    %dma_wait3A_42 = arith.constant 0 : i32
    %dma_wait3A_43 = arith.constant 0 : i32
    %dma_wait3A_44 = tpu.memref_slice %arg7[%dma_wait3A_42, %dma_wait3A_43] : memref<10112x128xf32, #tpu.memory_space<vmem_shared>> -> memref<128x128xf32, #tpu.memory_space<vmem_shared>>
    %dma_wait3A_45 = arith.constant 0 : i32
    %dma_wait3A_46 = arith.constant 0 : i32
    %dma_wait3A_47 = tpu.memref_slice %arg7[%dma_wait3A_45, %dma_wait3A_46] : memref<10112x128xf32, #tpu.memory_space<vmem_shared>> -> memref<128x128xf32, #tpu.memory_space<vmem_shared>>
    tpu.wait_dma2 semaphore(%arg6 : memref<!tpu.dma_semaphore, #tpu.memory_space<semaphore_mem>>) src(%arg5 : memref<128x128xf32, #tpu.memory_space<vmem>>) dst(%dma_wait3A_47 : memref<128x128xf32, #tpu.memory_space<vmem_shared>>)
    %dma_wait3A_48 = arith.constant 0 : i32
    %dma_wait3A_49 = arith.constant 0 : i32
    %dma_wait3A_50 = tpu.memref_slice %arg7[%dma_wait3A_48, %dma_wait3A_49] : memref<10112x128xf32, #tpu.memory_space<vmem_shared>> -> memref<128x128xf32, #tpu.memory_space<vmem_shared>>
    %dma_wait3A_51 = arith.constant 0 : i32
    %dma_wait3A_52 = arith.constant 0 : i32
    %dma_wait3A_53 = tpu.memref_slice %arg7[%dma_wait3A_51, %dma_wait3A_52] : memref<10112x128xf32, #tpu.memory_space<vmem_shared>> -> memref<128x128xf32, #tpu.memory_space<vmem_shared>>
    tpu.wait_dma2 semaphore(%arg6 : memref<!tpu.dma_semaphore, #tpu.memory_space<semaphore_mem>>) src(%arg5 : memref<128x128xf32, #tpu.memory_space<vmem>>) dst(%dma_wait3A_53 : memref<128x128xf32, #tpu.memory_space<vmem_shared>>)
    %mul3A_54 = arith.constant 80 : i32
    %mul3A_55 = arith.muli %add3A, %mul3A_54 : i32
    %add3A_56 = arith.constant 40 : i32
    %add3A_57 = arith.addi %mul3A_55, %add3A_56 : i32
    %run_scoped3A_58 = arith.constant 0 : i32
    "tpu.region"() ({
      %run_scoped3A_85 = tpu.sem_alloc : memref<!tpu.dma_semaphore, #tpu.memory_space<semaphore_mem>>
      %dma_start3A = arith.constant 0 : i32
      %dma_start3A_86 = tpu.memref_slice %arg2[%run_scoped3A_58, %add3A_57, %dma_start3A] : memref<1x2560x128xi32, #tpu.memory_space<hbm>> -> memref<1x40x128xi32, #tpu.memory_space<hbm>>
      %dma_start3A_87 = tpu.memref_squeeze %dma_start3A_86 : memref<1x40x128xi32, #tpu.memory_space<hbm>> -> memref<40x128xi32, #tpu.memory_space<hbm>>
      %dma_start3A_88 = arith.constant 0 : i32
      %dma_start3A_89 = tpu.memref_slice %arg2[%run_scoped3A_58, %add3A_57, %dma_start3A_88] : memref<1x2560x128xi32, #tpu.memory_space<hbm>> -> memref<1x40x128xi32, #tpu.memory_space<hbm>>
      %dma_start3A_90 = tpu.memref_squeeze %dma_start3A_89 : memref<1x40x128xi32, #tpu.memory_space<hbm>> -> memref<40x128xi32, #tpu.memory_space<hbm>>
      tpu.enqueue_dma source(%dma_start3A_90 : memref<40x128xi32, #tpu.memory_space<hbm>>) target(%arg4 : memref<40x128xi32, #tpu.memory_space<vmem>>) target_semaphore(%run_scoped3A_85 : memref<!tpu.dma_semaphore, #tpu.memory_space<semaphore_mem>>)
      %dma_wait3A_91 = arith.constant 0 : i32
      %dma_wait3A_92 = tpu.memref_slice %arg2[%run_scoped3A_58, %add3A_57, %dma_wait3A_91] : memref<1x2560x128xi32, #tpu.memory_space<hbm>> -> memref<1x40x128xi32, #tpu.memory_space<hbm>>
      %dma_wait3A_93 = tpu.memref_squeeze %dma_wait3A_92 : memref<1x40x128xi32, #tpu.memory_space<hbm>> -> memref<40x128xi32, #tpu.memory_space<hbm>>
      %dma_wait3A_94 = arith.constant 0 : i32
      %dma_wait3A_95 = tpu.memref_slice %arg2[%run_scoped3A_58, %add3A_57, %dma_wait3A_94] : memref<1x2560x128xi32, #tpu.memory_space<hbm>> -> memref<1x40x128xi32, #tpu.memory_space<hbm>>
      %dma_wait3A_96 = tpu.memref_squeeze %dma_wait3A_95 : memref<1x40x128xi32, #tpu.memory_space<hbm>> -> memref<40x128xi32, #tpu.memory_space<hbm>>
      tpu.wait_dma2 semaphore(%run_scoped3A_85 : memref<!tpu.dma_semaphore, #tpu.memory_space<semaphore_mem>>) src(%dma_wait3A_96 : memref<40x128xi32, #tpu.memory_space<hbm>>) dst(%arg4 : memref<40x128xi32, #tpu.memory_space<vmem>>)
      tpu.yield
    }) : () -> ()
    %scan3A_59 = arith.constant 0 : i32
    %scan3A_60 = arith.constant 0 : i32
    %scan3A_61 = arith.constant 40 : i32
    %scan3A_62 = arith.addi %scan3A_60, %scan3A_61 : i32
    %scan3A_63 = arith.constant 1 : i32
    %scan3A_64 = scf.for %scan3A_85 = %scan3A_60 to %scan3A_62 step %scan3A_63 iter_args(%scan3A_86 = %scan3A_59) -> (i32)  : i32 {
      %dma_start3A = arith.constant 0 : i32
      %dma_start3A_87 = tpu.memref_slice %arg4[%scan3A_85, %dma_start3A] : memref<40x128xi32, #tpu.memory_space<vmem>> -> memref<1x128xi32, #tpu.memory_space<vmem>>
      %dma_start3A_88 = tpu.memref_squeeze %dma_start3A_87 : memref<1x128xi32, #tpu.memory_space<vmem>> -> memref<128xi32, #tpu.memory_space<vmem>>
      %dma_start3A_89 = arith.constant 0 : i32
      %dma_start3A_90 = arith.constant 0 : i32
      %dma_start3A_91 = tpu.memref_slice %arg7[%dma_start3A_89, %dma_start3A_90] : memref<10112x128xf32, #tpu.memory_space<vmem_shared>> -> memref<10112x128xf32, #tpu.memory_space<vmem_shared>>
      tpu.enqueue_indirect_dma source(%arg5 : memref<128x128xf32, #tpu.memory_space<vmem>>) target(%dma_start3A_91 : memref<10112x128xf32, #tpu.memory_space<vmem_shared>>) offsets(%dma_start3A_88 : memref<128xi32, #tpu.memory_space<vmem>>) semaphore(%arg6 : memref<!tpu.dma_semaphore, #tpu.memory_space<semaphore_mem>>) {add = true}
      %ge3A = arith.constant 3 : i32
      %ge3A_92 = arith.cmpi sge, %scan3A_85, %ge3A : i32
      %convert_element_type3A = arith.extui %ge3A_92 : i1 to i32
      %cond3A = arith.constant 0 : i32
      %cond3A_93 = arith.cmpi ne, %convert_element_type3A, %cond3A : i32
      scf.if %cond3A_93 {
        %dma_wait3A_95 = arith.constant 0 : i32
        %dma_wait3A_96 = arith.constant 0 : i32
        %dma_wait3A_97 = tpu.memref_slice %arg7[%dma_wait3A_95, %dma_wait3A_96] : memref<10112x128xf32, #tpu.memory_space<vmem_shared>> -> memref<128x128xf32, #tpu.memory_space<vmem_shared>>
        %dma_wait3A_98 = arith.constant 0 : i32
        %dma_wait3A_99 = arith.constant 0 : i32
        %dma_wait3A_100 = tpu.memref_slice %arg7[%dma_wait3A_98, %dma_wait3A_99] : memref<10112x128xf32, #tpu.memory_space<vmem_shared>> -> memref<128x128xf32, #tpu.memory_space<vmem_shared>>
        tpu.wait_dma2 semaphore(%arg6 : memref<!tpu.dma_semaphore, #tpu.memory_space<semaphore_mem>>) src(%arg5 : memref<128x128xf32, #tpu.memory_space<vmem>>) dst(%dma_wait3A_100 : memref<128x128xf32, #tpu.memory_space<vmem_shared>>)
      } else {
      }
      %scan3A_94 = arith.constant 0 : i32
      scf.yield %scan3A_94 : i32
    }
    %scan3A_65 = arith.constant 40 : i32
    %dma_wait3A_66 = arith.constant 0 : i32
    %dma_wait3A_67 = arith.constant 0 : i32
    %dma_wait3A_68 = tpu.memref_slice %arg7[%dma_wait3A_66, %dma_wait3A_67] : memref<10112x128xf32, #tpu.memory_space<vmem_shared>> -> memref<128x128xf32, #tpu.memory_space<vmem_shared>>
    %dma_wait3A_69 = arith.constant 0 : i32
    %dma_wait3A_70 = arith.constant 0 : i32
    %dma_wait3A_71 = tpu.memref_slice %arg7[%dma_wait3A_69, %dma_wait3A_70] : memref<10112x128xf32, #tpu.memory_space<vmem_shared>> -> memref<128x128xf32, #tpu.memory_space<vmem_shared>>
    tpu.wait_dma2 semaphore(%arg6 : memref<!tpu.dma_semaphore, #tpu.memory_space<semaphore_mem>>) src(%arg5 : memref<128x128xf32, #tpu.memory_space<vmem>>) dst(%dma_wait3A_71 : memref<128x128xf32, #tpu.memory_space<vmem_shared>>)
    %dma_wait3A_72 = arith.constant 0 : i32
    %dma_wait3A_73 = arith.constant 0 : i32
    %dma_wait3A_74 = tpu.memref_slice %arg7[%dma_wait3A_72, %dma_wait3A_73] : memref<10112x128xf32, #tpu.memory_space<vmem_shared>> -> memref<128x128xf32, #tpu.memory_space<vmem_shared>>
    %dma_wait3A_75 = arith.constant 0 : i32
    %dma_wait3A_76 = arith.constant 0 : i32
    %dma_wait3A_77 = tpu.memref_slice %arg7[%dma_wait3A_75, %dma_wait3A_76] : memref<10112x128xf32, #tpu.memory_space<vmem_shared>> -> memref<128x128xf32, #tpu.memory_space<vmem_shared>>
    tpu.wait_dma2 semaphore(%arg6 : memref<!tpu.dma_semaphore, #tpu.memory_space<semaphore_mem>>) src(%arg5 : memref<128x128xf32, #tpu.memory_space<vmem>>) dst(%dma_wait3A_77 : memref<128x128xf32, #tpu.memory_space<vmem_shared>>)
    %dma_wait3A_78 = arith.constant 0 : i32
    %dma_wait3A_79 = arith.constant 0 : i32
    %dma_wait3A_80 = tpu.memref_slice %arg7[%dma_wait3A_78, %dma_wait3A_79] : memref<10112x128xf32, #tpu.memory_space<vmem_shared>> -> memref<128x128xf32, #tpu.memory_space<vmem_shared>>
    %dma_wait3A_81 = arith.constant 0 : i32
    %dma_wait3A_82 = arith.constant 0 : i32
    %dma_wait3A_83 = tpu.memref_slice %arg7[%dma_wait3A_81, %dma_wait3A_82] : memref<10112x128xf32, #tpu.memory_space<vmem_shared>> -> memref<128x128xf32, #tpu.memory_space<vmem_shared>>
    tpu.wait_dma2 semaphore(%arg6 : memref<!tpu.dma_semaphore, #tpu.memory_space<semaphore_mem>>) src(%arg5 : memref<128x128xf32, #tpu.memory_space<vmem>>) dst(%dma_wait3A_83 : memref<128x128xf32, #tpu.memory_space<vmem_shared>>)
    %barrier3A_84 = arith.constant 0 : index
    tpu.barrier barrier_id(%barrier3A_84)
    "tpu.region"() ({
      %run_scoped3A_85 = tpu.sem_alloc : memref<!tpu.dma_semaphore, #tpu.memory_space<semaphore_mem>>
      %dma_start3A = arith.constant 0 : i32
      %dma_start3A_86 = tpu.memref_slice %arg3[%arg0, %mul3A_2, %dma_start3A] : memref<2x10112x128xf32, #tpu.memory_space<hbm>> -> memref<1x632x128xf32, #tpu.memory_space<hbm>>
      %dma_start3A_87 = tpu.memref_squeeze %dma_start3A_86 : memref<1x632x128xf32, #tpu.memory_space<hbm>> -> memref<632x128xf32, #tpu.memory_space<hbm>>
      %dma_start3A_88 = arith.constant 0 : i32
      %dma_start3A_89 = tpu.memref_slice %arg7[%mul3A_2, %dma_start3A_88] : memref<10112x128xf32, #tpu.memory_space<vmem_shared>> -> memref<632x128xf32, #tpu.memory_space<vmem_shared>>
      tpu.enqueue_dma source(%dma_start3A_89 : memref<632x128xf32, #tpu.memory_space<vmem_shared>>) target(%dma_start3A_87 : memref<632x128xf32, #tpu.memory_space<hbm>>) target_semaphore(%run_scoped3A_85 : memref<!tpu.dma_semaphore, #tpu.memory_space<semaphore_mem>>)
      %dma_wait3A_90 = arith.constant 0 : i32
      %dma_wait3A_91 = tpu.memref_slice %arg3[%arg0, %mul3A_2, %dma_wait3A_90] : memref<2x10112x128xf32, #tpu.memory_space<hbm>> -> memref<1x632x128xf32, #tpu.memory_space<hbm>>
      %dma_wait3A_92 = tpu.memref_squeeze %dma_wait3A_91 : memref<1x632x128xf32, #tpu.memory_space<hbm>> -> memref<632x128xf32, #tpu.memory_space<hbm>>
      %dma_wait3A_93 = arith.constant 0 : i32
      %dma_wait3A_94 = tpu.memref_slice %arg7[%mul3A_2, %dma_wait3A_93] : memref<10112x128xf32, #tpu.memory_space<vmem_shared>> -> memref<632x128xf32, #tpu.memory_space<vmem_shared>>
      tpu.wait_dma2 semaphore(%run_scoped3A_85 : memref<!tpu.dma_semaphore, #tpu.memory_space<semaphore_mem>>) src(%dma_wait3A_94 : memref<632x128xf32, #tpu.memory_space<vmem_shared>>) dst(%dma_wait3A_92 : memref<632x128xf32, #tpu.memory_space<hbm>>)
      tpu.yield
    }) : () -> ()
    return
  }
}

module attributes {stable_mosaic.version = 14 : i64} {
  func.func @_tc1_body(%arg0: i32, %arg1: memref<2x400x128xf32, #tpu.memory_space<vmem>>, %arg2: memref<2x400x128xf32, #tpu.memory_space<vmem>>, %arg3: memref<400x128xf32, #tpu.memory_space<vmem>>, %arg4: memref<128x128xf32, #tpu.memory_space<vmem>>, %arg5: memref<128x128xf32, #tpu.memory_space<vmem>>, %arg6: memref<1x128xf32, #tpu.memory_space<vmem>>, %arg7: memref<400x128xf32, #tpu.memory_space<vmem>>) attributes {dimension_semantics = [#tpu.dimension_semantics<arbitrary>], iteration_bounds = array<i64: 25>, scalar_prefetch = 0 : i64, scratch_operands = 0 : i64, tpu.core_type = #tpu.core_type<tc>, window_params = [{transform_indices = @transform_0, window_bounds = array<i64: 2, 400, 128>}, {transform_indices = @transform_1, window_bounds = array<i64: 2, 400, 128>}, {transform_indices = @transform_2, window_bounds = array<i64: 400, 128>}, {pipeline_mode = #tpu.pipeline_mode<synchronous>, transform_indices = @transform_3, window_bounds = array<i64: 128, 128>}, {pipeline_mode = #tpu.pipeline_mode<synchronous>, transform_indices = @transform_4, window_bounds = array<i64: 128, 128>}, {pipeline_mode = #tpu.pipeline_mode<synchronous>, transform_indices = @transform_5, window_bounds = array<i64: 1, 128>}, {transform_indices = @transform_6, window_bounds = array<i64: 400, 128>}]} {
    %get3A = arith.constant 0 : index
    %get3A_0 = arith.constant 0 : index
    %get3A_1 = arith.constant 0 : index
    %get3A_2 = vector.load %arg2[%get3A, %get3A_0, %get3A_1] : memref<2x400x128xf32, #tpu.memory_space<vmem>>, vector<1x400x1xf32>
    %get3A_3 = vector.shape_cast %get3A_2 : vector<1x400x1xf32> to vector<400x1xf32>
    %get3A_4 = arith.constant 1 : index
    %get3A_5 = arith.constant 0 : index
    %get3A_6 = arith.constant 0 : index
    %get3A_7 = vector.load %arg2[%get3A_4, %get3A_5, %get3A_6] : memref<2x400x128xf32, #tpu.memory_space<vmem>>, vector<1x400x1xf32>
    %get3A_8 = vector.shape_cast %get3A_7 : vector<1x400x1xf32> to vector<400x1xf32>
    %add3A = arith.addf %get3A_3, %get3A_8 : vector<400x1xf32>
    %max3A = arith.constant 1.000000e+00 : f32
    %max3A_9 = vector.broadcast %max3A : f32 to vector<400x1xf32>
    %max3A_10 = arith.maximumf %add3A, %max3A_9 : vector<400x1xf32>
    %get3A_11 = arith.constant 0 : index
    %get3A_12 = arith.constant 0 : index
    %get3A_13 = arith.constant 0 : index
    %get3A_14 = vector.load %arg1[%get3A_11, %get3A_12, %get3A_13] : memref<2x400x128xf32, #tpu.memory_space<vmem>>, vector<1x400x128xf32>
    %get3A_15 = vector.shape_cast %get3A_14 : vector<1x400x128xf32> to vector<400x128xf32>
    %get3A_16 = arith.constant 1 : index
    %get3A_17 = arith.constant 0 : index
    %get3A_18 = arith.constant 0 : index
    %get3A_19 = vector.load %arg1[%get3A_16, %get3A_17, %get3A_18] : memref<2x400x128xf32, #tpu.memory_space<vmem>>, vector<1x400x128xf32>
    %get3A_20 = vector.shape_cast %get3A_19 : vector<1x400x128xf32> to vector<400x128xf32>
    %add3A_21 = arith.addf %get3A_15, %get3A_20 : vector<400x128xf32>
    %div3A = vector.broadcast %max3A_10 : vector<400x1xf32> to vector<400x128xf32>
    %div3A_22 = arith.divf %add3A_21, %div3A : vector<400x128xf32>
    %get3A_23 = arith.constant 0 : index
    %get3A_24 = arith.constant 0 : index
    %get3A_25 = vector.load %arg4[%get3A_23, %get3A_24] : memref<128x128xf32, #tpu.memory_space<vmem>>, vector<128x128xf32>
    %dot_general3A = arith.constant dense<0.000000e+00> : vector<400x128xf32>
    %dot_general3A_26 = tpu.matmul %div3A_22, %get3A_25, %dot_general3A {dimension_numbers = #tpu.dot_dimension_numbers<[1], [1], [0], [0], [0, 0, 1, 0], [], []>, transpose_lhs_hint = false} : vector<400x128xf32>, vector<128x128xf32>, vector<400x128xf32> -> vector<400x128xf32>
    %get3A_27 = arith.constant 0 : index
    %get3A_28 = arith.constant 0 : index
    %get3A_29 = vector.load %arg3[%get3A_27, %get3A_28] : memref<400x128xf32, #tpu.memory_space<vmem>>, vector<400x128xf32>
    %get3A_30 = arith.constant 0 : index
    %get3A_31 = arith.constant 0 : index
    %get3A_32 = vector.load %arg5[%get3A_30, %get3A_31] : memref<128x128xf32, #tpu.memory_space<vmem>>, vector<128x128xf32>
    %dot_general3A_33 = arith.constant dense<0.000000e+00> : vector<400x128xf32>
    %dot_general3A_34 = tpu.matmul %get3A_29, %get3A_32, %dot_general3A_33 {dimension_numbers = #tpu.dot_dimension_numbers<[1], [1], [0], [0], [0, 0, 1, 0], [], []>, transpose_lhs_hint = false} : vector<400x128xf32>, vector<128x128xf32>, vector<400x128xf32> -> vector<400x128xf32>
    %add3A_35 = arith.addf %dot_general3A_26, %dot_general3A_34 : vector<400x128xf32>
    %get3A_36 = arith.constant 0 : index
    %get3A_37 = arith.constant 0 : index
    %get3A_38 = vector.load %arg6[%get3A_36, %get3A_37] : memref<1x128xf32, #tpu.memory_space<vmem>>, vector<1x128xf32>
    %add3A_39 = vector.broadcast %get3A_38 : vector<1x128xf32> to vector<400x128xf32>
    %add3A_40 = arith.addf %add3A_35, %add3A_39 : vector<400x128xf32>
    %max3A_41 = arith.constant 0.000000e+00 : f32
    %max3A_42 = vector.broadcast %max3A_41 : f32 to vector<400x128xf32>
    %max3A_43 = arith.maximumf %add3A_40, %max3A_42 : vector<400x128xf32>
    %swap3A = arith.constant 0 : index
    %swap3A_44 = arith.constant 0 : index
    %swap3A_45 = vector.load %arg7[%swap3A, %swap3A_44] : memref<400x128xf32, #tpu.memory_space<vmem>>, vector<400x128xf32>
    tpu.vector_store %arg7[%swap3A, %swap3A_44], %max3A_43 {strides = array<i32>} : memref<400x128xf32, #tpu.memory_space<vmem>>, vector<400x128xf32>,
    return
  }
  func.func @transform_0(%arg0: i32) -> (i32, i32, i32) {
    %c0_i32 = arith.constant 0 : i32
    %c0_i32_0 = arith.constant 0 : i32
    %c0_i32_1 = arith.constant 0 : i32
    return %c0_i32, %arg0, %c0_i32_0 : i32, i32, i32
  }
  func.func @transform_1(%arg0: i32) -> (i32, i32, i32) {
    %c0_i32 = arith.constant 0 : i32
    %c0_i32_0 = arith.constant 0 : i32
    %c0_i32_1 = arith.constant 0 : i32
    return %c0_i32, %arg0, %c0_i32_0 : i32, i32, i32
  }
  func.func @transform_2(%arg0: i32) -> (i32, i32) {
    %c0_i32 = arith.constant 0 : i32
    %c0_i32_0 = arith.constant 0 : i32
    return %arg0, %c0_i32 : i32, i32
  }
  func.func @transform_3(%arg0: i32) -> (i32, i32) {
    %c0_i32 = arith.constant 0 : i32
    %c0_i32_0 = arith.constant 0 : i32
    %c0_i32_1 = arith.constant 0 : i32
    return %c0_i32, %c0_i32_0 : i32, i32
  }
  func.func @transform_4(%arg0: i32) -> (i32, i32) {
    %c0_i32 = arith.constant 0 : i32
    %c0_i32_0 = arith.constant 0 : i32
    %c0_i32_1 = arith.constant 0 : i32
    return %c0_i32, %c0_i32_0 : i32, i32
  }
  func.func @transform_5(%arg0: i32) -> (i32, i32) {
    %c0_i32 = arith.constant 0 : i32
    %c0_i32_0 = arith.constant 0 : i32
    %c0_i32_1 = arith.constant 0 : i32
    return %c0_i32, %c0_i32_0 : i32, i32
  }
  func.func @transform_6(%arg0: i32) -> (i32, i32) {
    %c0_i32 = arith.constant 0 : i32
    %c0_i32_0 = arith.constant 0 : i32
    return %arg0, %c0_i32 : i32, i32
  }
}

module attributes {stable_mosaic.version = 14 : i64} {
  func.func @_tc2_body(%arg0: i32, %arg1: memref<2x400x128xf32, #tpu.memory_space<vmem>>, %arg2: memref<2x400x128xf32, #tpu.memory_space<vmem>>, %arg3: memref<400x128xf32, #tpu.memory_space<vmem>>, %arg4: memref<128x128xf32, #tpu.memory_space<vmem>>, %arg5: memref<128x128xf32, #tpu.memory_space<vmem>>, %arg6: memref<1x128xf32, #tpu.memory_space<vmem>>, %arg7: memref<128x128xf32, #tpu.memory_space<vmem>>, %arg8: memref<1x128xf32, #tpu.memory_space<vmem>>, %arg9: memref<1x128xf32, #tpu.memory_space<vmem>>, %arg10: memref<1x128xf32, #tpu.memory_space<vmem>>, %arg11: memref<64x128xf32, #tpu.memory_space<vmem>>, %arg12: memref<1x64xf32, #tpu.memory_space<vmem>>, %arg13: memref<400x64xf32, #tpu.memory_space<vmem>>) attributes {dimension_semantics = [#tpu.dimension_semantics<arbitrary>], iteration_bounds = array<i64: 25>, scalar_prefetch = 0 : i64, scratch_operands = 0 : i64, tpu.core_type = #tpu.core_type<tc>, window_params = [{transform_indices = @transform_0, window_bounds = array<i64: 2, 400, 128>}, {transform_indices = @transform_1, window_bounds = array<i64: 2, 400, 128>}, {transform_indices = @transform_2, window_bounds = array<i64: 400, 128>}, {pipeline_mode = #tpu.pipeline_mode<synchronous>, transform_indices = @transform_3, window_bounds = array<i64: 128, 128>}, {pipeline_mode = #tpu.pipeline_mode<synchronous>, transform_indices = @transform_4, window_bounds = array<i64: 128, 128>}, {pipeline_mode = #tpu.pipeline_mode<synchronous>, transform_indices = @transform_5, window_bounds = array<i64: 1, 128>}, {pipeline_mode = #tpu.pipeline_mode<synchronous>, transform_indices = @transform_6, window_bounds = array<i64: 128, 128>}, {pipeline_mode = #tpu.pipeline_mode<synchronous>, transform_indices = @transform_7, window_bounds = array<i64: 1, 128>}, {pipeline_mode = #tpu.pipeline_mode<synchronous>, transform_indices = @transform_8, window_bounds = array<i64: 1, 128>}, {pipeline_mode = #tpu.pipeline_mode<synchronous>, transform_indices = @transform_9, window_bounds = array<i64: 1, 128>}, {pipeline_mode = #tpu.pipeline_mode<synchronous>, transform_indices = @transform_10, window_bounds = array<i64: 64, 128>}, {pipeline_mode = #tpu.pipeline_mode<synchronous>, transform_indices = @transform_11, window_bounds = array<i64: 1, 64>}, {transform_indices = @transform_12, window_bounds = array<i64: 400, 64>}]} {
    %get3A = arith.constant 0 : index
    %get3A_0 = arith.constant 0 : index
    %get3A_1 = arith.constant 0 : index
    %get3A_2 = vector.load %arg2[%get3A, %get3A_0, %get3A_1] : memref<2x400x128xf32, #tpu.memory_space<vmem>>, vector<1x400x1xf32>
    %get3A_3 = vector.shape_cast %get3A_2 : vector<1x400x1xf32> to vector<400x1xf32>
    %get3A_4 = arith.constant 1 : index
    %get3A_5 = arith.constant 0 : index
    %get3A_6 = arith.constant 0 : index
    %get3A_7 = vector.load %arg2[%get3A_4, %get3A_5, %get3A_6] : memref<2x400x128xf32, #tpu.memory_space<vmem>>, vector<1x400x1xf32>
    %get3A_8 = vector.shape_cast %get3A_7 : vector<1x400x1xf32> to vector<400x1xf32>
    %add3A = arith.addf %get3A_3, %get3A_8 : vector<400x1xf32>
    %max3A = arith.constant 1.000000e+00 : f32
    %max3A_9 = vector.broadcast %max3A : f32 to vector<400x1xf32>
    %max3A_10 = arith.maximumf %add3A, %max3A_9 : vector<400x1xf32>
    %get3A_11 = arith.constant 0 : index
    %get3A_12 = arith.constant 0 : index
    %get3A_13 = arith.constant 0 : index
    %get3A_14 = vector.load %arg1[%get3A_11, %get3A_12, %get3A_13] : memref<2x400x128xf32, #tpu.memory_space<vmem>>, vector<1x400x128xf32>
    %get3A_15 = vector.shape_cast %get3A_14 : vector<1x400x128xf32> to vector<400x128xf32>
    %get3A_16 = arith.constant 1 : index
    %get3A_17 = arith.constant 0 : index
    %get3A_18 = arith.constant 0 : index
    %get3A_19 = vector.load %arg1[%get3A_16, %get3A_17, %get3A_18] : memref<2x400x128xf32, #tpu.memory_space<vmem>>, vector<1x400x128xf32>
    %get3A_20 = vector.shape_cast %get3A_19 : vector<1x400x128xf32> to vector<400x128xf32>
    %add3A_21 = arith.addf %get3A_15, %get3A_20 : vector<400x128xf32>
    %div3A = vector.broadcast %max3A_10 : vector<400x1xf32> to vector<400x128xf32>
    %div3A_22 = arith.divf %add3A_21, %div3A : vector<400x128xf32>
    %get3A_23 = arith.constant 0 : index
    %get3A_24 = arith.constant 0 : index
    %get3A_25 = vector.load %arg4[%get3A_23, %get3A_24] : memref<128x128xf32, #tpu.memory_space<vmem>>, vector<128x128xf32>
    %dot_general3A = arith.constant dense<0.000000e+00> : vector<400x128xf32>
    %dot_general3A_26 = tpu.matmul %div3A_22, %get3A_25, %dot_general3A {dimension_numbers = #tpu.dot_dimension_numbers<[1], [1], [0], [0], [0, 0, 1, 0], [], []>, transpose_lhs_hint = false} : vector<400x128xf32>, vector<128x128xf32>, vector<400x128xf32> -> vector<400x128xf32>
    %get3A_27 = arith.constant 0 : index
    %get3A_28 = arith.constant 0 : index
    %get3A_29 = vector.load %arg3[%get3A_27, %get3A_28] : memref<400x128xf32, #tpu.memory_space<vmem>>, vector<400x128xf32>
    %get3A_30 = arith.constant 0 : index
    %get3A_31 = arith.constant 0 : index
    %get3A_32 = vector.load %arg5[%get3A_30, %get3A_31] : memref<128x128xf32, #tpu.memory_space<vmem>>, vector<128x128xf32>
    %dot_general3A_33 = arith.constant dense<0.000000e+00> : vector<400x128xf32>
    %dot_general3A_34 = tpu.matmul %get3A_29, %get3A_32, %dot_general3A_33 {dimension_numbers = #tpu.dot_dimension_numbers<[1], [1], [0], [0], [0, 0, 1, 0], [], []>, transpose_lhs_hint = false} : vector<400x128xf32>, vector<128x128xf32>, vector<400x128xf32> -> vector<400x128xf32>
    %add3A_35 = arith.addf %dot_general3A_26, %dot_general3A_34 : vector<400x128xf32>
    %get3A_36 = arith.constant 0 : index
    %get3A_37 = arith.constant 0 : index
    %get3A_38 = vector.load %arg6[%get3A_36, %get3A_37] : memref<1x128xf32, #tpu.memory_space<vmem>>, vector<1x128xf32>
    %add3A_39 = vector.broadcast %get3A_38 : vector<1x128xf32> to vector<400x128xf32>
    %add3A_40 = arith.addf %add3A_35, %add3A_39 : vector<400x128xf32>
    %max3A_41 = arith.constant 0.000000e+00 : f32
    %max3A_42 = vector.broadcast %max3A_41 : f32 to vector<400x128xf32>
    %max3A_43 = arith.maximumf %add3A_40, %max3A_42 : vector<400x128xf32>
    %get3A_44 = arith.constant 0 : index
    %get3A_45 = arith.constant 0 : index
    %get3A_46 = vector.load %arg7[%get3A_44, %get3A_45] : memref<128x128xf32, #tpu.memory_space<vmem>>, vector<128x128xf32>
    %dot_general3A_47 = arith.constant dense<0.000000e+00> : vector<400x128xf32>
    %dot_general3A_48 = tpu.matmul %max3A_43, %get3A_46, %dot_general3A_47 {dimension_numbers = #tpu.dot_dimension_numbers<[1], [1], [0], [0], [0, 0, 1, 0], [], []>, transpose_lhs_hint = false} : vector<400x128xf32>, vector<128x128xf32>, vector<400x128xf32> -> vector<400x128xf32>
    %get3A_49 = arith.constant 0 : index
    %get3A_50 = arith.constant 0 : index
    %get3A_51 = vector.load %arg8[%get3A_49, %get3A_50] : memref<1x128xf32, #tpu.memory_space<vmem>>, vector<1x128xf32>
    %add3A_52 = vector.broadcast %get3A_51 : vector<1x128xf32> to vector<400x128xf32>
    %add3A_53 = arith.addf %dot_general3A_48, %add3A_52 : vector<400x128xf32>
    %get3A_54 = arith.constant 0 : index
    %get3A_55 = arith.constant 0 : index
    %get3A_56 = vector.load %arg9[%get3A_54, %get3A_55] : memref<1x128xf32, #tpu.memory_space<vmem>>, vector<1x128xf32>
    %mul3A = vector.broadcast %get3A_56 : vector<1x128xf32> to vector<400x128xf32>
    %mul3A_57 = arith.mulf %add3A_53, %mul3A : vector<400x128xf32>
    %get3A_58 = arith.constant 0 : index
    %get3A_59 = arith.constant 0 : index
    %get3A_60 = vector.load %arg10[%get3A_58, %get3A_59] : memref<1x128xf32, #tpu.memory_space<vmem>>, vector<1x128xf32>
    %add3A_61 = vector.broadcast %get3A_60 : vector<1x128xf32> to vector<400x128xf32>
    %add3A_62 = arith.addf %mul3A_57, %add3A_61 : vector<400x128xf32>
    %max3A_63 = arith.constant 0.000000e+00 : f32
    %max3A_64 = vector.broadcast %max3A_63 : f32 to vector<400x128xf32>
    %max3A_65 = arith.maximumf %add3A_62, %max3A_64 : vector<400x128xf32>
    %get3A_66 = arith.constant 0 : index
    %get3A_67 = arith.constant 0 : index
    %get3A_68 = vector.load %arg11[%get3A_66, %get3A_67] : memref<64x128xf32, #tpu.memory_space<vmem>>, vector<64x128xf32>
    %dot_general3A_69 = arith.constant dense<0.000000e+00> : vector<400x64xf32>
    %dot_general3A_70 = tpu.matmul %max3A_65, %get3A_68, %dot_general3A_69 {dimension_numbers = #tpu.dot_dimension_numbers<[1], [1], [0], [0], [0, 0, 1, 0], [], []>, transpose_lhs_hint = false} : vector<400x128xf32>, vector<64x128xf32>, vector<400x64xf32> -> vector<400x64xf32>
    %get3A_71 = arith.constant 0 : index
    %get3A_72 = arith.constant 0 : index
    %get3A_73 = vector.load %arg12[%get3A_71, %get3A_72] : memref<1x64xf32, #tpu.memory_space<vmem>>, vector<1x64xf32>
    %add3A_74 = vector.broadcast %get3A_73 : vector<1x64xf32> to vector<400x64xf32>
    %add3A_75 = arith.addf %dot_general3A_70, %add3A_74 : vector<400x64xf32>
    %swap3A = arith.constant 0 : index
    %swap3A_76 = arith.constant 0 : index
    %swap3A_77 = vector.load %arg13[%swap3A, %swap3A_76] : memref<400x64xf32, #tpu.memory_space<vmem>>, vector<400x64xf32>
    tpu.vector_store %arg13[%swap3A, %swap3A_76], %add3A_75 {strides = array<i32>} : memref<400x64xf32, #tpu.memory_space<vmem>>, vector<400x64xf32>,
    return
  }
  func.func @transform_0(%arg0: i32) -> (i32, i32, i32) {
    %c0_i32 = arith.constant 0 : i32
    %c0_i32_0 = arith.constant 0 : i32
    %c0_i32_1 = arith.constant 0 : i32
    return %c0_i32, %arg0, %c0_i32_0 : i32, i32, i32
  }
  func.func @transform_1(%arg0: i32) -> (i32, i32, i32) {
    %c0_i32 = arith.constant 0 : i32
    %c0_i32_0 = arith.constant 0 : i32
    %c0_i32_1 = arith.constant 0 : i32
    return %c0_i32, %arg0, %c0_i32_0 : i32, i32, i32
  }
  func.func @transform_2(%arg0: i32) -> (i32, i32) {
    %c0_i32 = arith.constant 0 : i32
    %c0_i32_0 = arith.constant 0 : i32
    return %arg0, %c0_i32 : i32, i32
  }
  func.func @transform_3(%arg0: i32) -> (i32, i32) {
    %c0_i32 = arith.constant 0 : i32
    %c0_i32_0 = arith.constant 0 : i32
    %c0_i32_1 = arith.constant 0 : i32
    return %c0_i32, %c0_i32_0 : i32, i32
  }
  func.func @transform_4(%arg0: i32) -> (i32, i32) {
    %c0_i32 = arith.constant 0 : i32
    %c0_i32_0 = arith.constant 0 : i32
    %c0_i32_1 = arith.constant 0 : i32
    return %c0_i32, %c0_i32_0 : i32, i32
  }
  func.func @transform_5(%arg0: i32) -> (i32, i32) {
    %c0_i32 = arith.constant 0 : i32
    %c0_i32_0 = arith.constant 0 : i32
    %c0_i32_1 = arith.constant 0 : i32
    return %c0_i32, %c0_i32_0 : i32, i32
  }
  func.func @transform_6(%arg0: i32) -> (i32, i32) {
    %c0_i32 = arith.constant 0 : i32
    %c0_i32_0 = arith.constant 0 : i32
    %c0_i32_1 = arith.constant 0 : i32
    return %c0_i32, %c0_i32_0 : i32, i32
  }
  func.func @transform_7(%arg0: i32) -> (i32, i32) {
    %c0_i32 = arith.constant 0 : i32
    %c0_i32_0 = arith.constant 0 : i32
    %c0_i32_1 = arith.constant 0 : i32
    return %c0_i32, %c0_i32_0 : i32, i32
  }
  func.func @transform_8(%arg0: i32) -> (i32, i32) {
    %c0_i32 = arith.constant 0 : i32
    %c0_i32_0 = arith.constant 0 : i32
    %c0_i32_1 = arith.constant 0 : i32
    return %c0_i32, %c0_i32_0 : i32, i32
  }
  func.func @transform_9(%arg0: i32) -> (i32, i32) {
    %c0_i32 = arith.constant 0 : i32
    %c0_i32_0 = arith.constant 0 : i32
    %c0_i32_1 = arith.constant 0 : i32
    return %c0_i32, %c0_i32_0 : i32, i32
  }
  func.func @transform_10(%arg0: i32) -> (i32, i32) {
    %c0_i32 = arith.constant 0 : i32
    %c0_i32_0 = arith.constant 0 : i32
    %c0_i32_1 = arith.constant 0 : i32
    return %c0_i32, %c0_i32_0 : i32, i32
  }
  func.func @transform_11(%arg0: i32) -> (i32, i32) {
    %c0_i32 = arith.constant 0 : i32
    %c0_i32_0 = arith.constant 0 : i32
    %c0_i32_1 = arith.constant 0 : i32
    return %c0_i32, %c0_i32_0 : i32, i32
  }
  func.func @transform_12(%arg0: i32) -> (i32, i32) {
    %c0_i32 = arith.constant 0 : i32
    %c0_i32_0 = arith.constant 0 : i32
    return %arg0, %c0_i32 : i32, i32
  }
}

</mosaic_0001>

<sc_bundles>
// kernel: kernel.10.cloned.1.call-start
scs
__scs_entry_jumppad:
0x0: {  	(pc) =	sbr.rel $0x88, $3  }
0x1: {  	(tag) =	ssettag $0x0;
	lr =	simm.s32 $0x1  }
0x2: {  	[smem:$0x3F93] =	sst lr;
	_ =	strace $0xD0000000  }
0x3: {  	_ = 	snop  }
0x4: {  	_ = 	snop  }
0x5: {  	_ = 	snop  }
0x6: {  	_ = 	snop  }
0x7: {  	_ = 	snop  }
__scs_overlays_trampoline_lowered:
0x8: {  	[smem:$0x3FA2] =	sst s0  }
0x9: {  	[smem:$0x3FA3] =	sst s1  }
0xa: {  	[smem:$0x3FA4] =	sst s2  }
0xb: {  	[smem:$0x3FA5] =	sst s3  }
0xc: {  	[smem:$0x3FA6] =	sst s4  }
0xd: {  	[smem:$0x3FA7] =	sst s5  }
0xe: {  	[smem:$0x3FA8] =	sst s6  }
0xf: {  	[smem:$0x3FA9] =	sst s7  }
0x10: {  	[smem:$0x3FAA] =	sst s8  }
0x11: {  	[smem:$0x3FAB] =	sst s9;
	s0 =	simm.s32 @!p0 $0x0  }
0x12: {  	s1 =	sld [smem:$0x3F91];
	s0 =	simm.s32 @p0 $0x1  }
0x13: {  	[smem:$0x3FAC] =	sst s0;
	s0 =	simm.s32 @!p1 $0x0  }
0x14: {  	s2 =	sld [smem:$0x3F90];
	s0 =	simm.s32 @p1 $0x1  }
0x15: {  	[smem:$0x3FAD] =	sst s0;
	s0 =	simm.s32 @!p2 $0x0  }
0x16: {  	s3 =	sld [smem:$0x3FDB];
	s0 =	simm.s32 @p2 $0x1  }
0x17: {  	s4 =	simm.s32 $0x1BF5;
	[smem:$0x3FAF] =	sst s0  }
0x18: {  	s0 =	sld [smem:$0x3F92];
	_ =	swait.ge [sflag:s4], $0x0  }
0x19: {  	s7 =	sld [smem:$0x3F93]  }
0x1a: {  	s8 =	sadd.s32 $0xFFFFE003, lr  }
0x1b: {  	s9 =	sadd.s32 $0xFFFFFEF7, lr;
	s5 =	simm.s32 $0xFFFFFFFF;
	p2 =	slt.u32 s8, $0xFFFFF086  }
0x1c: {  	p1 =	slt.u32 s9, $0xF7A;
	s5 =	simm.s32 @!p2 $0x0  }
0x1d: {  	s5 =	simm.s32 @p1 $0x1;
	p0 =	seq.s32 s7, s2  }
0x1e: {  	s7 =	smul.u32 @!p0 $0xF7A, s2;
	p2 =	seq.s32 @!p0 s5, $0x0  }
0x1f: {  	s9 =	smul.u32 $0xF7A, s1;
	s8 =	simm.s32 @!p0 $0x1BF5;
	p2 =	por !p2, p0  }
0x20: {  	[sflag:s8] =	ssyncset.s32 @!p0 $0xFFFFF086;
	s6 =	sadd.s32 @!p0 s3, s7;
	s7 =	simm.s32 @!p0 $0x108  }
0x21: {  	s3 =	sadd.s32 s3, s9;
	s6 =	sadd.s32 @!p0 $0x88, s6;
	s7 =	simm.s32 @p2 $0x1082  }
0x22: {  	[simem:s7], [sflag:s8] =	dma.local @!p0 [hbm:s6], $0xF7A  }
0x23: {  	s9 =	sor.u32 $0xD0000000, s2;
	s6 =	simm.s32 $0x108;
	_ =	swait.ge @!p0 [sflag:s8], $0x0  }
0x24: {  	s3 =	sadd.s32 $0x88, s3;
	s6 =	simm.s32 @!p1 $0x1082;
	[sflag:s4] =	ssyncset.s32 $0xFFFFF086  }
0x25: {  	[simem:s6], [sflag:s4] =	dma.local [hbm:s3], $0xF7A  }
0x26: {  	[smem:$0x3F93] =	sst s1;
	(tag) =	ssettag s2;
	_ =	strace s9  }
0x27: {  	s1 =	sld [smem:$0x3FA3]  }
0x28: {  	s2 =	sld [smem:$0x3FA4]  }
0x29: {  	s4 =	sld [smem:$0x3FA6]  }
0x2a: {  	p0 =	seq.s32 s5, $0x0;
	s5 =	sld [smem:$0x3FA7]  }
0x2b: {  	s6 =	sld [smem:$0x3FA8]  }
0x2c: {  	s7 =	sld [smem:$0x3FA9]  }
0x2d: {  	s3 =	simm.s32 $0x108;
	s8 =	sld [smem:$0x3FAA]  }
0x2e: {  	s3 =	simm.s32 @!p0 $0x1082;
	s9 =	sld [smem:$0x3FAB]  }
0x2f: {  	lr =	sadd.s32 s0, s3;
	s0 =	sld [smem:$0x3FA2]  }
0x30: {  	s3 =	sld [smem:$0x3FA5]  }
0x31: {  	[smem:$0x3FAE] =	sst s10  }
0x32: {  	s10 =	sld [smem:$0x3FAC];
	_ =	sdelay $0x3  }
0x33: {  	p0 =	seq.s32 s10, $0x1;
	s10 =	sld [smem:$0x3FAE];
	_ =	sdelay $0x3  }
0x34: {  	[smem:$0x3FAE] =	sst s10  }
0x35: {  	s10 =	sld [smem:$0x3FAD];
	_ =	sdelay $0x3  }
0x36: {  	p1 =	seq.s32 s10, $0x1;
	s10 =	sld [smem:$0x3FAE];
	_ =	sdelay $0x3  }
0x37: {  	[smem:$0x3FAE] =	sst s10  }
0x38: {  	s10 =	sld [smem:$0x3FAF]  }
0x39: {  	_ = 	snop;
	(pc) =	sbr.ind lr, $3  }
0x3a: {  	_ = 	snop  }
0x3b: {  	_ = 	snop  }
0x3c: {  	p2 =	seq.s32 s10, $0x1;
	s10 =	sld [smem:$0x3FAE]  }
0x3d: {  	_ =	shalt  }
0x3e: {  	_ =	shalt  }
0x3f: {  	_ =	shalt  }
0x40: {  	_ =	shalt  }
0x41: {  	_ =	shalt  }
0x42: {  	_ =	shalt  }
0x43: {  	_ =	shalt  }
0x44: {  	_ =	shalt  }
0x45: {  	_ =	shalt  }
0x46: {  	_ =	shalt  }
0x47: {  	_ =	shalt  }
0x48: {  	_ =	shalt  }
0x49: {  	_ =	shalt  }
0x4a: {  	_ =	shalt  }
0x4b: {  	_ =	shalt  }
0x4c: {  	_ =	shalt  }
0x4d: {  	_ =	shalt  }
0x4e: {  	_ =	shalt  }
0x4f: {  	_ =	shalt  }
0x50: {  	_ =	shalt  }
0x51: {  	_ =	shalt  }
0x52: {  	_ =	shalt  }
0x53: {  	_ =	shalt  }
0x54: {  	_ =	shalt  }
0x55: {  	_ =	shalt  }
0x56: {  	_ =	shalt  }
0x57: {  	_ =	shalt  }
0x58: {  	_ =	shalt  }
0x59: {  	_ =	shalt  }
0x5a: {  	_ =	shalt  }
0x5b: {  	_ =	shalt  }
0x5c: {  	_ =	shalt  }
0x5d: {  	_ =	shalt  }
0x5e: {  	_ =	shalt  }
0x5f: {  	_ =	shalt  }
0x60: {  	_ =	shalt  }
0x61: {  	_ =	shalt  }
0x62: {  	_ =	shalt  }
0x63: {  	_ =	shalt  }
0x64: {  	_ =	shalt  }
0x65: {  	_ =	shalt  }
0x66: {  	_ =	shalt  }
0x67: {  	_ =	shalt  }
0x68: {  	_ =	shalt  }
0x69: {  	_ =	shalt  }
0x6a: {  	_ =	shalt  }
0x6b: {  	_ =	shalt  }
0x6c: {  	_ =	shalt  }
0x6d: {  	_ =	shalt  }
0x6e: {  	_ =	shalt  }
0x6f: {  	_ =	shalt  }
0x70: {  	_ =	shalt  }
0x71: {  	_ =	shalt  }
0x72: {  	_ =	shalt  }
0x73: {  	_ =	shalt  }
0x74: {  	_ =	shalt  }
0x75: {  	_ =	shalt  }
0x76: {  	_ =	shalt  }
0x77: {  	_ =	shalt  }
0x78: {  	_ =	shalt  }
0x79: {  	_ =	shalt  }
0x7a: {  	_ =	shalt  }
0x7b: {  	_ =	shalt  }
0x7c: {  	_ =	shalt  }
0x7d: {  	_ =	shalt  }
0x7e: {  	_ =	shalt  }
0x7f: {  	_ =	shalt  }
0x80: {  	_ =	shalt  }
0x81: {  	_ =	shalt  }
0x82: {  	_ =	shalt  }
0x83: {  	_ =	shalt  }
0x84: {  	_ =	shalt  }
0x85: {  	_ =	shalt  }
0x86: {  	_ =	shalt  }
0x87: {  	_ =	shalt  }
.Lfunc_end0:
.L_simem_size_0:
called_computation.1_lowered:
.L_overlay_start_0:
0x88: {  	s2 =	sld [smem:$0x3FD9]  }
0x89: {  	s3 =	sld [smem:$0x3FFE];
	_ =	sdelay $0x1  }
0x8a: {  	s1 =	srdreg.scid  }
0x8b: {  	s0 =	sand.u32 $0x1, s1  }
0x8c: {  	s17 =	sshll.u32 s0, $0xA;
	s2 =	sadd.s32 s3, s2  }
0x8d: {  	s2 =	sadd.s32 s2, s17  }
0x8e: {  	[smem:$0x3FBA] =	sst s2  }
0x8f: {  	_ = 	snop  }
0x90: {  	s2 =	sld [smem:$0x3FC9]  }
0x91: {  	s18 =	sld [smem:$0x3FD0];
	(tm) =	ssettm $0x1  }
0x92: {  	s4 =	sld [smem:$0x3FFB];
	_ =	sdelay $0x3  }
0x93: {  	_ =	strace s4  }
0x94: {  	s4 =	sld [smem:$0x3FFC];
	_ =	sdelay $0x3  }
0x95: {  	_ =	strace s4  }
0x96: {  	s4 =	sld [smem:$0x3FFD];
	_ =	sdelay $0x3  }
0x97: {  	_ =	strace s4  }
0x98: {  	_ =	strace $0x8FFFFFFF  }
0x99: {  	s19 =	sld [smem:$0x3FDB];
	_ =	sdelay $0x1  }
0x9a: {  	s5 =	simm.s32 $_scs_section_size  }
0x9b: {  	s6 =	simm.s32 $_size__tile_overlayer_lowered;
	s7 =	simm.s32 $_tile_overlayer_lowered  }
0x9c: {  	s22 =	simm.s32 $0x1BFF;
	s21 =	sshll.u32 s7, $0x1;
	s4 =	sadd.s32 s5, s19  }
0x9d: {  	s8 =	simm.s32 $0x0;
	s20 =	sshll.u32 s6, $0x1;
	s6 =	sadd.s32 s21, s4  }
0x9e: {  	[timem:s8], [sflag:s22] =	dma.local [hbm:s6], s20  }
0x9f: {  	_ =	swait.ge [sflag:s22], s20  }
0xa0: {  	s5 =	ssub.s32 $0x0, s20;
	[sflag:s22] =	ssyncset.done $0x0  }
0xa1: {  	[sflag:s22] =	ssyncadd.s32 s5;
	_ =	sdelay $0x1  }
0xa2: {  	s23 =	simm.s32 $0x1B8B  }
0xa3: {  	_ =	swait.ge [sflag:s23], $0x1  }
0xa4: {  	[sflag:s23] =	ssyncset.done $0x0  }
0xa5: {  	s25 =	simm.s32 $0x1B8E;
	s24 =	sld [smem:$0x3FFE];
	[sflag:s23] =	ssyncadd.s32 $0xFFFFFFFF  }
0xa6: {  	s26 =	simm.s32 $execute0_lowered;
	[smem:$0x3FD2] =	sst s25  }
0xa7: {  	s6 =	sshll.u32 s26, $0x1;
	_ =	strace $0x80000046;
	[dreg:$0x1] =	wrdreg $0xFFFFFFFF  }
0xa8: {  	s28 =	simm.s32 $_size_execute0_lowered;
	s4 =	sadd.s32 s4, s6;
	[dreg:$0x0] =	wrdreg $0x0  }
0xa9: {  	s6 =	sshll.u32 s28, $0x1;
	[dreg:$0x2] =	wrdreg s4  }
0xaa: {  	[dreg:$0x3] =	wrdreg s6  }
0xab: {  	[dreg:$0x4] =	wrdreg $0xC0  }
0xac: {  	_ =	task [dreg:s8], $0x5FFFF  }
0xad: {  	[dreg:$0x1] =	wrdreg $0xFFFFFFFF  }
0xae: {  	[dreg:$0x0] =	wrdreg $0x60  }
0xaf: {  	[dreg:$0x2] =	wrdreg s2  }
0xb0: {  	[dreg:$0x3] =	wrdreg s24  }
0xb1: {  	[dreg:$0x4] =	wrdreg s18  }
0xb2: {  	[dreg:$0x5] =	wrdreg $0x84000  }
0xb3: {  	[dreg:$0x6] =	wrdreg $0xA  }
0xb4: {  	_ =	task.clear_ibuf [dreg:s8], $0x7FFFF;
	_ =	strace $0x90000046  }
0xb5: {  	s29 =	simm.s32 $0xA;
	_ =	strace $0x80000048  }
0xb6: {  	_ =	swait.ge [sflag:s29], $0x1  }
0xb7: {  	[sflag:s29] =	ssyncadd.s32 $0xFFFFFFFF  }
0xb8: {  	_ =	strace $0x90000048  }
0xb9: {  	_ =	sfence  }
0xba: {  	s30 =	sld [smem:$0x0];
	_ =	sdelay $0x2  }
0xbb: {  	s31 =	sshll.u32 s1, $0xD;
	s1 =	sshrl.u32 s1, $0x2  }
0xbc: {  	s3 =	sand.u32 $0x4000, s31;
	s1 =	sadd.s32 s1, s30  }
0xbd: {  	s0 =	sor.u32 s3, s0;
	s1 =	sshll.u32 s1, $0x11  }
0xbe: {  	s0 =	sor.u32 s1, s0  }
0xbf: {  	s0 =	sadd.s32 $0x8F2B, s0  }
0xc0: {  	[sflag:s0] =	ssyncadd.remote.s32 $0x1  }
0xc1: {  	_ =	sfence.sel $0xFFFF  }
0xc2: {  	[dreg:$0x0] =	wrdreg $0xFFFFFFFF;
	(pc) =	sbr.abs _section_cstart, $3  }
0xc3: {  	[dreg:$0x1] =	wrdreg $0xFFFFFFFF  }
0xc4: {  	_ =	task.clear_ibuf [dreg:s8], $0x2FFFF;
	_ =	strace $0x9FFFFFFF  }
0xc5: {  	(tm) =	ssettm $0x7FFFFFFF  }
tec
execute0_lowered:
.L_overlay_start_1:
0x0: {  	(tag) =	ssettag $0x1  }
0x1: {  	s0 =	rddreg [dreg:$0x0]  }
0x2: {  	s1 =	rddreg [dreg:$0x1]  }
0x3: {  	s2 =	rddreg [dreg:$0x2]  }
0x4: {  	s4 =	srdreg.scid;
	s10 =	stileid.u32  }
0x5: {  	s3 =	rddreg [dreg:$0x3];
	s28 =	simm.s32 $0xC0;
	s7 =	smul.u32 $0x13C00, s10  }
0x6: {  	s29 =	simm.s32 $0x6400;
	s30 =	simm.s32 $0x1;
	s12 =	smul.u32 $0x4F000, s10  }
0x7: {  	s31 =	simm.s32 $0x100;
	s6 =	sand.u32 $0x1, s4;
	s14 =	smul.u32 $0x600, s10  }
0x8: {  	s4 =	simm.s32 $0x0;
	s8 =	sadd.s32 $0x2E00, s1;
	s20 =	smul.u32 $0x940, s10  }
0x9: {  	s5 =	smul.u32 $0x13C000, s6;
	[smem:$0x7FF] =	sst s4;
	s9 =	ssub.s32 $0x2, s6  }
0xa: {  	p0 =	seq.s32 s6, $0x1;
	_ =	strace $0x80000047;
	s13 =	sshrl.u32 s9, $0x1  }
0xb: {  	s19 =	sshrl.u32 s14, $0x3;
	s14 =	simm.s32 $0x180;
	s5 =	sadd.s32 s7, s5  }
0xc: {  	s7 =	sshrl.u32 s12, $0x2;
	s11 =	ssub.s32 s9, s13;
	s21 =	sadd.s32 $0x9400, s19  }
0xd: {  	s12 =	sadd.s32 $0x9440, s19;
	s24 =	sadd.s32 $0x9480, s19;
	s19 =	sadd.s32 s20, s2  }
0xe: {  	s13 =	simm.s32 $0x280;
	s5 =	sshrl.u32 s5, $0x3;
	s22 =	sadd.s32 s8, s21  }
0xf: {  	s11 =	smax.u32 s11, $0x1;
	s23 =	sadd.s32 s8, s12;
	[dreg:$0xa] =	wrdreg s22  }
0x10: {  	s25 =	sadd.s32 s2, s12;
	s26 =	sadd.s32 s8, s24;
	[dreg:$0xc] =	wrdreg s23  }
0x11: {  	s1 =	sadd.s32 s5, s1;
	s5 =	sadd.s32 s7, s3;
	[dreg:$0xd] =	wrdreg s25  }
0x12: {  	s12 =	simm.s32 $0x2;
	[dreg:$0xe] =	wrdreg s26;
	s15 =	sadd.s32 $0x4000, s5  }
0x13: {  	s22 =	simm.s32 $0x200;
	s16 =	sadd.s32 $0x8000, s5;
	[dreg:$0x5] =	wrdreg s15  }
0x14: {  	s23 =	simm.s32 $0x40;
	s17 =	sadd.s32 $0xC000, s5;
	[dreg:$0x6] =	wrdreg s16  }
0x15: {  	s25 =	simm.s32 $0x80;
	s18 =	sadd.s32 $0x10000, s5;
	[dreg:$0x7] =	wrdreg s17  }
0x16: {  	s26 =	simm.s32 $0x4400;
	s1 =	sadd.s32 $0xCE00, s1;
	[dreg:$0x8] =	wrdreg s18  }
.Ltmp0:
0x17: {  	[dreg:$0x9] =	wrdreg s1;
	s1 =	sadd.s32 s2, s21;
	(pc) =	sbr.rel .LBB2_1-.Ltmp0, $4  }
0x18: {  	s18 =	sadd.s32 s20, s8;
	s20 =	simm.s32 $0x400;
	s21 =	simm.s32 $0x3  }
0x19: {  	s15 =	simm.s32 $0x1C0;
	s16 =	simm.s32 $0x300;
	s17 =	simm.s32 $0x380  }
0x1a: {  	[dreg:$0xb] =	wrdreg s1;
	s1 =	sadd.s32 s2, s24;
	s24 =	simm.s32 $0x2400  }
0x1b: {  	v0 =	vimm.f32 $0.0e+00;
	s2 =	simm.s32 $0x0;
	[dreg:$0xf] =	wrdreg s1;
	s1 =	simm.s32 $0x140  }
.LBB2_4:
0x1c: {  	s6 =	rddreg [dreg:$0xa]  }
0x1d: {  	[tilespmem:s4], [sflag:$0x3] =	stream.linear.gather [hbm4b:s6+s4], $0x200, $0x38;
	[tilespmem:$0x1C000] =	vst v63  }
0x1e: {  	_ =	swait.ge [sflag:s21], $0x200  }
0x1f: {  	[sflag:s21] =	ssyncset.done $0x0  }
0x20: {  	s8 =	rddreg [dreg:$0xb];
	[sflag:s21] =	ssyncadd.s32 $0xFFFFFE00  }
0x21: {  	[tilespmem:s22], [sflag:$0x3] =	stream.linear.gather [hbm4b:s8+s4], $0x200, $0x38;
	[tilespmem:$0x1C000] =	vst v63  }
0x22: {  	_ =	swait.ge [sflag:s21], $0x200  }
0x23: {  	[sflag:s21] =	ssyncset.done $0x0  }
0x24: {  	[sflag:s21] =	ssyncadd.s32 $0xFFFFFE00  }
0x25: {  	[tilespmem:s20], [sflag:$0x1] =	stream.indirect.gather [hbm4b:s0+s23], $0x80, s4, s23, $0xb8;
	[tilespmem:$0x1C000] =	vst v63  }
0x26: {  	_ = 	snop  }
0x27: {  	[tilespmem:s24], [sflag:$0x1] =	stream.indirect.gather [hbm4b:s0+s23], $0x80, s23, s23, $0xb8;
	[tilespmem:$0x1C000] =	vst v63  }
0x28: {  	_ = 	snop  }
0x29: {  	[tilespmem:s26], [sflag:$0x2] =	stream.indirect.gather [hbm4b:s0+s23], $0x80, s25, s23, $0xb8;
	[tilespmem:$0x1C000] =	vst v63  }
0x2a: {  	_ = 	snop  }
0x2b: {  	[tilespmem:s29], [sflag:$0x2] =	stream.indirect.gather [hbm4b:s0+s23], $0x80, s28, s23, $0xb8;
	[tilespmem:$0x1C000] =	vst v63  }
0x2c: {  	_ =	swait.ge [sflag:s30], $0x4000  }
0x2d: {  	[sflag:s30] =	ssyncset.done $0x0  }
0x2e: {  	[sflag:s30] =	ssyncadd.s32 $0xFFFFC000  }
0x2f: {  	[spmem:s3] =	stream.indirect.scatter.add.f32 [tilespmem:s20], [sflag:$0x3], $0x80, s22, s25, $0xb8;
	[tilespmem:$0x1C000] =	vst v63  }
0x30: {  	_ =	swait.ge [sflag:s21], $0x4000  }
0x31: {  	[sflag:s21] =	ssyncset.done $0x0  }
0x32: {  	[sflag:s21] =	ssyncadd.s32 $0xFFFFC000  }
0x33: {  	[tilespmem:s20], [sflag:$0x1] =	stream.indirect.gather [hbm4b:s0+s23], $0x80, s31, s23, $0xb8;
	[tilespmem:$0x1C000] =	vst v63  }
0x34: {  	_ = 	snop  }
0x35: {  	[tilespmem:s24], [sflag:$0x1] =	stream.indirect.gather [hbm4b:s0+s23], $0x80, s1, s23, $0xb8;
	[tilespmem:$0x1C000] =	vst v63  }
0x36: {  	_ =	swait.ge [sflag:s12], $0x4000  }
0x37: {  	[sflag:s12] =	ssyncset.done $0x0  }
0x38: {  	[sflag:s12] =	ssyncadd.s32 $0xFFFFC000  }
0x39: {  	[spmem:s3] =	stream.indirect.scatter.add.f32 [tilespmem:s26], [sflag:$0x3], $0x80, s13, s25, $0xb8;
	[tilespmem:$0x1C000] =	vst v63  }
0x3a: {  	_ =	swait.ge [sflag:s21], $0x4000  }
0x3b: {  	[sflag:s21] =	ssyncset.done $0x0  }
0x3c: {  	[sflag:s21] =	ssyncadd.s32 $0xFFFFC000  }
0x3d: {  	[tilespmem:s26], [sflag:$0x2] =	stream.indirect.gather [hbm4b:s0+s23], $0x80, s14, s23, $0xb8;
	[tilespmem:$0x1C000] =	vst v63  }
0x3e: {  	_ = 	snop  }
0x3f: {  	[tilespmem:s29], [sflag:$0x2] =	stream.indirect.gather [hbm4b:s0+s23], $0x80, s15, s23, $0xb8;
	[tilespmem:$0x1C000] =	vst v63  }
0x40: {  	_ =	swait.ge [sflag:s30], $0x4000  }
0x41: {  	[sflag:s30] =	ssyncset.done $0x0  }
0x42: {  	[sflag:s30] =	ssyncadd.s32 $0xFFFFC000  }
0x43: {  	[spmem:s3] =	stream.indirect.scatter.add.f32 [tilespmem:s20], [sflag:$0x3], $0x80, s16, s25, $0xb8;
	[tilespmem:$0x1C000] =	vst v63  }
0x44: {  	_ =	swait.ge [sflag:s21], $0x4000  }
0x45: {  	[sflag:s21] =	ssyncset.done $0x0  }
0x46: {  	[sflag:s21] =	ssyncadd.s32 $0xFFFFC000  }
0x47: {  	_ =	swait.ge [sflag:s12], $0x4000  }
0x48: {  	[sflag:s12] =	ssyncset.done $0x0  }
0x49: {  	[sflag:s12] =	ssyncadd.s32 $0xFFFFC000  }
0x4a: {  	[spmem:s3] =	stream.indirect.scatter.add.f32 [tilespmem:s26], [sflag:$0x3], $0x80, s17, s25, $0xb8;
	[tilespmem:$0x1C000] =	vst v63  }
0x4b: {  	_ =	swait.ge [sflag:s21], $0x4000  }
0x4c: {  	[sflag:s21] =	ssyncset.done $0x0  }
0x4d: {  	s9 =	rddreg [dreg:$0xc];
	[sflag:s21] =	ssyncadd.s32 $0xFFFFC000  }
0x4e: {  	[tilespmem:s4], [sflag:$0x3] =	stream.linear.gather [hbm4b:s9+s4], $0x200, $0x38;
	[tilespmem:$0x1C000] =	vst v63  }
0x4f: {  	_ =	swait.ge [sflag:s21], $0x200  }
0x50: {  	[sflag:s21] =	ssyncset.done $0x0  }
0x51: {  	s7 =	rddreg [dreg:$0xd];
	[sflag:s21] =	ssyncadd.s32 $0xFFFFFE00  }
0x52: {  	[tilespmem:s22], [sflag:$0x3] =	stream.linear.gather [hbm4b:s7+s4], $0x200, $0x38;
	[tilespmem:$0x1C000] =	vst v63  }
0x53: {  	_ =	swait.ge [sflag:s21], $0x200  }
0x54: {  	[sflag:s21] =	ssyncset.done $0x0  }
0x55: {  	[sflag:s21] =	ssyncadd.s32 $0xFFFFFE00  }
0x56: {  	[tilespmem:s20], [sflag:$0x1] =	stream.indirect.gather [hbm4b:s0+s23], $0x80, s4, s23, $0xb8;
	[tilespmem:$0x1C000] =	vst v63  }
0x57: {  	_ = 	snop  }
0x58: {  	[tilespmem:s24], [sflag:$0x1] =	stream.indirect.gather [hbm4b:s0+s23], $0x80, s23, s23, $0xb8;
	[tilespmem:$0x1C000] =	vst v63  }
0x59: {  	_ = 	snop  }
0x5a: {  	[tilespmem:s26], [sflag:$0x2] =	stream.indirect.gather [hbm4b:s0+s23], $0x80, s25, s23, $0xb8;
	[tilespmem:$0x1C000] =	vst v63  }
0x5b: {  	_ = 	snop  }
0x5c: {  	[tilespmem:s29], [sflag:$0x2] =	stream.indirect.gather [hbm4b:s0+s23], $0x80, s28, s23, $0xb8;
	[tilespmem:$0x1C000] =	vst v63  }
0x5d: {  	_ =	swait.ge [sflag:s30], $0x4000  }
0x5e: {  	[sflag:s30] =	ssyncset.done $0x0  }
0x5f: {  	[sflag:s30] =	ssyncadd.s32 $0xFFFFC000  }
0x60: {  	[spmem:s3] =	stream.indirect.scatter.add.f32 [tilespmem:s20], [sflag:$0x3], $0x80, s22, s25, $0xb8;
	[tilespmem:$0x1C000] =	vst v63  }
0x61: {  	_ =	swait.ge [sflag:s21], $0x4000  }
0x62: {  	[sflag:s21] =	ssyncset.done $0x0  }
0x63: {  	[sflag:s21] =	ssyncadd.s32 $0xFFFFC000  }
0x64: {  	[tilespmem:s20], [sflag:$0x1] =	stream.indirect.gather [hbm4b:s0+s23], $0x80, s31, s23, $0xb8;
	[tilespmem:$0x1C000] =	vst v63  }
0x65: {  	_ = 	snop  }
0x66: {  	[tilespmem:s24], [sflag:$0x1] =	stream.indirect.gather [hbm4b:s0+s23], $0x80, s1, s23, $0xb8;
	[tilespmem:$0x1C000] =	vst v63  }
0x67: {  	_ =	swait.ge [sflag:s12], $0x4000  }
0x68: {  	[sflag:s12] =	ssyncset.done $0x0  }
0x69: {  	[sflag:s12] =	ssyncadd.s32 $0xFFFFC000  }
0x6a: {  	[spmem:s3] =	stream.indirect.scatter.add.f32 [tilespmem:s26], [sflag:$0x3], $0x80, s13, s25, $0xb8;
	[tilespmem:$0x1C000] =	vst v63  }
0x6b: {  	_ =	swait.ge [sflag:s21], $0x4000  }
0x6c: {  	[sflag:s21] =	ssyncset.done $0x0  }
0x6d: {  	[sflag:s21] =	ssyncadd.s32 $0xFFFFC000  }
0x6e: {  	[tilespmem:s26], [sflag:$0x2] =	stream.indirect.gather [hbm4b:s0+s23], $0x80, s14, s23, $0xb8;
	[tilespmem:$0x1C000] =	vst v63  }
0x6f: {  	_ = 	snop  }
0x70: {  	[tilespmem:s29], [sflag:$0x2] =	stream.indirect.gather [hbm4b:s0+s23], $0x80, s15, s23, $0xb8;
	[tilespmem:$0x1C000] =	vst v63  }
0x71: {  	_ =	swait.ge [sflag:s30], $0x4000  }
0x72: {  	[sflag:s30] =	ssyncset.done $0x0  }
0x73: {  	[sflag:s30] =	ssyncadd.s32 $0xFFFFC000  }
0x74: {  	[spmem:s3] =	stream.indirect.scatter.add.f32 [tilespmem:s20], [sflag:$0x3], $0x80, s16, s25, $0xb8;
	[tilespmem:$0x1C000] =	vst v63  }
0x75: {  	_ =	swait.ge [sflag:s21], $0x4000  }
0x76: {  	[sflag:s21] =	ssyncset.done $0x0  }
0x77: {  	[sflag:s21] =	ssyncadd.s32 $0xFFFFC000  }
0x78: {  	_ =	swait.ge [sflag:s12], $0x4000  }
0x79: {  	[sflag:s12] =	ssyncset.done $0x0  }
0x7a: {  	[sflag:s12] =	ssyncadd.s32 $0xFFFFC000  }
0x7b: {  	[spmem:s3] =	stream.indirect.scatter.add.f32 [tilespmem:s26], [sflag:$0x3], $0x80, s17, s25, $0xb8;
	[tilespmem:$0x1C000] =	vst v63  }
0x7c: {  	_ =	swait.ge [sflag:s21], $0x4000  }
0x7d: {  	[sflag:s21] =	ssyncset.done $0x0  }
0x7e: {  	s8 =	rddreg [dreg:$0xe];
	[sflag:s21] =	ssyncadd.s32 $0xFFFFC000  }
0x7f: {  	[tilespmem:s4], [sflag:$0x3] =	stream.linear.gather [hbm4b:s8+s4], $0x200, $0x38;
	[tilespmem:$0x1C000] =	vst v63  }
0x80: {  	_ =	swait.ge [sflag:s21], $0x200  }
0x81: {  	[sflag:s21] =	ssyncset.done $0x0  }
0x82: {  	s9 =	rddreg [dreg:$0xf];
	[sflag:s21] =	ssyncadd.s32 $0xFFFFFE00  }
0x83: {  	[tilespmem:s22], [sflag:$0x3] =	stream.linear.gather [hbm4b:s9+s4], $0x200, $0x38;
	[tilespmem:$0x1C000] =	vst v63  }
0x84: {  	_ =	swait.ge [sflag:s21], $0x200  }
0x85: {  	[sflag:s21] =	ssyncset.done $0x0  }
0x86: {  	[sflag:s21] =	ssyncadd.s32 $0xFFFFFE00  }
0x87: {  	[tilespmem:s20], [sflag:$0x1] =	stream.indirect.gather [hbm4b:s0+s23], $0x80, s4, s23, $0xb8;
	[tilespmem:$0x1C000] =	vst v63  }
0x88: {  	_ = 	snop  }
0x89: {  	[tilespmem:s24], [sflag:$0x1] =	stream.indirect.gather [hbm4b:s0+s23], $0x80, s23, s23, $0xb8;
	[tilespmem:$0x1C000] =	vst v63  }
0x8a: {  	_ = 	snop  }
0x8b: {  	[tilespmem:s26], [sflag:$0x2] =	stream.indirect.gather [hbm4b:s0+s23], $0x80, s25, s23, $0xb8;
	[tilespmem:$0x1C000] =	vst v63  }
0x8c: {  	_ = 	snop  }
0x8d: {  	[tilespmem:s29], [sflag:$0x2] =	stream.indirect.gather [hbm4b:s0+s23], $0x80, s28, s23, $0xb8;
	[tilespmem:$0x1C000] =	vst v63  }
0x8e: {  	_ =	swait.ge [sflag:s30], $0x4000  }
0x8f: {  	[sflag:s30] =	ssyncset.done $0x0  }
0x90: {  	[sflag:s30] =	ssyncadd.s32 $0xFFFFC000  }
0x91: {  	[spmem:s3] =	stream.indirect.scatter.add.f32 [tilespmem:s20], [sflag:$0x3], $0x80, s22, s25, $0xb8;
	[tilespmem:$0x1C000] =	vst v63  }
0x92: {  	_ =	swait.ge [sflag:s21], $0x4000  }
0x93: {  	[sflag:s21] =	ssyncset.done $0x0  }
0x94: {  	[sflag:s21] =	ssyncadd.s32 $0xFFFFC000  }
0x95: {  	[tilespmem:s20], [sflag:$0x1] =	stream.indirect.gather [hbm4b:s0+s23], $0x80, s31, s23, $0xb8;
	[tilespmem:$0x1C000] =	vst v63  }
0x96: {  	_ = 	snop  }
0x97: {  	[tilespmem:s24], [sflag:$0x1] =	stream.indirect.gather [hbm4b:s0+s23], $0x80, s1, s23, $0xb8;
	[tilespmem:$0x1C000] =	vst v63  }
0x98: {  	_ =	swait.ge [sflag:s12], $0x4000  }
0x99: {  	[sflag:s12] =	ssyncset.done $0x0  }
0x9a: {  	[sflag:s12] =	ssyncadd.s32 $0xFFFFC000  }
0x9b: {  	[spmem:s3] =	stream.indirect.scatter.add.f32 [tilespmem:s26], [sflag:$0x3], $0x80, s13, s25, $0xb8;
	[tilespmem:$0x1C000] =	vst v63  }
0x9c: {  	_ =	swait.ge [sflag:s21], $0x4000  }
0x9d: {  	[sflag:s21] =	ssyncset.done $0x0  }
0x9e: {  	[sflag:s21] =	ssyncadd.s32 $0xFFFFC000  }
0x9f: {  	[tilespmem:s26], [sflag:$0x2] =	stream.indirect.gather [hbm4b:s0+s23], $0x80, s14, s23, $0xb8;
	[tilespmem:$0x1C000] =	vst v63  }
0xa0: {  	_ = 	snop  }
0xa1: {  	[tilespmem:s29], [sflag:$0x2] =	stream.indirect.gather [hbm4b:s0+s23], $0x80, s15, s23, $0xb8;
	[tilespmem:$0x1C000] =	vst v63  }
0xa2: {  	_ =	swait.ge [sflag:s30], $0x4000  }
0xa3: {  	[sflag:s30] =	ssyncset.done $0x0  }
0xa4: {  	[sflag:s30] =	ssyncadd.s32 $0xFFFFC000  }
0xa5: {  	[spmem:s3] =	stream.indirect.scatter.add.f32 [tilespmem:s20], [sflag:$0x3], $0x80, s16, s25, $0xb8;
	[tilespmem:$0x1C000] =	vst v63  }
0xa6: {  	_ =	swait.ge [sflag:s21], $0x4000  }
0xa7: {  	[sflag:s21] =	ssyncset.done $0x0  }
0xa8: {  	[sflag:s21] =	ssyncadd.s32 $0xFFFFC000  }
0xa9: {  	_ =	swait.ge [sflag:s12], $0x4000  }
0xaa: {  	[sflag:s12] =	ssyncset.done $0x0  }
0xab: {  	[sflag:s12] =	ssyncadd.s32 $0xFFFFC000  }
0xac: {  	[spmem:s3] =	stream.indirect.scatter.add.f32 [tilespmem:s26], [sflag:$0x3], $0x80, s17, s25, $0xb8;
	[tilespmem:$0x1C000] =	vst v63  }
0xad: {  	_ =	swait.ge [sflag:s21], $0x4000  }
0xae: {  	[sflag:s21] =	ssyncset.done $0x0  }
0xaf: {  	[sflag:s21] =	ssyncadd.s32 $0xFFFFC000  }
.LBB2_8:
0xb0: {  	s6 =	sshll.u32 s10, $0x6;
	s2 =	sadd.s32 $0x1, s2  }
0xb1: {  	[bflag:$0x0] =	sbarrier.arrive $0xFFFF;
	s7 =	sshrl.u32 s5, $0x3;
	p1 =	sne.s32 s2, s11  }
.Ltmp1:
0xb2: {  	s6 =	sor.u32 $0x1C03, s6;
	s8 =	rddreg [dreg:$0x9];
	(pc) =	sbr.rel @!p1 .LBB2_9-.Ltmp1, $4  }
0xb3: {  	[hbm:s8], [sflag:s6] =	dma.local [spmem:s7], $0x2780  }
0xb4: {  	_ =	swait.ge [sflag:s21], $0x2780  }
0xb5: {  	[sflag:s21] =	ssyncset.done $0x0  }
0xb6: {  	[sflag:s21] =	ssyncadd.s32 $0xFFFFD880  }
.LBB2_1:
0xb7: {  	s6 =	sand.u32 $0xFE00, s4  }
0xb8: {  	s7 =	sand.u32 $0x70, s4;
	s8 =	sshrl.u32 s6, $0x2  }
0xb9: {  	s6 =	simm.s32 $0x40;
	s8 =	sor.u32 s7, s8;
	s7 =	simm.s32 $0x0  }
.LBB2_2:
0xba: {  	p1 =	sne.s32 s6, $0xFFC0  }
0xbb: {  	[tilespmem:s8+$0x400] =	vst v0;
	s7 =	sadd.s32 $0x10, s7;
	s8 =	smov.u32 s6;
	s6 =	sadd.s32 $0x40, s6  }
.Ltmp2:
0xbc: {  	(pc) =	sbr.rel @p1 .LBB2_2-.Ltmp2, $4  }
0xbd: {  	_ = 	snop  }
0xbe: {  	s8 =	sand.u32 $0xFE00, s8  }
0xbf: {  	s9 =	sand.u32 $0x70, s7;
	s8 =	sshrl.u32 s8, $0x2  }
0xc0: {  	s8 =	sor.u32 s9, s8  }
0xc1: {  	[tilespmem:s8+$0x400] =	vst v0  }
0xc2: {  	[spmem:s5] =	stream.linear.scatter [tilespmem:s20], [sflag:$0x3], $0x4000, $0x38;
	[tilespmem:$0x1C000] =	vst v63  }
0xc3: {  	_ =	swait.ge [sflag:s21], $0x4000  }
0xc4: {  	[sflag:s21] =	ssyncset.done $0x0  }
0xc5: {  	s6 =	rddreg [dreg:$0x5];
	[sflag:s21] =	ssyncadd.s32 $0xFFFFC000  }
0xc6: {  	[spmem:s6] =	stream.linear.scatter [tilespmem:s20], [sflag:$0x3], $0x4000, $0x38;
	[tilespmem:$0x1C000] =	vst v63  }
0xc7: {  	_ =	swait.ge [sflag:s21], $0x4000  }
0xc8: {  	[sflag:s21] =	ssyncset.done $0x0  }
0xc9: {  	s7 =	rddreg [dreg:$0x6];
	[sflag:s21] =	ssyncadd.s32 $0xFFFFC000  }
0xca: {  	[spmem:s7] =	stream.linear.scatter [tilespmem:s20], [sflag:$0x3], $0x4000, $0x38;
	[tilespmem:$0x1C000] =	vst v63  }
0xcb: {  	_ =	swait.ge [sflag:s21], $0x4000  }
0xcc: {  	[sflag:s21] =	ssyncset.done $0x0  }
0xcd: {  	s8 =	rddreg [dreg:$0x7];
	[sflag:s21] =	ssyncadd.s32 $0xFFFFC000  }
0xce: {  	[spmem:s8] =	stream.linear.scatter [tilespmem:s20], [sflag:$0x3], $0x4000, $0x38;
	[tilespmem:$0x1C000] =	vst v63  }
0xcf: {  	_ =	swait.ge [sflag:s21], $0x4000  }
0xd0: {  	[sflag:s21] =	ssyncset.done $0x0  }
0xd1: {  	s9 =	rddreg [dreg:$0x8];
	[sflag:s21] =	ssyncadd.s32 $0xFFFFC000  }
0xd2: {  	[spmem:s9] =	stream.linear.scatter [tilespmem:s20], [sflag:$0x3], $0x3C00, $0x38;
	[tilespmem:$0x1C000] =	vst v63  }
.Ltmp3:
0xd3: {  	_ =	swait.ge [sflag:s21], $0x3C00;
	(pc) =	sbr.rel @p0 .LBB2_4-.Ltmp3, $3  }
0xd4: {  	[sflag:s21] =	ssyncset.done $0x0  }
0xd5: {  	[sflag:s21] =	ssyncadd.s32 $0xFFFFC400  }
0xd6: {  	[bflag:$0x0] =	sbarrier.arrive $0xFFFF;
	_ =	sdelay $0x1  }
0xd7: {  	s6 =	sadd.s32 $0x0, s18  }
0xd8: {  	[tilespmem:s4], [sflag:$0x3] =	stream.linear.gather [hbm4b:s6+s4], $0x200, $0x38;
	[tilespmem:$0x1C000] =	vst v63  }
0xd9: {  	_ =	swait.ge [sflag:s21], $0x200  }
0xda: {  	[sflag:s21] =	ssyncset.done $0x0  }
0xdb: {  	s10 =	sadd.s32 $0x0, s19;
	[sflag:s21] =	ssyncadd.s32 $0xFFFFFE00  }
0xdc: {  	[tilespmem:s22], [sflag:$0x3] =	stream.linear.gather [hbm4b:s10+s4], $0x200, $0x38;
	[tilespmem:$0x1C000] =	vst v63  }
0xdd: {  	_ =	swait.ge [sflag:s21], $0x200  }
0xde: {  	[sflag:s21] =	ssyncset.done $0x0  }
0xdf: {  	[sflag:s21] =	ssyncadd.s32 $0xFFFFFE00  }
0xe0: {  	[tilespmem:s20], [sflag:$0x1] =	stream.indirect.gather [hbm4b:s0+s23], $0x80, s4, s23, $0xb8;
	[tilespmem:$0x1C000] =	vst v63  }
0xe1: {  	_ = 	snop  }
0xe2: {  	[tilespmem:s24], [sflag:$0x1] =	stream.indirect.gather [hbm4b:s0+s23], $0x80, s23, s23, $0xb8;
	[tilespmem:$0x1C000] =	vst v63  }
0xe3: {  	_ = 	snop  }
0xe4: {  	[tilespmem:s26], [sflag:$0x2] =	stream.indirect.gather [hbm4b:s0+s23], $0x80, s25, s23, $0xb8;
	[tilespmem:$0x1C000] =	vst v63  }
0xe5: {  	_ = 	snop  }
0xe6: {  	[tilespmem:s29], [sflag:$0x2] =	stream.indirect.gather [hbm4b:s0+s23], $0x80, s28, s23, $0xb8;
	[tilespmem:$0x1C000] =	vst v63  }
0xe7: {  	_ =	swait.ge [sflag:s30], $0x4000  }
0xe8: {  	[sflag:s30] =	ssyncset.done $0x0  }
0xe9: {  	[sflag:s30] =	ssyncadd.s32 $0xFFFFC000  }
0xea: {  	[spmem:s3] =	stream.indirect.scatter.add.f32 [tilespmem:s20], [sflag:$0x3], $0x80, s22, s25, $0xb8;
	[tilespmem:$0x1C000] =	vst v63  }
0xeb: {  	_ =	swait.ge [sflag:s21], $0x4000  }
0xec: {  	[sflag:s21] =	ssyncset.done $0x0  }
0xed: {  	[sflag:s21] =	ssyncadd.s32 $0xFFFFC000  }
0xee: {  	[tilespmem:s20], [sflag:$0x1] =	stream.indirect.gather [hbm4b:s0+s23], $0x80, s31, s23, $0xb8;
	[tilespmem:$0x1C000] =	vst v63  }
0xef: {  	_ = 	snop  }
0xf0: {  	[tilespmem:s24], [sflag:$0x1] =	stream.indirect.gather [hbm4b:s0+s23], $0x80, s1, s23, $0xb8;
	[tilespmem:$0x1C000] =	vst v63  }
0xf1: {  	_ =	swait.ge [sflag:s12], $0x4000  }
0xf2: {  	[sflag:s12] =	ssyncset.done $0x0  }
0xf3: {  	[sflag:s12] =	ssyncadd.s32 $0xFFFFC000  }
0xf4: {  	[spmem:s3] =	stream.indirect.scatter.add.f32 [tilespmem:s26], [sflag:$0x3], $0x80, s13, s25, $0xb8;
	[tilespmem:$0x1C000] =	vst v63  }
0xf5: {  	_ =	swait.ge [sflag:s21], $0x4000  }
0xf6: {  	[sflag:s21] =	ssyncset.done $0x0  }
0xf7: {  	[sflag:s21] =	ssyncadd.s32 $0xFFFFC000  }
0xf8: {  	[tilespmem:s26], [sflag:$0x2] =	stream.indirect.gather [hbm4b:s0+s23], $0x80, s14, s23, $0xb8;
	[tilespmem:$0x1C000] =	vst v63  }
0xf9: {  	_ = 	snop  }
0xfa: {  	[tilespmem:s29], [sflag:$0x2] =	stream.indirect.gather [hbm4b:s0+s23], $0x80, s15, s23, $0xb8;
	[tilespmem:$0x1C000] =	vst v63  }
0xfb: {  	_ =	swait.ge [sflag:s30], $0x4000  }
0xfc: {  	[sflag:s30] =	ssyncset.done $0x0  }
0xfd: {  	[sflag:s30] =	ssyncadd.s32 $0xFFFFC000  }
0xfe: {  	[spmem:s3] =	stream.indirect.scatter.add.f32 [tilespmem:s20], [sflag:$0x3], $0x80, s16, s25, $0xb8;
	[tilespmem:$0x1C000] =	vst v63  }
0xff: {  	_ =	swait.ge [sflag:s21], $0x4000  }
0x100: {  	[sflag:s21] =	ssyncset.done $0x0  }
0x101: {  	[sflag:s21] =	ssyncadd.s32 $0xFFFFC000  }
0x102: {  	_ =	swait.ge [sflag:s12], $0x4000  }
0x103: {  	[sflag:s12] =	ssyncset.done $0x0  }
0x104: {  	[sflag:s12] =	ssyncadd.s32 $0xFFFFC000  }
0x105: {  	[spmem:s3] =	stream.indirect.scatter.add.f32 [tilespmem:s26], [sflag:$0x3], $0x80, s17, s25, $0xb8;
	[tilespmem:$0x1C000] =	vst v63  }
0x106: {  	_ =	swait.ge [sflag:s21], $0x4000  }
0x107: {  	s7 =	simm.s32 $0x80;
	s6 =	simm.s32 $0x40;
	[sflag:s21] =	ssyncset.done $0x0  }
.LBB2_6:
0x108: {  	s9 =	sadd.s32 s6, s18  }
0x109: {  	[sflag:s21] =	ssyncadd.s32 $0xFFFFC000;
	s10 =	smov.u32 s7;
	s8 =	sadd.s32 $0x40, s7  }
0x10a: {  	[tilespmem:s4], [sflag:$0x3] =	stream.linear.gather [hbm4b:s9+s4], $0x200, $0x38;
	[tilespmem:$0x1C000] =	vst v63  }
0x10b: {  	p1 =	sne.s32 s7, $0x900;
	_ =	swait.ge [sflag:s21], $0x200  }
0x10c: {  	[sflag:s21] =	ssyncset.done $0x0  }
0x10d: {  	s7 =	sadd.s32 s6, s19;
	s6 =	smov.u32 s10;
	[sflag:s21] =	ssyncadd.s32 $0xFFFFFE00  }
0x10e: {  	[tilespmem:s22], [sflag:$0x3] =	stream.linear.gather [hbm4b:s7+s4], $0x200, $0x38;
	[tilespmem:$0x1C000] =	vst v63  }
0x10f: {  	_ =	swait.ge [sflag:s21], $0x200  }
0x110: {  	[sflag:s21] =	ssyncset.done $0x0  }
0x111: {  	[sflag:s21] =	ssyncadd.s32 $0xFFFFFE00  }
0x112: {  	[tilespmem:s20], [sflag:$0x1] =	stream.indirect.gather [hbm4b:s0+s23], $0x80, s4, s23, $0xb8;
	[tilespmem:$0x1C000] =	vst v63  }
0x113: {  	_ = 	snop  }
0x114: {  	[tilespmem:s24], [sflag:$0x1] =	stream.indirect.gather [hbm4b:s0+s23], $0x80, s23, s23, $0xb8;
	[tilespmem:$0x1C000] =	vst v63  }
0x115: {  	_ = 	snop  }
0x116: {  	[tilespmem:s26], [sflag:$0x2] =	stream.indirect.gather [hbm4b:s0+s23], $0x80, s25, s23, $0xb8;
	[tilespmem:$0x1C000] =	vst v63  }
0x117: {  	_ = 	snop  }
0x118: {  	[tilespmem:s29], [sflag:$0x2] =	stream.indirect.gather [hbm4b:s0+s23], $0x80, s28, s23, $0xb8;
	[tilespmem:$0x1C000] =	vst v63  }
0x119: {  	_ =	swait.ge [sflag:s30], $0x4000  }
0x11a: {  	[sflag:s30] =	ssyncset.done $0x0  }
0x11b: {  	[sflag:s30] =	ssyncadd.s32 $0xFFFFC000  }
0x11c: {  	[spmem:s3] =	stream.indirect.scatter.add.f32 [tilespmem:s20], [sflag:$0x3], $0x80, s22, s25, $0xb8;
	[tilespmem:$0x1C000] =	vst v63  }
0x11d: {  	_ =	swait.ge [sflag:s21], $0x4000  }
0x11e: {  	[sflag:s21] =	ssyncset.done $0x0  }
0x11f: {  	[sflag:s21] =	ssyncadd.s32 $0xFFFFC000  }
0x120: {  	[tilespmem:s20], [sflag:$0x1] =	stream.indirect.gather [hbm4b:s0+s23], $0x80, s31, s23, $0xb8;
	[tilespmem:$0x1C000] =	vst v63  }
0x121: {  	_ = 	snop  }
0x122: {  	[tilespmem:s24], [sflag:$0x1] =	stream.indirect.gather [hbm4b:s0+s23], $0x80, s1, s23, $0xb8;
	[tilespmem:$0x1C000] =	vst v63  }
0x123: {  	_ =	swait.ge [sflag:s12], $0x4000  }
0x124: {  	[sflag:s12] =	ssyncset.done $0x0  }
0x125: {  	[sflag:s12] =	ssyncadd.s32 $0xFFFFC000  }
0x126: {  	[spmem:s3] =	stream.indirect.scatter.add.f32 [tilespmem:s26], [sflag:$0x3], $0x80, s13, s25, $0xb8;
	[tilespmem:$0x1C000] =	vst v63  }
0x127: {  	_ =	swait.ge [sflag:s21], $0x4000  }
0x128: {  	[sflag:s21] =	ssyncset.done $0x0  }
0x129: {  	[sflag:s21] =	ssyncadd.s32 $0xFFFFC000  }
0x12a: {  	[tilespmem:s26], [sflag:$0x2] =	stream.indirect.gather [hbm4b:s0+s23], $0x80, s14, s23, $0xb8;
	[tilespmem:$0x1C000] =	vst v63  }
0x12b: {  	_ = 	snop  }
0x12c: {  	[tilespmem:s29], [sflag:$0x2] =	stream.indirect.gather [hbm4b:s0+s23], $0x80, s15, s23, $0xb8;
	[tilespmem:$0x1C000] =	vst v63  }
0x12d: {  	_ =	swait.ge [sflag:s30], $0x4000  }
0x12e: {  	[sflag:s30] =	ssyncset.done $0x0  }
0x12f: {  	[sflag:s30] =	ssyncadd.s32 $0xFFFFC000  }
0x130: {  	[spmem:s3] =	stream.indirect.scatter.add.f32 [tilespmem:s20], [sflag:$0x3], $0x80, s16, s25, $0xb8;
	[tilespmem:$0x1C000] =	vst v63  }
0x131: {  	_ =	swait.ge [sflag:s21], $0x4000  }
0x132: {  	[sflag:s21] =	ssyncset.done $0x0  }
0x133: {  	[sflag:s21] =	ssyncadd.s32 $0xFFFFC000  }
0x134: {  	_ =	swait.ge [sflag:s12], $0x4000  }
.Ltmp4:
0x135: {  	[sflag:s12] =	ssyncset.done $0x0;
	(pc) =	sbr.rel @p1 .LBB2_6-.Ltmp4, $4  }
0x136: {  	[sflag:s12] =	ssyncadd.s32 $0xFFFFC000  }
0x137: {  	[spmem:s3] =	stream.indirect.scatter.add.f32 [tilespmem:s26], [sflag:$0x3], $0x80, s17, s25, $0xb8;
	[tilespmem:$0x1C000] =	vst v63  }
0x138: {  	_ =	swait.ge [sflag:s21], $0x4000  }
0x139: {  	s7 =	smov.u32 s8;
	[sflag:s21] =	ssyncset.done $0x0  }
0x13a: {  	s7 =	sadd.s32 s6, s18;
	[sflag:s21] =	ssyncadd.s32 $0xFFFFC000  }
0x13b: {  	[tilespmem:s4], [sflag:$0x3] =	stream.linear.gather [hbm4b:s7+s4], $0x200, $0x38;
	[tilespmem:$0x1C000] =	vst v63  }
0x13c: {  	_ =	swait.ge [sflag:s21], $0x200  }
0x13d: {  	[sflag:s21] =	ssyncset.done $0x0  }
0x13e: {  	s10 =	sadd.s32 s6, s19;
	[sflag:s21] =	ssyncadd.s32 $0xFFFFFE00  }
0x13f: {  	[tilespmem:s22], [sflag:$0x3] =	stream.linear.gather [hbm4b:s10+s4], $0x200, $0x38;
	[tilespmem:$0x1C000] =	vst v63  }
0x140: {  	_ =	swait.ge [sflag:s21], $0x200  }
0x141: {  	[sflag:s21] =	ssyncset.done $0x0  }
0x142: {  	[sflag:s21] =	ssyncadd.s32 $0xFFFFFE00  }
0x143: {  	[tilespmem:s20], [sflag:$0x1] =	stream.indirect.gather [hbm4b:s0+s23], $0x80, s4, s23, $0xb8;
	[tilespmem:$0x1C000] =	vst v63  }
0x144: {  	_ = 	snop  }
0x145: {  	[tilespmem:s24], [sflag:$0x1] =	stream.indirect.gather [hbm4b:s0+s23], $0x80, s23, s23, $0xb8;
	[tilespmem:$0x1C000] =	vst v63  }
0x146: {  	_ = 	snop  }
0x147: {  	[tilespmem:s26], [sflag:$0x2] =	stream.indirect.gather [hbm4b:s0+s23], $0x80, s25, s23, $0xb8;
	[tilespmem:$0x1C000] =	vst v63  }
0x148: {  	_ = 	snop  }
0x149: {  	[tilespmem:s29], [sflag:$0x2] =	stream.indirect.gather [hbm4b:s0+s23], $0x80, s28, s23, $0xb8;
	[tilespmem:$0x1C000] =	vst v63  }
0x14a: {  	_ =	swait.ge [sflag:s30], $0x4000  }
0x14b: {  	[sflag:s30] =	ssyncset.done $0x0  }
0x14c: {  	[sflag:s30] =	ssyncadd.s32 $0xFFFFC000  }
0x14d: {  	[spmem:s3] =	stream.indirect.scatter.add.f32 [tilespmem:s20], [sflag:$0x3], $0x80, s22, s25, $0xb8;
	[tilespmem:$0x1C000] =	vst v63  }
0x14e: {  	_ =	swait.ge [sflag:s21], $0x4000  }
0x14f: {  	[sflag:s21] =	ssyncset.done $0x0  }
0x150: {  	[sflag:s21] =	ssyncadd.s32 $0xFFFFC000  }
0x151: {  	[tilespmem:s20], [sflag:$0x1] =	stream.indirect.gather [hbm4b:s0+s23], $0x80, s31, s23, $0xb8;
	[tilespmem:$0x1C000] =	vst v63  }
0x152: {  	_ = 	snop  }
0x153: {  	[tilespmem:s24], [sflag:$0x1] =	stream.indirect.gather [hbm4b:s0+s23], $0x80, s1, s23, $0xb8;
	[tilespmem:$0x1C000] =	vst v63  }
0x154: {  	_ =	swait.ge [sflag:s12], $0x4000  }
0x155: {  	[sflag:s12] =	ssyncset.done $0x0  }
0x156: {  	[sflag:s12] =	ssyncadd.s32 $0xFFFFC000  }
0x157: {  	[spmem:s3] =	stream.indirect.scatter.add.f32 [tilespmem:s26], [sflag:$0x3], $0x80, s13, s25, $0xb8;
	[tilespmem:$0x1C000] =	vst v63  }
0x158: {  	_ =	swait.ge [sflag:s21], $0x4000  }
0x159: {  	[sflag:s21] =	ssyncset.done $0x0  }
0x15a: {  	[sflag:s21] =	ssyncadd.s32 $0xFFFFC000  }
0x15b: {  	[tilespmem:s26], [sflag:$0x2] =	stream.indirect.gather [hbm4b:s0+s23], $0x80, s14, s23, $0xb8;
	[tilespmem:$0x1C000] =	vst v63  }
0x15c: {  	_ = 	snop  }
0x15d: {  	[tilespmem:s29], [sflag:$0x2] =	stream.indirect.gather [hbm4b:s0+s23], $0x80, s15, s23, $0xb8;
	[tilespmem:$0x1C000] =	vst v63  }
0x15e: {  	_ =	swait.ge [sflag:s30], $0x4000  }
0x15f: {  	[sflag:s30] =	ssyncset.done $0x0  }
0x160: {  	[sflag:s30] =	ssyncadd.s32 $0xFFFFC000  }
0x161: {  	[spmem:s3] =	stream.indirect.scatter.add.f32 [tilespmem:s20], [sflag:$0x3], $0x80, s16, s25, $0xb8;
	[tilespmem:$0x1C000] =	vst v63  }
0x162: {  	_ =	swait.ge [sflag:s21], $0x4000  }
0x163: {  	[sflag:s21] =	ssyncset.done $0x0  }
0x164: {  	[sflag:s21] =	ssyncadd.s32 $0xFFFFC000  }
0x165: {  	_ =	swait.ge [sflag:s12], $0x4000  }
0x166: {  	[sflag:s12] =	ssyncset.done $0x0  }
.Ltmp5:
0x167: {  	[sflag:s12] =	ssyncadd.s32 $0xFFFFC000;
	(pc) =	sbr.rel .LBB2_8-.Ltmp5, $4  }
0x168: {  	[spmem:s3] =	stream.indirect.scatter.add.f32 [tilespmem:s26], [sflag:$0x3], $0x80, s17, s25, $0xb8;
	[tilespmem:$0x1C000] =	vst v63  }
0x169: {  	_ =	swait.ge [sflag:s21], $0x4000  }
0x16a: {  	[sflag:s21] =	ssyncset.done $0x0  }
0x16b: {  	s10 =	stileid.u32;
	[sflag:s21] =	ssyncadd.s32 $0xFFFFC000  }
.LBB2_9:
0x16c: {  	_ =	sfence.sel $0x180000  }
0x16d: {  	[bflag:$0x0] =	sbarrier.arrive $0xFFFF  }
0x16e: {  	_ =	strace $0x90000047  }
0x16f: {  	[bflag:$0x2] =	sbarrier.arrive $0xFFFF  }
0x170: {  	p0 =	sne.s32 s10, $0x0;
	s0 =	rddreg [dreg:$0x4]  }
0x171: {  	s0 =	sadd.s32 @!p0 $0x100000, s0  }
0x172: {  	[sflag:s0] =	ssyncadd.tile.s32 @!p0 $0x1;
	_ =	shalt  }
.Lfunc_end2:
_tile_overlayer_lowered:
.L_overlay_start_2:
0x173: {  	(tag) =	ssettag $0x2  }
0x174: {  	s0 =	rddreg [dreg:$0x0];
	s2 =	stileid.u32  }
0x175: {  	s1 =	rddreg [dreg:$0x1];
	p0 =	sne.s32 s2, $0x0  }
0x176: {  	s3 =	rddreg [dreg:$0x2];
	[bflag:$0x3] =	sbarrier.arrive $0xFFFF;
	s2 =	simm.s32 @!p0 $0x1C03  }
0x177: {  	[timem:s3], [sflag:s2] =	dma.local @!p0 [hbm:s0], s1  }
0x178: {  	s0 =	simm.s32 @!p0 $0x3  }
0x179: {  	_ =	swait.ge @!p0 [sflag:s0], s1  }
0x17a: {  	s1 =	ssub.s32 @!p0 $0x0, s1;
	[sflag:s0] =	ssyncset.done @!p0 $0x0  }
0x17b: {  	[sflag:s0] =	ssyncadd.s32 @!p0 s1  }
0x17c: {  	[bflag:$0x3] =	sbarrier.arrive $0xFFFF  }
0x17d: {  	_ =	shalt  }

// kernel: kernel.13.cloned.1.call-start
scs
__scs_entry_jumppad:
0x0: {  	(pc) =	sbr.rel $0x88, $3  }
0x1: {  	(tag) =	ssettag $0x0;
	lr =	simm.s32 $0x1  }
0x2: {  	[smem:$0x3F93] =	sst lr;
	_ =	strace $0xD0000000  }
0x3: {  	_ = 	snop  }
0x4: {  	_ = 	snop  }
0x5: {  	_ = 	snop  }
0x6: {  	_ = 	snop  }
0x7: {  	_ = 	snop  }
__scs_overlays_trampoline_lowered:
0x8: {  	[smem:$0x3FA2] =	sst s0  }
0x9: {  	[smem:$0x3FA3] =	sst s1  }
0xa: {  	[smem:$0x3FA4] =	sst s2  }
0xb: {  	[smem:$0x3FA5] =	sst s3  }
0xc: {  	[smem:$0x3FA6] =	sst s4  }
0xd: {  	[smem:$0x3FA7] =	sst s5  }
0xe: {  	[smem:$0x3FA8] =	sst s6  }
0xf: {  	[smem:$0x3FA9] =	sst s7  }
0x10: {  	[smem:$0x3FAA] =	sst s8  }
0x11: {  	[smem:$0x3FAB] =	sst s9;
	s0 =	simm.s32 @!p0 $0x0  }
0x12: {  	s1 =	sld [smem:$0x3F91];
	s0 =	simm.s32 @p0 $0x1  }
0x13: {  	[smem:$0x3FAC] =	sst s0;
	s0 =	simm.s32 @!p1 $0x0  }
0x14: {  	s2 =	sld [smem:$0x3F90];
	s0 =	simm.s32 @p1 $0x1  }
0x15: {  	[smem:$0x3FAD] =	sst s0;
	s0 =	simm.s32 @!p2 $0x0  }
0x16: {  	s3 =	sld [smem:$0x3FDB];
	s0 =	simm.s32 @p2 $0x1  }
0x17: {  	s4 =	simm.s32 $0x1BF5;
	[smem:$0x3FAF] =	sst s0  }
0x18: {  	s0 =	sld [smem:$0x3F92];
	_ =	swait.ge [sflag:s4], $0x0  }
0x19: {  	s7 =	sld [smem:$0x3F93]  }
0x1a: {  	s8 =	sadd.s32 $0xFFFFE003, lr  }
0x1b: {  	s9 =	sadd.s32 $0xFFFFFEF7, lr;
	s5 =	simm.s32 $0xFFFFFFFF;
	p2 =	slt.u32 s8, $0xFFFFF086  }
0x1c: {  	p1 =	slt.u32 s9, $0xF7A;
	s5 =	simm.s32 @!p2 $0x0  }
0x1d: {  	s5 =	simm.s32 @p1 $0x1;
	p0 =	seq.s32 s7, s2  }
0x1e: {  	s7 =	smul.u32 @!p0 $0xF7A, s2;
	p2 =	seq.s32 @!p0 s5, $0x0  }
0x1f: {  	s9 =	smul.u32 $0xF7A, s1;
	s8 =	simm.s32 @!p0 $0x1BF5;
	p2 =	por !p2, p0  }
0x20: {  	[sflag:s8] =	ssyncset.s32 @!p0 $0xFFFFF086;
	s6 =	sadd.s32 @!p0 s3, s7;
	s7 =	simm.s32 @!p0 $0x108  }
0x21: {  	s3 =	sadd.s32 s3, s9;
	s6 =	sadd.s32 @!p0 $0x88, s6;
	s7 =	simm.s32 @p2 $0x1082  }
0x22: {  	[simem:s7], [sflag:s8] =	dma.local @!p0 [hbm:s6], $0xF7A  }
0x23: {  	s9 =	sor.u32 $0xD0000000, s2;
	s6 =	simm.s32 $0x108;
	_ =	swait.ge @!p0 [sflag:s8], $0x0  }
0x24: {  	s3 =	sadd.s32 $0x88, s3;
	s6 =	simm.s32 @!p1 $0x1082;
	[sflag:s4] =	ssyncset.s32 $0xFFFFF086  }
0x25: {  	[simem:s6], [sflag:s4] =	dma.local [hbm:s3], $0xF7A  }
0x26: {  	[smem:$0x3F93] =	sst s1;
	(tag) =	ssettag s2;
	_ =	strace s9  }
0x27: {  	s1 =	sld [smem:$0x3FA3]  }
0x28: {  	s2 =	sld [smem:$0x3FA4]  }
0x29: {  	s4 =	sld [smem:$0x3FA6]  }
0x2a: {  	p0 =	seq.s32 s5, $0x0;
	s5 =	sld [smem:$0x3FA7]  }
0x2b: {  	s6 =	sld [smem:$0x3FA8]  }
0x2c: {  	s7 =	sld [smem:$0x3FA9]  }
0x2d: {  	s3 =	simm.s32 $0x108;
	s8 =	sld [smem:$0x3FAA]  }
0x2e: {  	s3 =	simm.s32 @!p0 $0x1082;
	s9 =	sld [smem:$0x3FAB]  }
0x2f: {  	lr =	sadd.s32 s0, s3;
	s0 =	sld [smem:$0x3FA2]  }
0x30: {  	s3 =	sld [smem:$0x3FA5]  }
0x31: {  	[smem:$0x3FAE] =	sst s10  }
0x32: {  	s10 =	sld [smem:$0x3FAC];
	_ =	sdelay $0x3  }
0x33: {  	p0 =	seq.s32 s10, $0x1;
	s10 =	sld [smem:$0x3FAE];
	_ =	sdelay $0x3  }
0x34: {  	[smem:$0x3FAE] =	sst s10  }
0x35: {  	s10 =	sld [smem:$0x3FAD];
	_ =	sdelay $0x3  }
0x36: {  	p1 =	seq.s32 s10, $0x1;
	s10 =	sld [smem:$0x3FAE];
	_ =	sdelay $0x3  }
0x37: {  	[smem:$0x3FAE] =	sst s10  }
0x38: {  	s10 =	sld [smem:$0x3FAF]  }
0x39: {  	_ = 	snop;
	(pc) =	sbr.ind lr, $3  }
0x3a: {  	_ = 	snop  }
0x3b: {  	_ = 	snop  }
0x3c: {  	p2 =	seq.s32 s10, $0x1;
	s10 =	sld [smem:$0x3FAE]  }
0x3d: {  	_ =	shalt  }
0x3e: {  	_ =	shalt  }
0x3f: {  	_ =	shalt  }
0x40: {  	_ =	shalt  }
0x41: {  	_ =	shalt  }
0x42: {  	_ =	shalt  }
0x43: {  	_ =	shalt  }
0x44: {  	_ =	shalt  }
0x45: {  	_ =	shalt  }
0x46: {  	_ =	shalt  }
0x47: {  	_ =	shalt  }
0x48: {  	_ =	shalt  }
0x49: {  	_ =	shalt  }
0x4a: {  	_ =	shalt  }
0x4b: {  	_ =	shalt  }
0x4c: {  	_ =	shalt  }
0x4d: {  	_ =	shalt  }
0x4e: {  	_ =	shalt  }
0x4f: {  	_ =	shalt  }
0x50: {  	_ =	shalt  }
0x51: {  	_ =	shalt  }
0x52: {  	_ =	shalt  }
0x53: {  	_ =	shalt  }
0x54: {  	_ =	shalt  }
0x55: {  	_ =	shalt  }
0x56: {  	_ =	shalt  }
0x57: {  	_ =	shalt  }
0x58: {  	_ =	shalt  }
0x59: {  	_ =	shalt  }
0x5a: {  	_ =	shalt  }
0x5b: {  	_ =	shalt  }
0x5c: {  	_ =	shalt  }
0x5d: {  	_ =	shalt  }
0x5e: {  	_ =	shalt  }
0x5f: {  	_ =	shalt  }
0x60: {  	_ =	shalt  }
0x61: {  	_ =	shalt  }
0x62: {  	_ =	shalt  }
0x63: {  	_ =	shalt  }
0x64: {  	_ =	shalt  }
0x65: {  	_ =	shalt  }
0x66: {  	_ =	shalt  }
0x67: {  	_ =	shalt  }
0x68: {  	_ =	shalt  }
0x69: {  	_ =	shalt  }
0x6a: {  	_ =	shalt  }
0x6b: {  	_ =	shalt  }
0x6c: {  	_ =	shalt  }
0x6d: {  	_ =	shalt  }
0x6e: {  	_ =	shalt  }
0x6f: {  	_ =	shalt  }
0x70: {  	_ =	shalt  }
0x71: {  	_ =	shalt  }
0x72: {  	_ =	shalt  }
0x73: {  	_ =	shalt  }
0x74: {  	_ =	shalt  }
0x75: {  	_ =	shalt  }
0x76: {  	_ =	shalt  }
0x77: {  	_ =	shalt  }
0x78: {  	_ =	shalt  }
0x79: {  	_ =	shalt  }
0x7a: {  	_ =	shalt  }
0x7b: {  	_ =	shalt  }
0x7c: {  	_ =	shalt  }
0x7d: {  	_ =	shalt  }
0x7e: {  	_ =	shalt  }
0x7f: {  	_ =	shalt  }
0x80: {  	_ =	shalt  }
0x81: {  	_ =	shalt  }
0x82: {  	_ =	shalt  }
0x83: {  	_ =	shalt  }
0x84: {  	_ =	shalt  }
0x85: {  	_ =	shalt  }
0x86: {  	_ =	shalt  }
0x87: {  	_ =	shalt  }
.Lfunc_end0:
.L_simem_size_0:
called_computation.2_lowered:
.L_overlay_start_0:
0x88: {  	s2 =	sld [smem:$0x3FD9]  }
0x89: {  	s3 =	sld [smem:$0x3FFE];
	_ =	sdelay $0x1  }
0x8a: {  	s1 =	srdreg.scid  }
0x8b: {  	s0 =	sand.u32 $0x1, s1  }
0x8c: {  	s17 =	sshll.u32 s0, $0xA;
	s2 =	sadd.s32 s3, s2  }
0x8d: {  	s2 =	sadd.s32 s2, s17  }
0x8e: {  	[smem:$0x3FBA] =	sst s2  }
0x8f: {  	_ = 	snop  }
0x90: {  	s2 =	sld [smem:$0x3FD0];
	(tm) =	ssettm $0x1  }
0x91: {  	s18 =	sld [smem:$0x3FFB];
	_ =	sdelay $0x3  }
0x92: {  	_ =	strace s18  }
0x93: {  	s3 =	sld [smem:$0x3FFC];
	_ =	sdelay $0x3  }
0x94: {  	_ =	strace s3  }
0x95: {  	s3 =	sld [smem:$0x3FFD];
	_ =	sdelay $0x3  }
0x96: {  	_ =	strace s3  }
0x97: {  	_ =	strace $0x8FFFFFFF  }
0x98: {  	s19 =	sld [smem:$0x3FDB];
	_ =	sdelay $0x1  }
0x99: {  	s4 =	simm.s32 $_scs_section_size  }
0x9a: {  	s5 =	simm.s32 $_size__tile_overlayer_lowered;
	s6 =	simm.s32 $_tile_overlayer_lowered  }
0x9b: {  	s22 =	simm.s32 $0x1BFF;
	s21 =	sshll.u32 s6, $0x1;
	s3 =	sadd.s32 s4, s19  }
0x9c: {  	s7 =	simm.s32 $0x0;
	s20 =	sshll.u32 s5, $0x1;
	s5 =	sadd.s32 s21, s3  }
0x9d: {  	[timem:s7], [sflag:s22] =	dma.local [hbm:s5], s20  }
0x9e: {  	_ =	swait.ge [sflag:s22], s20  }
0x9f: {  	s4 =	ssub.s32 $0x0, s20;
	[sflag:s22] =	ssyncset.done $0x0  }
0xa0: {  	[sflag:s22] =	ssyncadd.s32 s4;
	_ =	sdelay $0x1  }
0xa1: {  	s23 =	simm.s32 $0x1B8B  }
0xa2: {  	_ =	swait.ge [sflag:s23], $0x1  }
0xa3: {  	[sflag:s23] =	ssyncset.done $0x0  }
0xa4: {  	s25 =	simm.s32 $0x1B8E;
	s24 =	sld [smem:$0x3FFE];
	[sflag:s23] =	ssyncadd.s32 $0xFFFFFFFF  }
0xa5: {  	s26 =	simm.s32 $execute0_lowered;
	[smem:$0x3FD2] =	sst s25  }
0xa6: {  	s5 =	sshll.u32 s26, $0x1;
	_ =	strace $0x8000004C;
	[dreg:$0x1] =	wrdreg $0xFFFFFFFF  }
0xa7: {  	s28 =	simm.s32 $_size_execute0_lowered;
	s3 =	sadd.s32 s3, s5;
	[dreg:$0x0] =	wrdreg $0x0  }
0xa8: {  	s5 =	sshll.u32 s28, $0x1;
	[dreg:$0x2] =	wrdreg s3  }
0xa9: {  	[dreg:$0x3] =	wrdreg s5  }
0xaa: {  	[dreg:$0x4] =	wrdreg $0xC0  }
0xab: {  	_ =	task [dreg:s7], $0x5FFFF  }
0xac: {  	[dreg:$0x1] =	wrdreg $0xFFFFFFFF  }
0xad: {  	[dreg:$0x0] =	wrdreg $0x60  }
0xae: {  	[dreg:$0x2] =	wrdreg s24  }
0xaf: {  	[dreg:$0x3] =	wrdreg s2  }
0xb0: {  	[dreg:$0x4] =	wrdreg $0x84000  }
0xb1: {  	[dreg:$0x5] =	wrdreg $0x9  }
0xb2: {  	_ =	task.clear_ibuf [dreg:s7], $0x6FFFF;
	_ =	strace $0x9000004C  }
0xb3: {  	s29 =	simm.s32 $0x9;
	_ =	strace $0x8000004E  }
0xb4: {  	_ =	swait.ge [sflag:s29], $0x1  }
0xb5: {  	[sflag:s29] =	ssyncadd.s32 $0xFFFFFFFF  }
0xb6: {  	_ =	strace $0x9000004E  }
0xb7: {  	_ =	sfence  }
0xb8: {  	s30 =	sld [smem:$0x0];
	_ =	sdelay $0x2  }
0xb9: {  	s31 =	sshll.u32 s1, $0xD;
	s1 =	sshrl.u32 s1, $0x2  }
0xba: {  	s3 =	sand.u32 $0x4000, s31;
	s1 =	sadd.s32 s1, s30  }
0xbb: {  	s0 =	sor.u32 s3, s0;
	s1 =	sshll.u32 s1, $0x11  }
0xbc: {  	s0 =	sor.u32 s1, s0  }
0xbd: {  	s0 =	sadd.s32 $0x8F2B, s0  }
0xbe: {  	[sflag:s0] =	ssyncadd.remote.s32 $0x1  }
0xbf: {  	_ =	sfence.sel $0xFFFF  }
0xc0: {  	[dreg:$0x0] =	wrdreg $0xFFFFFFFF;
	(pc) =	sbr.abs _section_cstart, $3  }
0xc1: {  	[dreg:$0x1] =	wrdreg $0xFFFFFFFF  }
0xc2: {  	_ =	task.clear_ibuf [dreg:s7], $0x2FFFF;
	_ =	strace $0x9FFFFFFF  }
0xc3: {  	(tm) =	ssettm $0x7FFFFFFF  }
tec
execute0_lowered:
.L_overlay_start_1:
0x0: {  	(tag) =	ssettag $0x1  }
0x1: {  	s0 =	rddreg [dreg:$0x0]  }
0x2: {  	s2 =	rddreg [dreg:$0x1]  }
0x3: {  	s1 =	rddreg [dreg:$0x2]  }
0x4: {  	s3 =	srdreg.scid;
	s10 =	stileid.u32  }
0x5: {  	s28 =	simm.s32 $0xC0;
	s29 =	simm.s32 $0x6400;
	s7 =	smul.u32 $0x13C00, s10  }
0x6: {  	s30 =	simm.s32 $0x1;
	s31 =	simm.s32 $0x100;
	s12 =	smul.u32 $0x4F000, s10  }
0x7: {  	s6 =	sand.u32 $0x1, s3;
	s3 =	simm.s32 $0x0;
	s14 =	smul.u32 $0x600, s10  }
0x8: {  	s4 =	sadd.s32 $0xCE00, s0;
	s8 =	sadd.s32 $0x2E00, s0;
	s20 =	smul.u32 $0x940, s10  }
0x9: {  	s5 =	smul.u32 $0x13C000, s6;
	[smem:$0x7FF] =	sst s3;
	s9 =	ssub.s32 $0x2, s6  }
0xa: {  	p0 =	seq.s32 s6, $0x1;
	_ =	strace $0x8000004D;
	s13 =	sshrl.u32 s9, $0x1  }
0xb: {  	s19 =	sshrl.u32 s14, $0x3;
	s14 =	simm.s32 $0x180;
	s5 =	sadd.s32 s7, s5  }
0xc: {  	s7 =	sshrl.u32 s12, $0x2;
	s11 =	ssub.s32 s9, s13;
	s21 =	sadd.s32 $0x9400, s19  }
0xd: {  	s12 =	sadd.s32 $0x9440, s19;
	s24 =	sadd.s32 $0x9480, s19;
	s19 =	sadd.s32 s20, s2  }
0xe: {  	s13 =	simm.s32 $0x280;
	s5 =	sshrl.u32 s5, $0x3;
	s22 =	sadd.s32 s8, s21  }
0xf: {  	s11 =	smax.u32 s11, $0x1;
	s23 =	sadd.s32 s8, s12;
	[dreg:$0x9] =	wrdreg s22  }
0x10: {  	s25 =	sadd.s32 s2, s12;
	s26 =	sadd.s32 s8, s24;
	[dreg:$0xb] =	wrdreg s23  }
0x11: {  	s0 =	sadd.s32 s5, s0;
	s5 =	sadd.s32 s7, s1;
	[dreg:$0xc] =	wrdreg s25  }
0x12: {  	s12 =	simm.s32 $0x2;
	[dreg:$0xd] =	wrdreg s26;
	s15 =	sadd.s32 $0x4000, s5  }
0x13: {  	s22 =	simm.s32 $0x200;
	s16 =	sadd.s32 $0x8000, s5;
	[dreg:$0x4] =	wrdreg s15  }
0x14: {  	s23 =	simm.s32 $0x40;
	s17 =	sadd.s32 $0xC000, s5;
	[dreg:$0x5] =	wrdreg s16  }
0x15: {  	s25 =	simm.s32 $0x80;
	s18 =	sadd.s32 $0x10000, s5;
	[dreg:$0x6] =	wrdreg s17  }
0x16: {  	s26 =	simm.s32 $0x4400;
	s0 =	sadd.s32 $0xAAE00, s0;
	[dreg:$0x7] =	wrdreg s18  }
.Ltmp0:
0x17: {  	[dreg:$0x8] =	wrdreg s0;
	s0 =	sadd.s32 s2, s21;
	(pc) =	sbr.rel .LBB2_1-.Ltmp0, $4  }
0x18: {  	s18 =	sadd.s32 s20, s8;
	s20 =	simm.s32 $0x400;
	s21 =	simm.s32 $0x3  }
0x19: {  	s15 =	simm.s32 $0x1C0;
	s16 =	simm.s32 $0x300;
	s17 =	simm.s32 $0x380  }
0x1a: {  	[dreg:$0xa] =	wrdreg s0;
	s0 =	sadd.s32 s2, s24;
	s24 =	simm.s32 $0x2400  }
0x1b: {  	v0 =	vimm.f32 $0.0e+00;
	s2 =	simm.s32 $0x0;
	[dreg:$0xe] =	wrdreg s0;
	s0 =	simm.s32 $0x140  }
.LBB2_4:
0x1c: {  	s6 =	rddreg [dreg:$0x9]  }
0x1d: {  	[tilespmem:s3], [sflag:$0x3] =	stream.linear.gather [hbm4b:s6+s3], $0x200, $0x38;
	[tilespmem:$0x1C000] =	vst v63  }
0x1e: {  	_ =	swait.ge [sflag:s21], $0x200  }
0x1f: {  	[sflag:s21] =	ssyncset.done $0x0  }
0x20: {  	s8 =	rddreg [dreg:$0xa];
	[sflag:s21] =	ssyncadd.s32 $0xFFFFFE00  }
0x21: {  	[tilespmem:s22], [sflag:$0x3] =	stream.linear.gather [hbm4b:s8+s3], $0x200, $0x38;
	[tilespmem:$0x1C000] =	vst v63  }
0x22: {  	_ =	swait.ge [sflag:s21], $0x200  }
0x23: {  	[sflag:s21] =	ssyncset.done $0x0  }
0x24: {  	[sflag:s21] =	ssyncadd.s32 $0xFFFFFE00  }
0x25: {  	[tilespmem:s20], [sflag:$0x1] =	stream.indirect.gather [hbm4b:s4+s23], $0x80, s3, s23, $0xb8;
	[tilespmem:$0x1C000] =	vst v63  }
0x26: {  	_ = 	snop  }
0x27: {  	[tilespmem:s24], [sflag:$0x1] =	stream.indirect.gather [hbm4b:s4+s23], $0x80, s23, s23, $0xb8;
	[tilespmem:$0x1C000] =	vst v63  }
0x28: {  	_ = 	snop  }
0x29: {  	[tilespmem:s26], [sflag:$0x2] =	stream.indirect.gather [hbm4b:s4+s23], $0x80, s25, s23, $0xb8;
	[tilespmem:$0x1C000] =	vst v63  }
0x2a: {  	_ = 	snop  }
0x2b: {  	[tilespmem:s29], [sflag:$0x2] =	stream.indirect.gather [hbm4b:s4+s23], $0x80, s28, s23, $0xb8;
	[tilespmem:$0x1C000] =	vst v63  }
0x2c: {  	_ =	swait.ge [sflag:s30], $0x4000  }
0x2d: {  	[sflag:s30] =	ssyncset.done $0x0  }
0x2e: {  	[sflag:s30] =	ssyncadd.s32 $0xFFFFC000  }
0x2f: {  	[spmem:s1] =	stream.indirect.scatter.add.f32 [tilespmem:s20], [sflag:$0x3], $0x80, s22, s25, $0xb8;
	[tilespmem:$0x1C000] =	vst v63  }
0x30: {  	_ =	swait.ge [sflag:s21], $0x4000  }
0x31: {  	[sflag:s21] =	ssyncset.done $0x0  }
0x32: {  	[sflag:s21] =	ssyncadd.s32 $0xFFFFC000  }
0x33: {  	[tilespmem:s20], [sflag:$0x1] =	stream.indirect.gather [hbm4b:s4+s23], $0x80, s31, s23, $0xb8;
	[tilespmem:$0x1C000] =	vst v63  }
0x34: {  	_ = 	snop  }
0x35: {  	[tilespmem:s24], [sflag:$0x1] =	stream.indirect.gather [hbm4b:s4+s23], $0x80, s0, s23, $0xb8;
	[tilespmem:$0x1C000] =	vst v63  }
0x36: {  	_ =	swait.ge [sflag:s12], $0x4000  }
0x37: {  	[sflag:s12] =	ssyncset.done $0x0  }
0x38: {  	[sflag:s12] =	ssyncadd.s32 $0xFFFFC000  }
0x39: {  	[spmem:s1] =	stream.indirect.scatter.add.f32 [tilespmem:s26], [sflag:$0x3], $0x80, s13, s25, $0xb8;
	[tilespmem:$0x1C000] =	vst v63  }
0x3a: {  	_ =	swait.ge [sflag:s21], $0x4000  }
0x3b: {  	[sflag:s21] =	ssyncset.done $0x0  }
0x3c: {  	[sflag:s21] =	ssyncadd.s32 $0xFFFFC000  }
0x3d: {  	[tilespmem:s26], [sflag:$0x2] =	stream.indirect.gather [hbm4b:s4+s23], $0x80, s14, s23, $0xb8;
	[tilespmem:$0x1C000] =	vst v63  }
0x3e: {  	_ = 	snop  }
0x3f: {  	[tilespmem:s29], [sflag:$0x2] =	stream.indirect.gather [hbm4b:s4+s23], $0x80, s15, s23, $0xb8;
	[tilespmem:$0x1C000] =	vst v63  }
0x40: {  	_ =	swait.ge [sflag:s30], $0x4000  }
0x41: {  	[sflag:s30] =	ssyncset.done $0x0  }
0x42: {  	[sflag:s30] =	ssyncadd.s32 $0xFFFFC000  }
0x43: {  	[spmem:s1] =	stream.indirect.scatter.add.f32 [tilespmem:s20], [sflag:$0x3], $0x80, s16, s25, $0xb8;
	[tilespmem:$0x1C000] =	vst v63  }
0x44: {  	_ =	swait.ge [sflag:s21], $0x4000  }
0x45: {  	[sflag:s21] =	ssyncset.done $0x0  }
0x46: {  	[sflag:s21] =	ssyncadd.s32 $0xFFFFC000  }
0x47: {  	_ =	swait.ge [sflag:s12], $0x4000  }
0x48: {  	[sflag:s12] =	ssyncset.done $0x0  }
0x49: {  	[sflag:s12] =	ssyncadd.s32 $0xFFFFC000  }
0x4a: {  	[spmem:s1] =	stream.indirect.scatter.add.f32 [tilespmem:s26], [sflag:$0x3], $0x80, s17, s25, $0xb8;
	[tilespmem:$0x1C000] =	vst v63  }
0x4b: {  	_ =	swait.ge [sflag:s21], $0x4000  }
0x4c: {  	[sflag:s21] =	ssyncset.done $0x0  }
0x4d: {  	s9 =	rddreg [dreg:$0xb];
	[sflag:s21] =	ssyncadd.s32 $0xFFFFC000  }
0x4e: {  	[tilespmem:s3], [sflag:$0x3] =	stream.linear.gather [hbm4b:s9+s3], $0x200, $0x38;
	[tilespmem:$0x1C000] =	vst v63  }
0x4f: {  	_ =	swait.ge [sflag:s21], $0x200  }
0x50: {  	[sflag:s21] =	ssyncset.done $0x0  }
0x51: {  	s7 =	rddreg [dreg:$0xc];
	[sflag:s21] =	ssyncadd.s32 $0xFFFFFE00  }
0x52: {  	[tilespmem:s22], [sflag:$0x3] =	stream.linear.gather [hbm4b:s7+s3], $0x200, $0x38;
	[tilespmem:$0x1C000] =	vst v63  }
0x53: {  	_ =	swait.ge [sflag:s21], $0x200  }
0x54: {  	[sflag:s21] =	ssyncset.done $0x0  }
0x55: {  	[sflag:s21] =	ssyncadd.s32 $0xFFFFFE00  }
0x56: {  	[tilespmem:s20], [sflag:$0x1] =	stream.indirect.gather [hbm4b:s4+s23], $0x80, s3, s23, $0xb8;
	[tilespmem:$0x1C000] =	vst v63  }
0x57: {  	_ = 	snop  }
0x58: {  	[tilespmem:s24], [sflag:$0x1] =	stream.indirect.gather [hbm4b:s4+s23], $0x80, s23, s23, $0xb8;
	[tilespmem:$0x1C000] =	vst v63  }
0x59: {  	_ = 	snop  }
0x5a: {  	[tilespmem:s26], [sflag:$0x2] =	stream.indirect.gather [hbm4b:s4+s23], $0x80, s25, s23, $0xb8;
	[tilespmem:$0x1C000] =	vst v63  }
0x5b: {  	_ = 	snop  }
0x5c: {  	[tilespmem:s29], [sflag:$0x2] =	stream.indirect.gather [hbm4b:s4+s23], $0x80, s28, s23, $0xb8;
	[tilespmem:$0x1C000] =	vst v63  }
0x5d: {  	_ =	swait.ge [sflag:s30], $0x4000  }
0x5e: {  	[sflag:s30] =	ssyncset.done $0x0  }
0x5f: {  	[sflag:s30] =	ssyncadd.s32 $0xFFFFC000  }
0x60: {  	[spmem:s1] =	stream.indirect.scatter.add.f32 [tilespmem:s20], [sflag:$0x3], $0x80, s22, s25, $0xb8;
	[tilespmem:$0x1C000] =	vst v63  }
0x61: {  	_ =	swait.ge [sflag:s21], $0x4000  }
0x62: {  	[sflag:s21] =	ssyncset.done $0x0  }
0x63: {  	[sflag:s21] =	ssyncadd.s32 $0xFFFFC000  }
0x64: {  	[tilespmem:s20], [sflag:$0x1] =	stream.indirect.gather [hbm4b:s4+s23], $0x80, s31, s23, $0xb8;
	[tilespmem:$0x1C000] =	vst v63  }
0x65: {  	_ = 	snop  }
0x66: {  	[tilespmem:s24], [sflag:$0x1] =	stream.indirect.gather [hbm4b:s4+s23], $0x80, s0, s23, $0xb8;
	[tilespmem:$0x1C000] =	vst v63  }
0x67: {  	_ =	swait.ge [sflag:s12], $0x4000  }
0x68: {  	[sflag:s12] =	ssyncset.done $0x0  }
0x69: {  	[sflag:s12] =	ssyncadd.s32 $0xFFFFC000  }
0x6a: {  	[spmem:s1] =	stream.indirect.scatter.add.f32 [tilespmem:s26], [sflag:$0x3], $0x80, s13, s25, $0xb8;
	[tilespmem:$0x1C000] =	vst v63  }
0x6b: {  	_ =	swait.ge [sflag:s21], $0x4000  }
0x6c: {  	[sflag:s21] =	ssyncset.done $0x0  }
0x6d: {  	[sflag:s21] =	ssyncadd.s32 $0xFFFFC000  }
0x6e: {  	[tilespmem:s26], [sflag:$0x2] =	stream.indirect.gather [hbm4b:s4+s23], $0x80, s14, s23, $0xb8;
	[tilespmem:$0x1C000] =	vst v63  }
0x6f: {  	_ = 	snop  }
0x70: {  	[tilespmem:s29], [sflag:$0x2] =	stream.indirect.gather [hbm4b:s4+s23], $0x80, s15, s23, $0xb8;
	[tilespmem:$0x1C000] =	vst v63  }
0x71: {  	_ =	swait.ge [sflag:s30], $0x4000  }
0x72: {  	[sflag:s30] =	ssyncset.done $0x0  }
0x73: {  	[sflag:s30] =	ssyncadd.s32 $0xFFFFC000  }
0x74: {  	[spmem:s1] =	stream.indirect.scatter.add.f32 [tilespmem:s20], [sflag:$0x3], $0x80, s16, s25, $0xb8;
	[tilespmem:$0x1C000] =	vst v63  }
0x75: {  	_ =	swait.ge [sflag:s21], $0x4000  }
0x76: {  	[sflag:s21] =	ssyncset.done $0x0  }
0x77: {  	[sflag:s21] =	ssyncadd.s32 $0xFFFFC000  }
0x78: {  	_ =	swait.ge [sflag:s12], $0x4000  }
0x79: {  	[sflag:s12] =	ssyncset.done $0x0  }
0x7a: {  	[sflag:s12] =	ssyncadd.s32 $0xFFFFC000  }
0x7b: {  	[spmem:s1] =	stream.indirect.scatter.add.f32 [tilespmem:s26], [sflag:$0x3], $0x80, s17, s25, $0xb8;
	[tilespmem:$0x1C000] =	vst v63  }
0x7c: {  	_ =	swait.ge [sflag:s21], $0x4000  }
0x7d: {  	[sflag:s21] =	ssyncset.done $0x0  }
0x7e: {  	s8 =	rddreg [dreg:$0xd];
	[sflag:s21] =	ssyncadd.s32 $0xFFFFC000  }
0x7f: {  	[tilespmem:s3], [sflag:$0x3] =	stream.linear.gather [hbm4b:s8+s3], $0x200, $0x38;
	[tilespmem:$0x1C000] =	vst v63  }
0x80: {  	_ =	swait.ge [sflag:s21], $0x200  }
0x81: {  	[sflag:s21] =	ssyncset.done $0x0  }
0x82: {  	s9 =	rddreg [dreg:$0xe];
	[sflag:s21] =	ssyncadd.s32 $0xFFFFFE00  }
0x83: {  	[tilespmem:s22], [sflag:$0x3] =	stream.linear.gather [hbm4b:s9+s3], $0x200, $0x38;
	[tilespmem:$0x1C000] =	vst v63  }
0x84: {  	_ =	swait.ge [sflag:s21], $0x200  }
0x85: {  	[sflag:s21] =	ssyncset.done $0x0  }
0x86: {  	[sflag:s21] =	ssyncadd.s32 $0xFFFFFE00  }
0x87: {  	[tilespmem:s20], [sflag:$0x1] =	stream.indirect.gather [hbm4b:s4+s23], $0x80, s3, s23, $0xb8;
	[tilespmem:$0x1C000] =	vst v63  }
0x88: {  	_ = 	snop  }
0x89: {  	[tilespmem:s24], [sflag:$0x1] =	stream.indirect.gather [hbm4b:s4+s23], $0x80, s23, s23, $0xb8;
	[tilespmem:$0x1C000] =	vst v63  }
0x8a: {  	_ = 	snop  }
0x8b: {  	[tilespmem:s26], [sflag:$0x2] =	stream.indirect.gather [hbm4b:s4+s23], $0x80, s25, s23, $0xb8;
	[tilespmem:$0x1C000] =	vst v63  }
0x8c: {  	_ = 	snop  }
0x8d: {  	[tilespmem:s29], [sflag:$0x2] =	stream.indirect.gather [hbm4b:s4+s23], $0x80, s28, s23, $0xb8;
	[tilespmem:$0x1C000] =	vst v63  }
0x8e: {  	_ =	swait.ge [sflag:s30], $0x4000  }
0x8f: {  	[sflag:s30] =	ssyncset.done $0x0  }
0x90: {  	[sflag:s30] =	ssyncadd.s32 $0xFFFFC000  }
0x91: {  	[spmem:s1] =	stream.indirect.scatter.add.f32 [tilespmem:s20], [sflag:$0x3], $0x80, s22, s25, $0xb8;
	[tilespmem:$0x1C000] =	vst v63  }
0x92: {  	_ =	swait.ge [sflag:s21], $0x4000  }
0x93: {  	[sflag:s21] =	ssyncset.done $0x0  }
0x94: {  	[sflag:s21] =	ssyncadd.s32 $0xFFFFC000  }
0x95: {  	[tilespmem:s20], [sflag:$0x1] =	stream.indirect.gather [hbm4b:s4+s23], $0x80, s31, s23, $0xb8;
	[tilespmem:$0x1C000] =	vst v63  }
0x96: {  	_ = 	snop  }
0x97: {  	[tilespmem:s24], [sflag:$0x1] =	stream.indirect.gather [hbm4b:s4+s23], $0x80, s0, s23, $0xb8;
	[tilespmem:$0x1C000] =	vst v63  }
0x98: {  	_ =	swait.ge [sflag:s12], $0x4000  }
0x99: {  	[sflag:s12] =	ssyncset.done $0x0  }
0x9a: {  	[sflag:s12] =	ssyncadd.s32 $0xFFFFC000  }
0x9b: {  	[spmem:s1] =	stream.indirect.scatter.add.f32 [tilespmem:s26], [sflag:$0x3], $0x80, s13, s25, $0xb8;
	[tilespmem:$0x1C000] =	vst v63  }
0x9c: {  	_ =	swait.ge [sflag:s21], $0x4000  }
0x9d: {  	[sflag:s21] =	ssyncset.done $0x0  }
0x9e: {  	[sflag:s21] =	ssyncadd.s32 $0xFFFFC000  }
0x9f: {  	[tilespmem:s26], [sflag:$0x2] =	stream.indirect.gather [hbm4b:s4+s23], $0x80, s14, s23, $0xb8;
	[tilespmem:$0x1C000] =	vst v63  }
0xa0: {  	_ = 	snop  }
0xa1: {  	[tilespmem:s29], [sflag:$0x2] =	stream.indirect.gather [hbm4b:s4+s23], $0x80, s15, s23, $0xb8;
	[tilespmem:$0x1C000] =	vst v63  }
0xa2: {  	_ =	swait.ge [sflag:s30], $0x4000  }
0xa3: {  	[sflag:s30] =	ssyncset.done $0x0  }
0xa4: {  	[sflag:s30] =	ssyncadd.s32 $0xFFFFC000  }
0xa5: {  	[spmem:s1] =	stream.indirect.scatter.add.f32 [tilespmem:s20], [sflag:$0x3], $0x80, s16, s25, $0xb8;
	[tilespmem:$0x1C000] =	vst v63  }
0xa6: {  	_ =	swait.ge [sflag:s21], $0x4000  }
0xa7: {  	[sflag:s21] =	ssyncset.done $0x0  }
0xa8: {  	[sflag:s21] =	ssyncadd.s32 $0xFFFFC000  }
0xa9: {  	_ =	swait.ge [sflag:s12], $0x4000  }
0xaa: {  	[sflag:s12] =	ssyncset.done $0x0  }
0xab: {  	[sflag:s12] =	ssyncadd.s32 $0xFFFFC000  }
0xac: {  	[spmem:s1] =	stream.indirect.scatter.add.f32 [tilespmem:s26], [sflag:$0x3], $0x80, s17, s25, $0xb8;
	[tilespmem:$0x1C000] =	vst v63  }
0xad: {  	_ =	swait.ge [sflag:s21], $0x4000  }
0xae: {  	[sflag:s21] =	ssyncset.done $0x0  }
0xaf: {  	[sflag:s21] =	ssyncadd.s32 $0xFFFFC000  }
.LBB2_8:
0xb0: {  	s6 =	sshll.u32 s10, $0x6;
	s2 =	sadd.s32 $0x1, s2  }
0xb1: {  	[bflag:$0x0] =	sbarrier.arrive $0xFFFF;
	s7 =	sshrl.u32 s5, $0x3;
	p1 =	sne.s32 s2, s11  }
.Ltmp1:
0xb2: {  	s6 =	sor.u32 $0x1C03, s6;
	s8 =	rddreg [dreg:$0x8];
	(pc) =	sbr.rel @!p1 .LBB2_9-.Ltmp1, $4  }
0xb3: {  	[hbm:s8], [sflag:s6] =	dma.local [spmem:s7], $0x2780  }
0xb4: {  	_ =	swait.ge [sflag:s21], $0x2780  }
0xb5: {  	[sflag:s21] =	ssyncset.done $0x0  }
0xb6: {  	[sflag:s21] =	ssyncadd.s32 $0xFFFFD880  }
.LBB2_1:
0xb7: {  	s6 =	sand.u32 $0xFE00, s3  }
0xb8: {  	s7 =	sand.u32 $0x70, s3;
	s8 =	sshrl.u32 s6, $0x2  }
0xb9: {  	s6 =	simm.s32 $0x40;
	s8 =	sor.u32 s7, s8;
	s7 =	simm.s32 $0x0  }
.LBB2_2:
0xba: {  	p1 =	sne.s32 s6, $0xFFC0  }
0xbb: {  	[tilespmem:s8+$0x400] =	vst v0;
	s7 =	sadd.s32 $0x10, s7;
	s8 =	smov.u32 s6;
	s6 =	sadd.s32 $0x40, s6  }
.Ltmp2:
0xbc: {  	(pc) =	sbr.rel @p1 .LBB2_2-.Ltmp2, $4  }
0xbd: {  	_ = 	snop  }
0xbe: {  	s8 =	sand.u32 $0xFE00, s8  }
0xbf: {  	s9 =	sand.u32 $0x70, s7;
	s8 =	sshrl.u32 s8, $0x2  }
0xc0: {  	s8 =	sor.u32 s9, s8  }
0xc1: {  	[tilespmem:s8+$0x400] =	vst v0  }
0xc2: {  	[spmem:s5] =	stream.linear.scatter [tilespmem:s20], [sflag:$0x3], $0x4000, $0x38;
	[tilespmem:$0x1C000] =	vst v63  }
0xc3: {  	_ =	swait.ge [sflag:s21], $0x4000  }
0xc4: {  	[sflag:s21] =	ssyncset.done $0x0  }
0xc5: {  	s6 =	rddreg [dreg:$0x4];
	[sflag:s21] =	ssyncadd.s32 $0xFFFFC000  }
0xc6: {  	[spmem:s6] =	stream.linear.scatter [tilespmem:s20], [sflag:$0x3], $0x4000, $0x38;
	[tilespmem:$0x1C000] =	vst v63  }
0xc7: {  	_ =	swait.ge [sflag:s21], $0x4000  }
0xc8: {  	[sflag:s21] =	ssyncset.done $0x0  }
0xc9: {  	s7 =	rddreg [dreg:$0x5];
	[sflag:s21] =	ssyncadd.s32 $0xFFFFC000  }
0xca: {  	[spmem:s7] =	stream.linear.scatter [tilespmem:s20], [sflag:$0x3], $0x4000, $0x38;
	[tilespmem:$0x1C000] =	vst v63  }
0xcb: {  	_ =	swait.ge [sflag:s21], $0x4000  }
0xcc: {  	[sflag:s21] =	ssyncset.done $0x0  }
0xcd: {  	s8 =	rddreg [dreg:$0x6];
	[sflag:s21] =	ssyncadd.s32 $0xFFFFC000  }
0xce: {  	[spmem:s8] =	stream.linear.scatter [tilespmem:s20], [sflag:$0x3], $0x4000, $0x38;
	[tilespmem:$0x1C000] =	vst v63  }
0xcf: {  	_ =	swait.ge [sflag:s21], $0x4000  }
0xd0: {  	[sflag:s21] =	ssyncset.done $0x0  }
0xd1: {  	s9 =	rddreg [dreg:$0x7];
	[sflag:s21] =	ssyncadd.s32 $0xFFFFC000  }
0xd2: {  	[spmem:s9] =	stream.linear.scatter [tilespmem:s20], [sflag:$0x3], $0x3C00, $0x38;
	[tilespmem:$0x1C000] =	vst v63  }
.Ltmp3:
0xd3: {  	_ =	swait.ge [sflag:s21], $0x3C00;
	(pc) =	sbr.rel @p0 .LBB2_4-.Ltmp3, $3  }
0xd4: {  	[sflag:s21] =	ssyncset.done $0x0  }
0xd5: {  	[sflag:s21] =	ssyncadd.s32 $0xFFFFC400  }
0xd6: {  	[bflag:$0x0] =	sbarrier.arrive $0xFFFF;
	_ =	sdelay $0x1  }
0xd7: {  	s6 =	sadd.s32 $0x0, s18  }
0xd8: {  	[tilespmem:s3], [sflag:$0x3] =	stream.linear.gather [hbm4b:s6+s3], $0x200, $0x38;
	[tilespmem:$0x1C000] =	vst v63  }
0xd9: {  	_ =	swait.ge [sflag:s21], $0x200  }
0xda: {  	[sflag:s21] =	ssyncset.done $0x0  }
0xdb: {  	s10 =	sadd.s32 $0x0, s19;
	[sflag:s21] =	ssyncadd.s32 $0xFFFFFE00  }
0xdc: {  	[tilespmem:s22], [sflag:$0x3] =	stream.linear.gather [hbm4b:s10+s3], $0x200, $0x38;
	[tilespmem:$0x1C000] =	vst v63  }
0xdd: {  	_ =	swait.ge [sflag:s21], $0x200  }
0xde: {  	[sflag:s21] =	ssyncset.done $0x0  }
0xdf: {  	[sflag:s21] =	ssyncadd.s32 $0xFFFFFE00  }
0xe0: {  	[tilespmem:s20], [sflag:$0x1] =	stream.indirect.gather [hbm4b:s4+s23], $0x80, s3, s23, $0xb8;
	[tilespmem:$0x1C000] =	vst v63  }
0xe1: {  	_ = 	snop  }
0xe2: {  	[tilespmem:s24], [sflag:$0x1] =	stream.indirect.gather [hbm4b:s4+s23], $0x80, s23, s23, $0xb8;
	[tilespmem:$0x1C000] =	vst v63  }
0xe3: {  	_ = 	snop  }
0xe4: {  	[tilespmem:s26], [sflag:$0x2] =	stream.indirect.gather [hbm4b:s4+s23], $0x80, s25, s23, $0xb8;
	[tilespmem:$0x1C000] =	vst v63  }
0xe5: {  	_ = 	snop  }
0xe6: {  	[tilespmem:s29], [sflag:$0x2] =	stream.indirect.gather [hbm4b:s4+s23], $0x80, s28, s23, $0xb8;
	[tilespmem:$0x1C000] =	vst v63  }
0xe7: {  	_ =	swait.ge [sflag:s30], $0x4000  }
0xe8: {  	[sflag:s30] =	ssyncset.done $0x0  }
0xe9: {  	[sflag:s30] =	ssyncadd.s32 $0xFFFFC000  }
0xea: {  	[spmem:s1] =	stream.indirect.scatter.add.f32 [tilespmem:s20], [sflag:$0x3], $0x80, s22, s25, $0xb8;
	[tilespmem:$0x1C000] =	vst v63  }
0xeb: {  	_ =	swait.ge [sflag:s21], $0x4000  }
0xec: {  	[sflag:s21] =	ssyncset.done $0x0  }
0xed: {  	[sflag:s21] =	ssyncadd.s32 $0xFFFFC000  }
0xee: {  	[tilespmem:s20], [sflag:$0x1] =	stream.indirect.gather [hbm4b:s4+s23], $0x80, s31, s23, $0xb8;
	[tilespmem:$0x1C000] =	vst v63  }
0xef: {  	_ = 	snop  }
0xf0: {  	[tilespmem:s24], [sflag:$0x1] =	stream.indirect.gather [hbm4b:s4+s23], $0x80, s0, s23, $0xb8;
	[tilespmem:$0x1C000] =	vst v63  }
0xf1: {  	_ =	swait.ge [sflag:s12], $0x4000  }
0xf2: {  	[sflag:s12] =	ssyncset.done $0x0  }
0xf3: {  	[sflag:s12] =	ssyncadd.s32 $0xFFFFC000  }
0xf4: {  	[spmem:s1] =	stream.indirect.scatter.add.f32 [tilespmem:s26], [sflag:$0x3], $0x80, s13, s25, $0xb8;
	[tilespmem:$0x1C000] =	vst v63  }
0xf5: {  	_ =	swait.ge [sflag:s21], $0x4000  }
0xf6: {  	[sflag:s21] =	ssyncset.done $0x0  }
0xf7: {  	[sflag:s21] =	ssyncadd.s32 $0xFFFFC000  }
0xf8: {  	[tilespmem:s26], [sflag:$0x2] =	stream.indirect.gather [hbm4b:s4+s23], $0x80, s14, s23, $0xb8;
	[tilespmem:$0x1C000] =	vst v63  }
0xf9: {  	_ = 	snop  }
0xfa: {  	[tilespmem:s29], [sflag:$0x2] =	stream.indirect.gather [hbm4b:s4+s23], $0x80, s15, s23, $0xb8;
	[tilespmem:$0x1C000] =	vst v63  }
0xfb: {  	_ =	swait.ge [sflag:s30], $0x4000  }
0xfc: {  	[sflag:s30] =	ssyncset.done $0x0  }
0xfd: {  	[sflag:s30] =	ssyncadd.s32 $0xFFFFC000  }
0xfe: {  	[spmem:s1] =	stream.indirect.scatter.add.f32 [tilespmem:s20], [sflag:$0x3], $0x80, s16, s25, $0xb8;
	[tilespmem:$0x1C000] =	vst v63  }
0xff: {  	_ =	swait.ge [sflag:s21], $0x4000  }
0x100: {  	[sflag:s21] =	ssyncset.done $0x0  }
0x101: {  	[sflag:s21] =	ssyncadd.s32 $0xFFFFC000  }
0x102: {  	_ =	swait.ge [sflag:s12], $0x4000  }
0x103: {  	[sflag:s12] =	ssyncset.done $0x0  }
0x104: {  	[sflag:s12] =	ssyncadd.s32 $0xFFFFC000  }
0x105: {  	[spmem:s1] =	stream.indirect.scatter.add.f32 [tilespmem:s26], [sflag:$0x3], $0x80, s17, s25, $0xb8;
	[tilespmem:$0x1C000] =	vst v63  }
0x106: {  	_ =	swait.ge [sflag:s21], $0x4000  }
0x107: {  	s7 =	simm.s32 $0x80;
	s6 =	simm.s32 $0x40;
	[sflag:s21] =	ssyncset.done $0x0  }
.LBB2_6:
0x108: {  	s9 =	sadd.s32 s6, s18  }
0x109: {  	[sflag:s21] =	ssyncadd.s32 $0xFFFFC000;
	s10 =	smov.u32 s7;
	s8 =	sadd.s32 $0x40, s7  }
0x10a: {  	[tilespmem:s3], [sflag:$0x3] =	stream.linear.gather [hbm4b:s9+s3], $0x200, $0x38;
	[tilespmem:$0x1C000] =	vst v63  }
0x10b: {  	p1 =	sne.s32 s7, $0x900;
	_ =	swait.ge [sflag:s21], $0x200  }
0x10c: {  	[sflag:s21] =	ssyncset.done $0x0  }
0x10d: {  	s7 =	sadd.s32 s6, s19;
	s6 =	smov.u32 s10;
	[sflag:s21] =	ssyncadd.s32 $0xFFFFFE00  }
0x10e: {  	[tilespmem:s22], [sflag:$0x3] =	stream.linear.gather [hbm4b:s7+s3], $0x200, $0x38;
	[tilespmem:$0x1C000] =	vst v63  }
0x10f: {  	_ =	swait.ge [sflag:s21], $0x200  }
0x110: {  	[sflag:s21] =	ssyncset.done $0x0  }
0x111: {  	[sflag:s21] =	ssyncadd.s32 $0xFFFFFE00  }
0x112: {  	[tilespmem:s20], [sflag:$0x1] =	stream.indirect.gather [hbm4b:s4+s23], $0x80, s3, s23, $0xb8;
	[tilespmem:$0x1C000] =	vst v63  }
0x113: {  	_ = 	snop  }
0x114: {  	[tilespmem:s24], [sflag:$0x1] =	stream.indirect.gather [hbm4b:s4+s23], $0x80, s23, s23, $0xb8;
	[tilespmem:$0x1C000] =	vst v63  }
0x115: {  	_ = 	snop  }
0x116: {  	[tilespmem:s26], [sflag:$0x2] =	stream.indirect.gather [hbm4b:s4+s23], $0x80, s25, s23, $0xb8;
	[tilespmem:$0x1C000] =	vst v63  }
0x117: {  	_ = 	snop  }
0x118: {  	[tilespmem:s29], [sflag:$0x2] =	stream.indirect.gather [hbm4b:s4+s23], $0x80, s28, s23, $0xb8;
	[tilespmem:$0x1C000] =	vst v63  }
0x119: {  	_ =	swait.ge [sflag:s30], $0x4000  }
0x11a: {  	[sflag:s30] =	ssyncset.done $0x0  }
0x11b: {  	[sflag:s30] =	ssyncadd.s32 $0xFFFFC000  }
0x11c: {  	[spmem:s1] =	stream.indirect.scatter.add.f32 [tilespmem:s20], [sflag:$0x3], $0x80, s22, s25, $0xb8;
	[tilespmem:$0x1C000] =	vst v63  }
0x11d: {  	_ =	swait.ge [sflag:s21], $0x4000  }
0x11e: {  	[sflag:s21] =	ssyncset.done $0x0  }
0x11f: {  	[sflag:s21] =	ssyncadd.s32 $0xFFFFC000  }
0x120: {  	[tilespmem:s20], [sflag:$0x1] =	stream.indirect.gather [hbm4b:s4+s23], $0x80, s31, s23, $0xb8;
	[tilespmem:$0x1C000] =	vst v63  }
0x121: {  	_ = 	snop  }
0x122: {  	[tilespmem:s24], [sflag:$0x1] =	stream.indirect.gather [hbm4b:s4+s23], $0x80, s0, s23, $0xb8;
	[tilespmem:$0x1C000] =	vst v63  }
0x123: {  	_ =	swait.ge [sflag:s12], $0x4000  }
0x124: {  	[sflag:s12] =	ssyncset.done $0x0  }
0x125: {  	[sflag:s12] =	ssyncadd.s32 $0xFFFFC000  }
0x126: {  	[spmem:s1] =	stream.indirect.scatter.add.f32 [tilespmem:s26], [sflag:$0x3], $0x80, s13, s25, $0xb8;
	[tilespmem:$0x1C000] =	vst v63  }
0x127: {  	_ =	swait.ge [sflag:s21], $0x4000  }
0x128: {  	[sflag:s21] =	ssyncset.done $0x0  }
0x129: {  	[sflag:s21] =	ssyncadd.s32 $0xFFFFC000  }
0x12a: {  	[tilespmem:s26], [sflag:$0x2] =	stream.indirect.gather [hbm4b:s4+s23], $0x80, s14, s23, $0xb8;
	[tilespmem:$0x1C000] =	vst v63  }
0x12b: {  	_ = 	snop  }
0x12c: {  	[tilespmem:s29], [sflag:$0x2] =	stream.indirect.gather [hbm4b:s4+s23], $0x80, s15, s23, $0xb8;
	[tilespmem:$0x1C000] =	vst v63  }
0x12d: {  	_ =	swait.ge [sflag:s30], $0x4000  }
0x12e: {  	[sflag:s30] =	ssyncset.done $0x0  }
0x12f: {  	[sflag:s30] =	ssyncadd.s32 $0xFFFFC000  }
0x130: {  	[spmem:s1] =	stream.indirect.scatter.add.f32 [tilespmem:s20], [sflag:$0x3], $0x80, s16, s25, $0xb8;
	[tilespmem:$0x1C000] =	vst v63  }
0x131: {  	_ =	swait.ge [sflag:s21], $0x4000  }
0x132: {  	[sflag:s21] =	ssyncset.done $0x0  }
0x133: {  	[sflag:s21] =	ssyncadd.s32 $0xFFFFC000  }
0x134: {  	_ =	swait.ge [sflag:s12], $0x4000  }
.Ltmp4:
0x135: {  	[sflag:s12] =	ssyncset.done $0x0;
	(pc) =	sbr.rel @p1 .LBB2_6-.Ltmp4, $4  }
0x136: {  	[sflag:s12] =	ssyncadd.s32 $0xFFFFC000  }
0x137: {  	[spmem:s1] =	stream.indirect.scatter.add.f32 [tilespmem:s26], [sflag:$0x3], $0x80, s17, s25, $0xb8;
	[tilespmem:$0x1C000] =	vst v63  }
0x138: {  	_ =	swait.ge [sflag:s21], $0x4000  }
0x139: {  	s7 =	smov.u32 s8;
	[sflag:s21] =	ssyncset.done $0x0  }
0x13a: {  	s7 =	sadd.s32 s6, s18;
	[sflag:s21] =	ssyncadd.s32 $0xFFFFC000  }
0x13b: {  	[tilespmem:s3], [sflag:$0x3] =	stream.linear.gather [hbm4b:s7+s3], $0x200, $0x38;
	[tilespmem:$0x1C000] =	vst v63  }
0x13c: {  	_ =	swait.ge [sflag:s21], $0x200  }
0x13d: {  	[sflag:s21] =	ssyncset.done $0x0  }
0x13e: {  	s10 =	sadd.s32 s6, s19;
	[sflag:s21] =	ssyncadd.s32 $0xFFFFFE00  }
0x13f: {  	[tilespmem:s22], [sflag:$0x3] =	stream.linear.gather [hbm4b:s10+s3], $0x200, $0x38;
	[tilespmem:$0x1C000] =	vst v63  }
0x140: {  	_ =	swait.ge [sflag:s21], $0x200  }
0x141: {  	[sflag:s21] =	ssyncset.done $0x0  }
0x142: {  	[sflag:s21] =	ssyncadd.s32 $0xFFFFFE00  }
0x143: {  	[tilespmem:s20], [sflag:$0x1] =	stream.indirect.gather [hbm4b:s4+s23], $0x80, s3, s23, $0xb8;
	[tilespmem:$0x1C000] =	vst v63  }
0x144: {  	_ = 	snop  }
0x145: {  	[tilespmem:s24], [sflag:$0x1] =	stream.indirect.gather [hbm4b:s4+s23], $0x80, s23, s23, $0xb8;
	[tilespmem:$0x1C000] =	vst v63  }
0x146: {  	_ = 	snop  }
0x147: {  	[tilespmem:s26], [sflag:$0x2] =	stream.indirect.gather [hbm4b:s4+s23], $0x80, s25, s23, $0xb8;
	[tilespmem:$0x1C000] =	vst v63  }
0x148: {  	_ = 	snop  }
0x149: {  	[tilespmem:s29], [sflag:$0x2] =	stream.indirect.gather [hbm4b:s4+s23], $0x80, s28, s23, $0xb8;
	[tilespmem:$0x1C000] =	vst v63  }
0x14a: {  	_ =	swait.ge [sflag:s30], $0x4000  }
0x14b: {  	[sflag:s30] =	ssyncset.done $0x0  }
0x14c: {  	[sflag:s30] =	ssyncadd.s32 $0xFFFFC000  }
0x14d: {  	[spmem:s1] =	stream.indirect.scatter.add.f32 [tilespmem:s20], [sflag:$0x3], $0x80, s22, s25, $0xb8;
	[tilespmem:$0x1C000] =	vst v63  }
0x14e: {  	_ =	swait.ge [sflag:s21], $0x4000  }
0x14f: {  	[sflag:s21] =	ssyncset.done $0x0  }
0x150: {  	[sflag:s21] =	ssyncadd.s32 $0xFFFFC000  }
0x151: {  	[tilespmem:s20], [sflag:$0x1] =	stream.indirect.gather [hbm4b:s4+s23], $0x80, s31, s23, $0xb8;
	[tilespmem:$0x1C000] =	vst v63  }
0x152: {  	_ = 	snop  }
0x153: {  	[tilespmem:s24], [sflag:$0x1] =	stream.indirect.gather [hbm4b:s4+s23], $0x80, s0, s23, $0xb8;
	[tilespmem:$0x1C000] =	vst v63  }
0x154: {  	_ =	swait.ge [sflag:s12], $0x4000  }
0x155: {  	[sflag:s12] =	ssyncset.done $0x0  }
0x156: {  	[sflag:s12] =	ssyncadd.s32 $0xFFFFC000  }
0x157: {  	[spmem:s1] =	stream.indirect.scatter.add.f32 [tilespmem:s26], [sflag:$0x3], $0x80, s13, s25, $0xb8;
	[tilespmem:$0x1C000] =	vst v63  }
0x158: {  	_ =	swait.ge [sflag:s21], $0x4000  }
0x159: {  	[sflag:s21] =	ssyncset.done $0x0  }
0x15a: {  	[sflag:s21] =	ssyncadd.s32 $0xFFFFC000  }
0x15b: {  	[tilespmem:s26], [sflag:$0x2] =	stream.indirect.gather [hbm4b:s4+s23], $0x80, s14, s23, $0xb8;
	[tilespmem:$0x1C000] =	vst v63  }
0x15c: {  	_ = 	snop  }
0x15d: {  	[tilespmem:s29], [sflag:$0x2] =	stream.indirect.gather [hbm4b:s4+s23], $0x80, s15, s23, $0xb8;
	[tilespmem:$0x1C000] =	vst v63  }
0x15e: {  	_ =	swait.ge [sflag:s30], $0x4000  }
0x15f: {  	[sflag:s30] =	ssyncset.done $0x0  }
0x160: {  	[sflag:s30] =	ssyncadd.s32 $0xFFFFC000  }
0x161: {  	[spmem:s1] =	stream.indirect.scatter.add.f32 [tilespmem:s20], [sflag:$0x3], $0x80, s16, s25, $0xb8;
	[tilespmem:$0x1C000] =	vst v63  }
0x162: {  	_ =	swait.ge [sflag:s21], $0x4000  }
0x163: {  	[sflag:s21] =	ssyncset.done $0x0  }
0x164: {  	[sflag:s21] =	ssyncadd.s32 $0xFFFFC000  }
0x165: {  	_ =	swait.ge [sflag:s12], $0x4000  }
0x166: {  	[sflag:s12] =	ssyncset.done $0x0  }
.Ltmp5:
0x167: {  	[sflag:s12] =	ssyncadd.s32 $0xFFFFC000;
	(pc) =	sbr.rel .LBB2_8-.Ltmp5, $4  }
0x168: {  	[spmem:s1] =	stream.indirect.scatter.add.f32 [tilespmem:s26], [sflag:$0x3], $0x80, s17, s25, $0xb8;
	[tilespmem:$0x1C000] =	vst v63  }
0x169: {  	_ =	swait.ge [sflag:s21], $0x4000  }
0x16a: {  	[sflag:s21] =	ssyncset.done $0x0  }
0x16b: {  	s10 =	stileid.u32;
	[sflag:s21] =	ssyncadd.s32 $0xFFFFC000  }
.LBB2_9:
0x16c: {  	_ =	sfence.sel $0x180000  }
0x16d: {  	[bflag:$0x0] =	sbarrier.arrive $0xFFFF  }
0x16e: {  	_ =	strace $0x9000004D  }
0x16f: {  	[bflag:$0x2] =	sbarrier.arrive $0xFFFF  }
0x170: {  	p0 =	sne.s32 s10, $0x0;
	s0 =	rddreg [dreg:$0x3]  }
0x171: {  	s0 =	sadd.s32 @!p0 $0x100000, s0  }
0x172: {  	[sflag:s0] =	ssyncadd.tile.s32 @!p0 $0x1;
	_ =	shalt  }
.Lfunc_end2:
_tile_overlayer_lowered:
.L_overlay_start_2:
0x173: {  	(tag) =	ssettag $0x2  }
0x174: {  	s0 =	rddreg [dreg:$0x0];
	s2 =	stileid.u32  }
0x175: {  	s1 =	rddreg [dreg:$0x1];
	p0 =	sne.s32 s2, $0x0  }
0x176: {  	s3 =	rddreg [dreg:$0x2];
	[bflag:$0x3] =	sbarrier.arrive $0xFFFF;
	s2 =	simm.s32 @!p0 $0x1C03  }
0x177: {  	[timem:s3], [sflag:s2] =	dma.local @!p0 [hbm:s0], s1  }
0x178: {  	s0 =	simm.s32 @!p0 $0x3  }
0x179: {  	_ =	swait.ge @!p0 [sflag:s0], s1  }
0x17a: {  	s1 =	ssub.s32 @!p0 $0x0, s1;
	[sflag:s0] =	ssyncset.done @!p0 $0x0  }
0x17b: {  	[sflag:s0] =	ssyncadd.s32 @!p0 s1  }
0x17c: {  	[bflag:$0x3] =	sbarrier.arrive $0xFFFF  }
0x17d: {  	_ =	shalt  }

// kernel: kernel.7.cloned.1.call-start
scs
__scs_entry_jumppad:
0x0: {  	(pc) =	sbr.rel $0x88, $3  }
0x1: {  	(tag) =	ssettag $0x0;
	lr =	simm.s32 $0x1  }
0x2: {  	[smem:$0x3F93] =	sst lr;
	_ =	strace $0xD0000000  }
0x3: {  	_ = 	snop  }
0x4: {  	_ = 	snop  }
0x5: {  	_ = 	snop  }
0x6: {  	_ = 	snop  }
0x7: {  	_ = 	snop  }
__scs_overlays_trampoline_lowered:
0x8: {  	[smem:$0x3FA2] =	sst s0  }
0x9: {  	[smem:$0x3FA3] =	sst s1  }
0xa: {  	[smem:$0x3FA4] =	sst s2  }
0xb: {  	[smem:$0x3FA5] =	sst s3  }
0xc: {  	[smem:$0x3FA6] =	sst s4  }
0xd: {  	[smem:$0x3FA7] =	sst s5  }
0xe: {  	[smem:$0x3FA8] =	sst s6  }
0xf: {  	[smem:$0x3FA9] =	sst s7  }
0x10: {  	[smem:$0x3FAA] =	sst s8  }
0x11: {  	[smem:$0x3FAB] =	sst s9;
	s0 =	simm.s32 @!p0 $0x0  }
0x12: {  	s1 =	sld [smem:$0x3F91];
	s0 =	simm.s32 @p0 $0x1  }
0x13: {  	[smem:$0x3FAC] =	sst s0;
	s0 =	simm.s32 @!p1 $0x0  }
0x14: {  	s2 =	sld [smem:$0x3F90];
	s0 =	simm.s32 @p1 $0x1  }
0x15: {  	[smem:$0x3FAD] =	sst s0;
	s0 =	simm.s32 @!p2 $0x0  }
0x16: {  	s3 =	sld [smem:$0x3FDB];
	s0 =	simm.s32 @p2 $0x1  }
0x17: {  	s4 =	simm.s32 $0x1BF5;
	[smem:$0x3FAF] =	sst s0  }
0x18: {  	s0 =	sld [smem:$0x3F92];
	_ =	swait.ge [sflag:s4], $0x0  }
0x19: {  	s7 =	sld [smem:$0x3F93]  }
0x1a: {  	s8 =	sadd.s32 $0xFFFFE003, lr  }
0x1b: {  	s9 =	sadd.s32 $0xFFFFFEF7, lr;
	s5 =	simm.s32 $0xFFFFFFFF;
	p2 =	slt.u32 s8, $0xFFFFF086  }
0x1c: {  	p1 =	slt.u32 s9, $0xF7A;
	s5 =	simm.s32 @!p2 $0x0  }
0x1d: {  	s5 =	simm.s32 @p1 $0x1;
	p0 =	seq.s32 s7, s2  }
0x1e: {  	s7 =	smul.u32 @!p0 $0xF7A, s2;
	p2 =	seq.s32 @!p0 s5, $0x0  }
0x1f: {  	s9 =	smul.u32 $0xF7A, s1;
	s8 =	simm.s32 @!p0 $0x1BF5;
	p2 =	por !p2, p0  }
0x20: {  	[sflag:s8] =	ssyncset.s32 @!p0 $0xFFFFF086;
	s6 =	sadd.s32 @!p0 s3, s7;
	s7 =	simm.s32 @!p0 $0x108  }
0x21: {  	s3 =	sadd.s32 s3, s9;
	s6 =	sadd.s32 @!p0 $0x88, s6;
	s7 =	simm.s32 @p2 $0x1082  }
0x22: {  	[simem:s7], [sflag:s8] =	dma.local @!p0 [hbm:s6], $0xF7A  }
0x23: {  	s9 =	sor.u32 $0xD0000000, s2;
	s6 =	simm.s32 $0x108;
	_ =	swait.ge @!p0 [sflag:s8], $0x0  }
0x24: {  	s3 =	sadd.s32 $0x88, s3;
	s6 =	simm.s32 @!p1 $0x1082;
	[sflag:s4] =	ssyncset.s32 $0xFFFFF086  }
0x25: {  	[simem:s6], [sflag:s4] =	dma.local [hbm:s3], $0xF7A  }
0x26: {  	[smem:$0x3F93] =	sst s1;
	(tag) =	ssettag s2;
	_ =	strace s9  }
0x27: {  	s1 =	sld [smem:$0x3FA3]  }
0x28: {  	s2 =	sld [smem:$0x3FA4]  }
0x29: {  	s4 =	sld [smem:$0x3FA6]  }
0x2a: {  	p0 =	seq.s32 s5, $0x0;
	s5 =	sld [smem:$0x3FA7]  }
0x2b: {  	s6 =	sld [smem:$0x3FA8]  }
0x2c: {  	s7 =	sld [smem:$0x3FA9]  }
0x2d: {  	s3 =	simm.s32 $0x108;
	s8 =	sld [smem:$0x3FAA]  }
0x2e: {  	s3 =	simm.s32 @!p0 $0x1082;
	s9 =	sld [smem:$0x3FAB]  }
0x2f: {  	lr =	sadd.s32 s0, s3;
	s0 =	sld [smem:$0x3FA2]  }
0x30: {  	s3 =	sld [smem:$0x3FA5]  }
0x31: {  	[smem:$0x3FAE] =	sst s10  }
0x32: {  	s10 =	sld [smem:$0x3FAC];
	_ =	sdelay $0x3  }
0x33: {  	p0 =	seq.s32 s10, $0x1;
	s10 =	sld [smem:$0x3FAE];
	_ =	sdelay $0x3  }
0x34: {  	[smem:$0x3FAE] =	sst s10  }
0x35: {  	s10 =	sld [smem:$0x3FAD];
	_ =	sdelay $0x3  }
0x36: {  	p1 =	seq.s32 s10, $0x1;
	s10 =	sld [smem:$0x3FAE];
	_ =	sdelay $0x3  }
0x37: {  	[smem:$0x3FAE] =	sst s10  }
0x38: {  	s10 =	sld [smem:$0x3FAF]  }
0x39: {  	_ = 	snop;
	(pc) =	sbr.ind lr, $3  }
0x3a: {  	_ = 	snop  }
0x3b: {  	_ = 	snop  }
0x3c: {  	p2 =	seq.s32 s10, $0x1;
	s10 =	sld [smem:$0x3FAE]  }
0x3d: {  	_ =	shalt  }
0x3e: {  	_ =	shalt  }
0x3f: {  	_ =	shalt  }
0x40: {  	_ =	shalt  }
0x41: {  	_ =	shalt  }
0x42: {  	_ =	shalt  }
0x43: {  	_ =	shalt  }
0x44: {  	_ =	shalt  }
0x45: {  	_ =	shalt  }
0x46: {  	_ =	shalt  }
0x47: {  	_ =	shalt  }
0x48: {  	_ =	shalt  }
0x49: {  	_ =	shalt  }
0x4a: {  	_ =	shalt  }
0x4b: {  	_ =	shalt  }
0x4c: {  	_ =	shalt  }
0x4d: {  	_ =	shalt  }
0x4e: {  	_ =	shalt  }
0x4f: {  	_ =	shalt  }
0x50: {  	_ =	shalt  }
0x51: {  	_ =	shalt  }
0x52: {  	_ =	shalt  }
0x53: {  	_ =	shalt  }
0x54: {  	_ =	shalt  }
0x55: {  	_ =	shalt  }
0x56: {  	_ =	shalt  }
0x57: {  	_ =	shalt  }
0x58: {  	_ =	shalt  }
0x59: {  	_ =	shalt  }
0x5a: {  	_ =	shalt  }
0x5b: {  	_ =	shalt  }
0x5c: {  	_ =	shalt  }
0x5d: {  	_ =	shalt  }
0x5e: {  	_ =	shalt  }
0x5f: {  	_ =	shalt  }
0x60: {  	_ =	shalt  }
0x61: {  	_ =	shalt  }
0x62: {  	_ =	shalt  }
0x63: {  	_ =	shalt  }
0x64: {  	_ =	shalt  }
0x65: {  	_ =	shalt  }
0x66: {  	_ =	shalt  }
0x67: {  	_ =	shalt  }
0x68: {  	_ =	shalt  }
0x69: {  	_ =	shalt  }
0x6a: {  	_ =	shalt  }
0x6b: {  	_ =	shalt  }
0x6c: {  	_ =	shalt  }
0x6d: {  	_ =	shalt  }
0x6e: {  	_ =	shalt  }
0x6f: {  	_ =	shalt  }
0x70: {  	_ =	shalt  }
0x71: {  	_ =	shalt  }
0x72: {  	_ =	shalt  }
0x73: {  	_ =	shalt  }
0x74: {  	_ =	shalt  }
0x75: {  	_ =	shalt  }
0x76: {  	_ =	shalt  }
0x77: {  	_ =	shalt  }
0x78: {  	_ =	shalt  }
0x79: {  	_ =	shalt  }
0x7a: {  	_ =	shalt  }
0x7b: {  	_ =	shalt  }
0x7c: {  	_ =	shalt  }
0x7d: {  	_ =	shalt  }
0x7e: {  	_ =	shalt  }
0x7f: {  	_ =	shalt  }
0x80: {  	_ =	shalt  }
0x81: {  	_ =	shalt  }
0x82: {  	_ =	shalt  }
0x83: {  	_ =	shalt  }
0x84: {  	_ =	shalt  }
0x85: {  	_ =	shalt  }
0x86: {  	_ =	shalt  }
0x87: {  	_ =	shalt  }
.Lfunc_end0:
.L_simem_size_0:
called_computation_lowered:
.L_overlay_start_0:
0x88: {  	s2 =	sld [smem:$0x3FD9]  }
0x89: {  	s3 =	sld [smem:$0x3FFE];
	_ =	sdelay $0x1  }
0x8a: {  	s1 =	srdreg.scid  }
0x8b: {  	s0 =	sand.u32 $0x1, s1  }
0x8c: {  	s17 =	sshll.u32 s0, $0xA;
	s2 =	sadd.s32 s3, s2  }
0x8d: {  	s2 =	sadd.s32 s2, s17  }
0x8e: {  	[smem:$0x3FBA] =	sst s2  }
0x8f: {  	_ = 	snop  }
0x90: {  	s18 =	sld [smem:$0x3FD0];
	(tm) =	ssettm $0x1  }
0x91: {  	s19 =	sld [smem:$0x3FFB];
	_ =	sdelay $0x3  }
0x92: {  	_ =	strace s19  }
0x93: {  	s2 =	sld [smem:$0x3FFC];
	_ =	sdelay $0x3  }
0x94: {  	_ =	strace s2  }
0x95: {  	s2 =	sld [smem:$0x3FFD];
	_ =	sdelay $0x3  }
0x96: {  	_ =	strace s2  }
0x97: {  	_ =	strace $0x8FFFFFFF  }
0x98: {  	s20 =	sld [smem:$0x3FDB];
	_ =	sdelay $0x1  }
0x99: {  	s4 =	simm.s32 $_scs_section_size  }
0x9a: {  	s5 =	simm.s32 $_size__tile_overlayer_lowered;
	s6 =	simm.s32 $_tile_overlayer_lowered  }
0x9b: {  	s7 =	simm.s32 $0x1BFF;
	s21 =	sshll.u32 s6, $0x1;
	s4 =	sadd.s32 s4, s20  }
0x9c: {  	s22 =	simm.s32 $0x0;
	s5 =	sshll.u32 s5, $0x1;
	s6 =	sadd.s32 s21, s4  }
0x9d: {  	[timem:s22], [sflag:s7] =	dma.local [hbm:s6], s5  }
0x9e: {  	_ =	swait.ge [sflag:s7], s5  }
0x9f: {  	s5 =	ssub.s32 $0x0, s5;
	[sflag:s7] =	ssyncset.done $0x0  }
0xa0: {  	[sflag:s7] =	ssyncadd.s32 s5;
	_ =	sdelay $0x1  }
0xa1: {  	s23 =	simm.s32 $0x1B8B  }
0xa2: {  	_ =	swait.ge [sflag:s23], $0x1  }
0xa3: {  	[sflag:s23] =	ssyncset.done $0x0  }
0xa4: {  	[sflag:s23] =	ssyncadd.s32 $0xFFFFFFFF  }
0xa5: {  	s5 =	sld [smem:$0x0]  }
0xa6: {  	s6 =	sand.u32 $0xFFFFFFFE, s1  }
0xa7: {  	p0 =	sne.s32 s1, s6  }
0xa8: {  	s6 =	sshll.u32 @p0 s6, $0xE  }
0xa9: {  	s6 =	sadd.s32 @p0 $0x11B8D, s6;
	s7 =	sshll.u32 @p0 s5, $0x11  }
0xaa: {  	s6 =	sor.u32 @p0 s7, s6  }
0xab: {  	[sflag:s6] =	ssyncadd.remote.s32 @p0 $0x1;
	_ =	sdelay $0x1  }
0xac: {  	s6 =	simm.s32 @p0 $0x1B8D  }
0xad: {  	_ =	swait.eq @p0 [sflag:s6], $0x1  }
0xae: {  	[sflag:s6] =	ssyncadd.s32 @p0 $0xFFFFFFFF  }
0xaf: {  	s7 =	sshll.u32 @!p0 s1, $0xE  }
0xb0: {  	s7 =	sor.u32 @!p0 $0x4000, s7;
	s6 =	simm.s32 @!p0 $0x1B8D  }
0xb1: {  	s5 =	sshll.u32 @!p0 s5, $0x11;
	s7 =	sadd.s32 @!p0 $0x11B8D, s7;
	_ =	swait.eq @!p0 [sflag:s6], $0x1  }
0xb2: {  	s5 =	sor.u32 @!p0 s5, s7;
	[sflag:s6] =	ssyncadd.s32 @!p0 $0xFFFFFFFF  }
0xb3: {  	s25 =	simm.s32 $0x1B8E;
	s24 =	sld [smem:$0x3FFE];
	[sflag:s5] =	ssyncadd.remote.s32 @!p0 $0x1  }
0xb4: {  	s26 =	simm.s32 $execute0_lowered;
	[smem:$0x3FD2] =	sst s25  }
0xb5: {  	s6 =	sshll.u32 s26, $0x1;
	_ =	strace $0x80000049;
	[dreg:$0x1] =	wrdreg $0xFFFFFFFF  }
0xb6: {  	s28 =	simm.s32 $_size_execute0_lowered;
	s4 =	sadd.s32 s4, s6;
	[dreg:$0x0] =	wrdreg $0x0  }
0xb7: {  	s6 =	sshll.u32 s28, $0x1;
	[dreg:$0x2] =	wrdreg s4  }
0xb8: {  	[dreg:$0x3] =	wrdreg s6  }
0xb9: {  	[dreg:$0x4] =	wrdreg $0xC0  }
0xba: {  	_ =	task [dreg:s22], $0x5FFFF  }
0xbb: {  	[dreg:$0x1] =	wrdreg $0xFFFFFFFF  }
0xbc: {  	[dreg:$0x0] =	wrdreg $0x60  }
0xbd: {  	[dreg:$0x2] =	wrdreg s18  }
0xbe: {  	[dreg:$0x3] =	wrdreg s24  }
0xbf: {  	[dreg:$0x4] =	wrdreg $0x54000  }
0xc0: {  	[dreg:$0x5] =	wrdreg $0x9  }
0xc1: {  	_ =	task.clear_ibuf [dreg:s22], $0x6FFFF;
	_ =	strace $0x90000049  }
0xc2: {  	s29 =	simm.s32 $0x9;
	_ =	strace $0x8000004B  }
0xc3: {  	_ =	swait.ge [sflag:s29], $0x1  }
0xc4: {  	[sflag:s29] =	ssyncadd.s32 $0xFFFFFFFF  }
0xc5: {  	_ =	strace $0x9000004B  }
0xc6: {  	_ =	sfence  }
0xc7: {  	s30 =	sld [smem:$0x0];
	_ =	sdelay $0x2  }
0xc8: {  	s31 =	sshll.u32 s1, $0xD;
	s1 =	sshrl.u32 s1, $0x2  }
0xc9: {  	s4 =	sand.u32 $0x4000, s31;
	s1 =	sadd.s32 s1, s30  }
0xca: {  	s0 =	sor.u32 s4, s0;
	s1 =	sshll.u32 s1, $0x11  }
0xcb: {  	s0 =	sor.u32 s1, s0  }
0xcc: {  	s0 =	sadd.s32 $0x8F2B, s0  }
0xcd: {  	[sflag:s0] =	ssyncadd.remote.s32 $0x1  }
0xce: {  	_ =	sfence.sel $0xFFFF  }
0xcf: {  	[dreg:$0x0] =	wrdreg $0xFFFFFFFF;
	(pc) =	sbr.abs _section_cstart, $3  }
0xd0: {  	[dreg:$0x1] =	wrdreg $0xFFFFFFFF  }
0xd1: {  	_ =	task.clear_ibuf [dreg:s22], $0x2FFFF;
	_ =	strace $0x9FFFFFFF  }
0xd2: {  	(tm) =	ssettm $0x7FFFFFFF  }
0xd3: {  	_ =	shalt  }
tec
execute0_lowered:
.L_overlay_start_1:
0x0: {  	(tag) =	ssettag $0x1  }
0x1: {  	s10 =	rddreg [dreg:$0x0]  }
0x2: {  	s6 =	rddreg [dreg:$0x1]  }
0x3: {  	s2 =	rddreg [dreg:$0x2]  }
0x4: {  	s0 =	srdreg.scid;
	s1 =	rddreg [dreg:$0x3]  }
0x5: {  	s3 =	simm.s32 $0x0;
	s15 =	simm.s32 $0x80;
	s4 =	sand.u32 $0x1, s0  }
0x6: {  	s16 =	simm.s32 $0x100;
	s0 =	stileid.u32;
	s5 =	smul.u32 $0x13C000, s4  }
0x7: {  	s17 =	simm.s32 $0x1;
	s18 =	simm.s32 $0x0;
	s7 =	smul.u32 $0x13C00, s0  }
0x8: {  	[smem:$0x7FF] =	sst s3;
	s26 =	smul.u32 $0x4F000, s0;
	s28 =	sshll.u32 s4, $0x4  }
0x9: {  	_ =	strace $0x8000004A;
	s29 =	ssub.s32 $0x2, s4;
	s8 =	sor.u32 s0, s28  }
0xa: {  	s31 =	sshrl.u32 s29, $0x1;
	s5 =	sadd.s32 s7, s5;
	s9 =	smul.u32 $0x2800, s8  }
0xb: {  	s30 =	sshrl.u32 s26, $0x2;
	s12 =	ssub.s32 s29, s31;
	s13 =	smul.u32 $0x500, s8  }
0xc: {  	s5 =	sshrl.u32 s5, $0x3;
	s4 =	sadd.s32 s30, s2;
	s12 =	smax.u32 s12, $0x1  }
0xd: {  	s11 =	sadd.s32 s5, s6;
	s5 =	sadd.s32 $0x4000, s4;
	s6 =	sadd.s32 $0x8000, s4  }
0xe: {  	s7 =	sadd.s32 $0xC000, s4;
	s14 =	sshrl.u32 s9, $0x3;
	s8 =	sadd.s32 $0x10000, s4  }
0xf: {  	s9 =	sadd.s32 s10, s13;
	s13 =	simm.s32 $0x1400;
	s10 =	sadd.s32 s10, s14  }
0x10: {  	v0 =	vimm.f32 $0.0e+00;
	v1 =	vimm.f32 $1.000000000e+00;
	s11 =	sadd.s32 $0x5BE00, s11;
	s14 =	simm.s32 $0x2;
	s10 =	sadd.s32 $0x280, s10  }
.LBB2_1:
0x11: {  	s19 =	sand.u32 $0xFE00, s3  }
0x12: {  	s20 =	sand.u32 $0x70, s3;
	s21 =	sshrl.u32 s19, $0x2  }
0x13: {  	s19 =	simm.s32 $0x40;
	s21 =	sor.u32 s20, s21;
	s20 =	simm.s32 $0x0  }
.LBB2_2:
0x14: {  	p0 =	sne.s32 s19, $0xFFC0  }
0x15: {  	[tilespmem:s21+$0x1400] =	vst v0;
	s20 =	sadd.s32 $0x10, s20;
	s21 =	smov.u32 s19;
	s19 =	sadd.s32 $0x40, s19  }
.Ltmp0:
0x16: {  	(pc) =	sbr.rel @p0 .LBB2_2-.Ltmp0, $4  }
0x17: {  	_ = 	snop  }
0x18: {  	s21 =	sand.u32 $0xFE00, s21  }
0x19: {  	s22 =	sand.u32 $0x70, s20;
	s21 =	sshrl.u32 s21, $0x2  }
0x1a: {  	s21 =	sor.u32 s22, s21  }
0x1b: {  	[tilespmem:s21+$0x1400] =	vst v0  }
0x1c: {  	[spmem:s4] =	stream.linear.scatter [tilespmem:s13], [sflag:$0x2], $0x4000, $0x38;
	[tilespmem:$0x19000] =	vst v63  }
0x1d: {  	_ =	swait.ge [sflag:s14], $0x4000  }
0x1e: {  	[sflag:s14] =	ssyncset.done $0x0  }
0x1f: {  	[sflag:s14] =	ssyncadd.s32 $0xFFFFC000  }
0x20: {  	[spmem:s5] =	stream.linear.scatter [tilespmem:s13], [sflag:$0x2], $0x4000, $0x38;
	[tilespmem:$0x19000] =	vst v63  }
0x21: {  	_ =	swait.ge [sflag:s14], $0x4000  }
0x22: {  	[sflag:s14] =	ssyncset.done $0x0  }
0x23: {  	[sflag:s14] =	ssyncadd.s32 $0xFFFFC000  }
0x24: {  	[spmem:s6] =	stream.linear.scatter [tilespmem:s13], [sflag:$0x2], $0x4000, $0x38;
	[tilespmem:$0x19000] =	vst v63  }
0x25: {  	_ =	swait.ge [sflag:s14], $0x4000  }
0x26: {  	[sflag:s14] =	ssyncset.done $0x0  }
0x27: {  	[sflag:s14] =	ssyncadd.s32 $0xFFFFC000  }
0x28: {  	[spmem:s7] =	stream.linear.scatter [tilespmem:s13], [sflag:$0x2], $0x4000, $0x38;
	[tilespmem:$0x19000] =	vst v63  }
0x29: {  	_ =	swait.ge [sflag:s14], $0x4000  }
0x2a: {  	[sflag:s14] =	ssyncset.done $0x0  }
0x2b: {  	s19 =	simm.s32 $0x0;
	[sflag:s14] =	ssyncadd.s32 $0xFFFFC000  }
0x2c: {  	[spmem:s8] =	stream.linear.scatter [tilespmem:s13], [sflag:$0x2], $0x3C00, $0x38;
	[tilespmem:$0x19000] =	vst v63  }
0x2d: {  	s20 =	sand.u32 $0xFE00, s19;
	_ =	swait.ge [sflag:s14], $0x3C00  }
0x2e: {  	s31 =	sand.u32 $0x70, s19;
	s22 =	sshrl.u32 s20, $0x2;
	[sflag:s14] =	ssyncset.done $0x0  }
0x2f: {  	s20 =	simm.s32 $0x40;
	s21 =	sor.u32 s31, s22;
	[sflag:s14] =	ssyncadd.s32 $0xFFFFC400  }
.LBB2_4:
0x30: {  	p0 =	sne.s32 s20, $0xFFC0  }
0x31: {  	[tilespmem:s21+$0x1400] =	vst v1;
	s19 =	sadd.s32 $0x10, s19;
	s21 =	smov.u32 s20;
	s20 =	sadd.s32 $0x40, s20  }
.Ltmp1:
0x32: {  	(pc) =	sbr.rel @p0 .LBB2_4-.Ltmp1, $4  }
0x33: {  	_ = 	snop  }
0x34: {  	s21 =	sand.u32 $0xFE00, s21  }
0x35: {  	s22 =	sand.u32 $0x70, s19;
	s21 =	sshrl.u32 s21, $0x2  }
0x36: {  	s21 =	sor.u32 s22, s21  }
0x37: {  	[tilespmem:s21+$0x1400] =	vst v1  }
0x38: {  	[bflag:$0x0] =	sbarrier.arrive $0xFFFF  }
0x39: {  	[tilespmem:s3], [sflag:$0x2] =	stream.linear.gather [hbm4b:s9+s3], $0x1400, $0x38;
	[tilespmem:$0x19000] =	vst v63  }
0x3a: {  	_ =	swait.ge [sflag:s14], $0x1400  }
0x3b: {  	[sflag:s14] =	ssyncset.done $0x0  }
0x3c: {  	[sflag:s14] =	ssyncadd.s32 $0xFFFFEC00  }
0x3d: {  	[spmem:s2] =	stream.indirect.scatter.add.f32 [tilespmem:s13], [sflag:$0x1], $0x80, s3, s15, $0xb8;
	[tilespmem:$0x19000] =	vst v63  }
0x3e: {  	_ = 	snop  }
0x3f: {  	[spmem:s2] =	stream.indirect.scatter.add.f32 [tilespmem:s13], [sflag:$0x1], $0x80, s15, s15, $0xb8;
	[tilespmem:$0x19000] =	vst v63  }
0x40: {  	_ = 	snop  }
0x41: {  	[spmem:s2] =	stream.indirect.scatter.add.f32 [tilespmem:s13], [sflag:$0x1], $0x80, s16, s15, $0xb8;
	[tilespmem:$0x19000] =	vst v63  }
0x42: {  	s19 =	simm.s32 $0x180  }
0x43: {  	[spmem:s2] =	stream.indirect.scatter.add.f32 [tilespmem:s13], [sflag:$0x1], $0x80, s19, s15, $0xb8;
	[tilespmem:$0x19000] =	vst v63  }
0x44: {  	_ =	swait.ge [sflag:s17], $0x4000  }
0x45: {  	s19 =	simm.s32 $0x800;
	[sflag:s17] =	ssyncset.done $0x0  }
.LBB2_6:
0x46: {  	s20 =	sshra.s32 s19, $0x2;
	[sflag:s17] =	ssyncadd.s32 $0xFFFFC000;
	p0 =	sne.s32 s19, $0x4E00  }
0x47: {  	[spmem:s2] =	stream.indirect.scatter.add.f32 [tilespmem:s13], [sflag:$0x1], $0x80, s20, s15, $0xb8;
	[tilespmem:$0x19000] =	vst v63  }
.Ltmp2:
0x48: {  	_ = 	snop;
	(pc) =	sbr.rel @p0 .LBB2_6-.Ltmp2, $4  }
0x49: {  	_ = 	snop  }
0x4a: {  	s19 =	sadd.s32 $0x200, s19  }
0x4b: {  	_ =	swait.ge [sflag:s17], $0x4000  }
0x4c: {  	[sflag:s17] =	ssyncset.done $0x0  }
0x4d: {  	[sflag:s17] =	ssyncadd.s32 $0xFFFFC000  }
0x4e: {  	_ =	swait.ge [sflag:s17], $0x4000  }
0x4f: {  	[sflag:s17] =	ssyncset.done $0x0  }
0x50: {  	[sflag:s17] =	ssyncadd.s32 $0xFFFFC000  }
0x51: {  	_ =	swait.ge [sflag:s17], $0x4000  }
0x52: {  	[sflag:s17] =	ssyncset.done $0x0  }
0x53: {  	[sflag:s17] =	ssyncadd.s32 $0xFFFFC000  }
0x54: {  	_ =	swait.ge [sflag:s17], $0x4000  }
0x55: {  	[sflag:s17] =	ssyncset.done $0x0  }
0x56: {  	[sflag:s17] =	ssyncadd.s32 $0xFFFFC000  }
0x57: {  	[tilespmem:s3], [sflag:$0x2] =	stream.linear.gather [hbm4b:s10+s3], $0x1400, $0x38;
	[tilespmem:$0x19000] =	vst v63  }
0x58: {  	_ =	swait.ge [sflag:s14], $0x1400  }
0x59: {  	[sflag:s14] =	ssyncset.done $0x0  }
0x5a: {  	[sflag:s14] =	ssyncadd.s32 $0xFFFFEC00  }
0x5b: {  	[spmem:s2] =	stream.indirect.scatter.add.f32 [tilespmem:s13], [sflag:$0x1], $0x80, s3, s15, $0xb8;
	[tilespmem:$0x19000] =	vst v63  }
0x5c: {  	_ = 	snop  }
0x5d: {  	[spmem:s2] =	stream.indirect.scatter.add.f32 [tilespmem:s13], [sflag:$0x1], $0x80, s15, s15, $0xb8;
	[tilespmem:$0x19000] =	vst v63  }
0x5e: {  	_ = 	snop  }
0x5f: {  	[spmem:s2] =	stream.indirect.scatter.add.f32 [tilespmem:s13], [sflag:$0x1], $0x80, s16, s15, $0xb8;
	[tilespmem:$0x19000] =	vst v63  }
0x60: {  	s19 =	simm.s32 $0x180  }
0x61: {  	[spmem:s2] =	stream.indirect.scatter.add.f32 [tilespmem:s13], [sflag:$0x1], $0x80, s19, s15, $0xb8;
	[tilespmem:$0x19000] =	vst v63  }
0x62: {  	_ =	swait.ge [sflag:s17], $0x4000  }
0x63: {  	s19 =	simm.s32 $0x800;
	[sflag:s17] =	ssyncset.done $0x0  }
.LBB2_8:
0x64: {  	s20 =	sshra.s32 s19, $0x2;
	[sflag:s17] =	ssyncadd.s32 $0xFFFFC000;
	p0 =	sne.s32 s19, $0x4E00  }
0x65: {  	[spmem:s2] =	stream.indirect.scatter.add.f32 [tilespmem:s13], [sflag:$0x1], $0x80, s20, s15, $0xb8;
	[tilespmem:$0x19000] =	vst v63  }
.Ltmp3:
0x66: {  	_ = 	snop;
	(pc) =	sbr.rel @p0 .LBB2_8-.Ltmp3, $4  }
0x67: {  	_ = 	snop  }
0x68: {  	s19 =	sadd.s32 $0x200, s19  }
0x69: {  	_ =	swait.ge [sflag:s17], $0x4000  }
0x6a: {  	[sflag:s17] =	ssyncset.done $0x0  }
0x6b: {  	[sflag:s17] =	ssyncadd.s32 $0xFFFFC000  }
0x6c: {  	_ =	swait.ge [sflag:s17], $0x4000  }
0x6d: {  	[sflag:s17] =	ssyncset.done $0x0  }
0x6e: {  	[sflag:s17] =	ssyncadd.s32 $0xFFFFC000  }
0x6f: {  	_ =	swait.ge [sflag:s17], $0x4000  }
0x70: {  	[sflag:s17] =	ssyncset.done $0x0  }
0x71: {  	[sflag:s17] =	ssyncadd.s32 $0xFFFFC000  }
0x72: {  	_ =	swait.ge [sflag:s17], $0x4000  }
0x73: {  	s19 =	sshll.u32 s0, $0x6;
	s18 =	sadd.s32 $0x1, s18;
	[sflag:s17] =	ssyncset.done $0x0  }
0x74: {  	s20 =	sshrl.u32 s4, $0x3;
	p0 =	sne.s32 s18, s12;
	[sflag:s17] =	ssyncadd.s32 $0xFFFFC000  }
.Ltmp4:
0x75: {  	s19 =	sor.u32 $0x1C02, s19;
	[bflag:$0x0] =	sbarrier.arrive $0xFFFF;
	(pc) =	sbr.rel @p0 .LBB2_1-.Ltmp4, $4  }
0x76: {  	[hbm:s11], [sflag:s19] =	dma.local [spmem:s20], $0x2780  }
0x77: {  	_ =	swait.ge [sflag:s14], $0x2780  }
0x78: {  	[sflag:s14] =	ssyncset.done $0x0  }
0x79: {  	[sflag:s14] =	ssyncadd.s32 $0xFFFFD880  }
0x7a: {  	_ =	sfence.sel $0x180000  }
0x7b: {  	[bflag:$0x0] =	sbarrier.arrive $0xFFFF  }
0x7c: {  	p0 =	sne.s32 s0, $0x0;
	_ =	strace $0x9000004A  }
0x7d: {  	s0 =	sadd.s32 @!p0 $0x100000, s1;
	[bflag:$0x2] =	sbarrier.arrive $0xFFFF  }
0x7e: {  	[sflag:s0] =	ssyncadd.tile.s32 @!p0 $0x1;
	_ =	shalt  }
.Lfunc_end2:
_tile_overlayer_lowered:
.L_overlay_start_2:
0x7f: {  	(tag) =	ssettag $0x2  }
0x80: {  	s0 =	rddreg [dreg:$0x0];
	s2 =	stileid.u32  }
0x81: {  	s1 =	rddreg [dreg:$0x1];
	p0 =	sne.s32 s2, $0x0  }
0x82: {  	s3 =	rddreg [dreg:$0x2];
	[bflag:$0x3] =	sbarrier.arrive $0xFFFF;
	s2 =	simm.s32 @!p0 $0x1C02  }
0x83: {  	[timem:s3], [sflag:s2] =	dma.local @!p0 [hbm:s0], s1  }
0x84: {  	s0 =	simm.s32 @!p0 $0x2  }
0x85: {  	_ =	swait.ge @!p0 [sflag:s0], s1  }
0x86: {  	s1 =	ssub.s32 @!p0 $0x0, s1;
	[sflag:s0] =	ssyncset.done @!p0 $0x0  }
0x87: {  	[sflag:s0] =	ssyncadd.s32 @!p0 s1  }
0x88: {  	[bflag:$0x3] =	sbarrier.arrive $0xFFFF  }
0x89: {  	_ =	shalt  }

</sc_bundles>
